<compile_context>
chip_gen: v7x
topology: tpu7x:2x2x1
jax: 0.10.2.dev20260603
libtpu: 0.0.44.dev20260713+nightly
codegen_flags: <defaults>
</compile_context>

<pallas_src>
import functools

import jax
import jax.numpy as jnp
from jax.experimental import pallas as pl
from jax.experimental.pallas import tpu as pltpu
from jax.experimental.pallas import tpu_sc as plsc

B, T, D_IN = 16, 512, 1024
CD, CS, WS = 256, 1024, 128
TW = T // 2
H1 = 512
G3 = 3 * CD

_HI = jax.lax.Precision.HIGHEST
_INTERPRET = False


def _dot(a, b):
    return jax.lax.dot_general(a, b, (((1,), (0,)), ((), ())),
                               preferred_element_type=jnp.float32)


def _dotx(a, b):
    return jax.lax.dot_general(a, b, (((1,), (0,)), ((), ())),
                               precision=_HI, preferred_element_type=jnp.float32)


def _k1_body(feat_ref, w1t_ref, b1_ref, w2t_ref, b2_ref,
             cw0_ref, cw1_ref, cw2_ref, cb_ref, cbt_ref, cbz_ref,
             wcb_ref, wcbt_ref, awt_ref, ab_ref,
             idx_ref, widx_ref, feats_ref, commit_ref, align_ref,
             h2pad_ref):
    h2pad_ref[0:8, :] = jnp.zeros((8, CD), jnp.float32)
    h2pad_ref[520:528, :] = jnp.zeros((8, CD), jnp.float32)

    x = feat_ref[0]
    h1 = jnp.maximum(_dot(x, w1t_ref[...]) + b1_ref[...], 0.0)
    h2 = jnp.maximum(_dot(h1, w2t_ref[...]) + b2_ref[...], 0.0)
    h2pad_ref[8:520, :] = h2

    down = h2pad_ref[7:519, :]
    mid = h2pad_ref[8:520, :]
    up = h2pad_ref[9:521, :]
    feats = (_dot(down, cw0_ref[...]) + _dot(mid, cw1_ref[...])
             + _dot(up, cw2_ref[...]) + cbz_ref[...])
    feats_ref[0] = feats

    fsq = jnp.sum(feats * feats, axis=1, keepdims=True)
    dots = _dot(feats, cbt_ref[...])
    csq = jnp.sum(cbt_ref[...] * cbt_ref[...], axis=0, keepdims=True)
    d2 = (fsq - 2.0 * dots) + csq
    mind = jnp.min(d2, axis=1, keepdims=True)
    it = jax.lax.broadcasted_iota(jnp.int32, (T, CS), 1)
    idx = jnp.min(jnp.where(d2 == mind, it, CS), axis=1, keepdims=True)
    idx_ref[0] = idx
    commit_ref[0] = jnp.sum(mind, keepdims=True)

    onehot = jnp.where(it == idx, 1.0, 0.0)

    iw = jax.lax.broadcasted_iota(jnp.int32, (TW, T), 0)
    itt = jax.lax.broadcasted_iota(jnp.int32, (TW, T), 1)
    pmat = jnp.where((itt // 2) == iw, 0.5, 0.0)
    poh = _dot(pmat, onehot)
    wm = _dotx(poh, cb_ref[...])
    wsq = jnp.sum(wm * wm, axis=1, keepdims=True)
    wdots = _dot(wm, wcbt_ref[...])
    wcsq = jnp.sum(wcbt_ref[...] * wcbt_ref[...], axis=0, keepdims=True)
    d2w = (wsq - 2.0 * wdots) + wcsq
    wmind = jnp.min(d2w, axis=1, keepdims=True)
    itw = jax.lax.broadcasted_iota(jnp.int32, (TW, WS), 1)
    widx = jnp.min(jnp.where(d2w == wmind, itw, WS), axis=1, keepdims=True)
    widx_ref[0] = widx
    counts = jnp.sum(jnp.where(itw == widx, 1.0, 0.0), axis=0, keepdims=True)
    pdiff = _dot(wcb_ref[...], awt_ref[...]) + ab_ref[...] - wcb_ref[...]
    pe = jnp.sum(pdiff * pdiff, axis=1, keepdims=True)
    align_ref[0] = _dotx(counts, pe)


def _cbih_body(cb_ref, wihT_ref, bih_ref, out_ref):
    out_ref[...] = _dot(cb_ref[...], wihT_ref[...]) + bih_ref[...]


_SC_WIN = 128


def _sc_gather_rows(table, idx2):
    @pl.kernel(
        out_type=jax.ShapeDtypeStruct((B * T, CD), jnp.float32),
        mesh=plsc.VectorSubcoreMesh(core_axis_name="core",
                                    subcore_axis_name="subcore"),
    )
    def k(tbl_hbm, i_hbm, o_hbm):
        def body(i_vmem, o_vmem):
            pltpu.sync_copy(tbl_hbm.at[i_vmem.at[0]], o_vmem)

        pltpu.emit_pipeline(
            body,
            grid=(B * T // _SC_WIN,),
            in_specs=[pl.BlockSpec((1, _SC_WIN), index_map=lambda i: (0, i))],
            out_specs=[pl.BlockSpec((_SC_WIN, CD), index_map=lambda i: (i, 0))],
            core_axis_name="subcore",
            dimension_semantics=(pltpu.PARALLEL,),
        )(i_hbm, o_hbm)

    return k(table, idx2)


def _k2_body(gr_ref, gz_ref, gn_ref, feats_ref, whht_ref, ctx_ref):
    def step(t, carry):
        h, acc = carry
        d = h - feats_ref[t]
        acc = acc + jnp.where(t > 0, d * d, jnp.zeros((B, CD), jnp.float32))
        gh = _dot(h, whht_ref[...])
        r = jax.nn.sigmoid(gr_ref[t] + gh[:, 0:CD])
        z = jax.nn.sigmoid(gz_ref[t] + gh[:, CD:2 * CD])
        n = jnp.tanh(gn_ref[t] + r * gh[:, 2 * CD:])
        h_new = (1.0 - z) * n + z * h
        return h_new, acc

    h0 = jnp.zeros((B, CD), jnp.float32)
    h, acc = jax.lax.fori_loop(0, T - 1, step,
                               (h0, jnp.zeros((B, CD), jnp.float32)))
    d = h - feats_ref[T - 1]
    ctx_ref[...] = jnp.sum(acc + d * d, keepdims=True)


def kernel(features, fp_w1, fp_b1, fp_w2, fp_b2, conv_w, conv_b, codebook,
           gru_w_ih, gru_w_hh, gru_b_ih, gru_b_hh, word_codebook, align_w,
           align_b):
    f32 = jnp.float32
    w1t = fp_w1.T
    b1 = fp_b1.reshape(1, H1)
    w2t = fp_w2.T
    b2 = fp_b2.reshape(1, CD)
    cw0 = conv_w[:, :, 0].T
    cw1 = conv_w[:, :, 1].T
    cw2 = conv_w[:, :, 2].T
    cbz = conv_b.reshape(1, CD)
    cbt = codebook.T
    wcbt = word_codebook.T
    wihT = gru_w_ih.T
    whht = gru_w_hh.T
    bih = (gru_b_ih + gru_b_hh).reshape(1, G3)
    awt = align_w.T
    ab = align_b.reshape(1, CD)

    grid1 = (B,)
    out1 = (
        jax.ShapeDtypeStruct((B, T, 1), jnp.int32),
        jax.ShapeDtypeStruct((B, TW, 1), jnp.int32),
        jax.ShapeDtypeStruct((B, T, CD), f32),
        jax.ShapeDtypeStruct((B, 1, 1), f32),
        jax.ShapeDtypeStruct((B, 1, 1), f32),
    )
    in_specs1 = [
        pl.BlockSpec((1, T, D_IN), lambda b: (b, 0, 0)),
        pl.BlockSpec((D_IN, H1), lambda b: (0, 0)),
        pl.BlockSpec((1, H1), lambda b: (0, 0)),
        pl.BlockSpec((H1, CD), lambda b: (0, 0)),
        pl.BlockSpec((1, CD), lambda b: (0, 0)),
        pl.BlockSpec((CD, CD), lambda b: (0, 0)),
        pl.BlockSpec((CD, CD), lambda b: (0, 0)),
        pl.BlockSpec((CD, CD), lambda b: (0, 0)),
        pl.BlockSpec((CS, CD), lambda b: (0, 0)),
        pl.BlockSpec((CD, CS), lambda b: (0, 0)),
        pl.BlockSpec((1, CD), lambda b: (0, 0)),
        pl.BlockSpec((WS, CD), lambda b: (0, 0)),
        pl.BlockSpec((CD, WS), lambda b: (0, 0)),
        pl.BlockSpec((CD, CD), lambda b: (0, 0)),
        pl.BlockSpec((1, CD), lambda b: (0, 0)),
    ]
    out_specs1 = (
        pl.BlockSpec((1, T, 1), lambda b: (b, 0, 0)),
        pl.BlockSpec((1, TW, 1), lambda b: (b, 0, 0)),
        pl.BlockSpec((1, T, CD), lambda b: (b, 0, 0)),
        pl.BlockSpec((1, 1, 1), lambda b: (b, 0, 0)),
        pl.BlockSpec((1, 1, 1), lambda b: (b, 0, 0)),
    )
    idx3, widx3, feats, commit_s, align_s = pl.pallas_call(
        _k1_body,
        grid=grid1,
        in_specs=in_specs1,
        out_specs=out_specs1,
        out_shape=out1,
        scratch_shapes=[pltpu.VMEM((528, CD), f32)],
        compiler_params=pltpu.CompilerParams(
            dimension_semantics=("parallel",)),
        interpret=_INTERPRET,
    )(features, w1t, b1, w2t, b2, cw0, cw1, cw2, codebook, cbt, cbz,
      word_codebook, wcbt, awt, ab)

    cb_ih = pl.pallas_call(
        _cbih_body,
        out_shape=jax.ShapeDtypeStruct((CS, G3), f32),
        interpret=_INTERPRET,
    )(codebook, wihT, bih)
    idx_t = idx3[:, :, 0].T.reshape(1, B * T)
    gr = _sc_gather_rows(cb_ih[:, 0:CD], idx_t).reshape(T, B, CD)
    gz = _sc_gather_rows(cb_ih[:, CD:2 * CD], idx_t).reshape(T, B, CD)
    gn = _sc_gather_rows(cb_ih[:, 2 * CD:], idx_t).reshape(T, B, CD)

    feats_t = jnp.transpose(feats, (1, 0, 2))
    ctx_s = pl.pallas_call(
        _k2_body,
        in_specs=[
            pl.BlockSpec((T, B, CD), lambda: (0, 0, 0)),
            pl.BlockSpec((T, B, CD), lambda: (0, 0, 0)),
            pl.BlockSpec((T, B, CD), lambda: (0, 0, 0)),
            pl.BlockSpec((T, B, CD), lambda: (0, 0, 0)),
            pl.BlockSpec((CD, G3), lambda: (0, 0)),
        ],
        out_specs=pl.BlockSpec((1, 1), lambda: (0, 0)),
        out_shape=jax.ShapeDtypeStruct((1, 1), f32),
        interpret=_INTERPRET,
    )(gr, gz, gn, feats_t, whht)

    token_indices = idx3[:, :, 0]
    widx = widx3[:, :, 0]
    commitment_loss = jnp.sum(commit_s) / (B * T * CD)
    codebook_loss = commitment_loss
    context_loss = ctx_s[0, 0] / (B * (T - 1) * CD)
    vq_loss = commitment_loss + 0.25 * codebook_loss + 0.1 * context_loss
    alignment_loss = jnp.sum(align_s) / (B * TW * CD)
    total_loss = vq_loss + alignment_loss * 0.1
    return (widx, token_indices, commitment_loss, codebook_loss, context_loss,
            vq_loss, alignment_loss, total_loss)

# --- scband reference (transcript-rebuilt; emitter-appended) ---
"""Pipeline reference for scband-sign-llmfeatures-55989193671251 (READ-ONLY COPY).

The authoritative reference and input builder live on the scoring server;
editing this copy changes nothing except your own understanding.
"""

import jax, jax.numpy as jnp
import numpy as np

B, T, D_IN = 16, 512, 1024
CD, CS, WS = 256, 1024, 128
LAMBDA_MMD = 0.1


def _mse(a, b):
    return jnp.mean((a - b) ** 2)


def _gru(x, w_ih, w_hh, b_ih, b_hh):
    Bb = x.shape[0]
    H = w_hh.shape[1]

    def step(h, xt):
        gi = xt @ w_ih.T + b_ih
        gh = h @ w_hh.T + b_hh
        i_r, i_z, i_n = jnp.split(gi, 3, axis=-1)
        h_r, h_z, h_n = jnp.split(gh, 3, axis=-1)
        r = jax.nn.sigmoid(i_r + h_r)
        z = jax.nn.sigmoid(i_z + h_z)
        n = jnp.tanh(i_n + r * h_n)
        h_new = (1.0 - z) * n + z * h
        return h_new, h_new

    h0 = jnp.zeros((Bb, H), dtype=x.dtype)
    _, ys = jax.lax.scan(step, h0, jnp.transpose(x, (1, 0, 2)))
    return jnp.transpose(ys, (1, 0, 2))


def setup_inputs(seed: int = 0):
    key = jax.random.key(seed)
    ks = jax.random.split(key, 16)
    s = 0.02
    inp = {}
    inp['features'] = jax.random.normal(ks[0], (B, T, D_IN), dtype=jnp.float32)
    inp['fp_w1'] = jax.random.normal(ks[1], (512, D_IN), dtype=jnp.float32) * s
    inp['fp_b1'] = jnp.zeros((512,), dtype=jnp.float32)
    inp['fp_w2'] = jax.random.normal(ks[2], (CD, 512), dtype=jnp.float32) * s
    inp['fp_b2'] = jnp.zeros((CD,), dtype=jnp.float32)
    inp['conv_w'] = jax.random.normal(ks[3], (CD, CD, 3), dtype=jnp.float32) * s
    inp['conv_b'] = jnp.zeros((CD,), dtype=jnp.float32)
    inp['codebook'] = jax.random.uniform(ks[4], (CS, CD), dtype=jnp.float32, minval=-1.0 / CS, maxval=1.0 / CS)
    inp['gru_w_ih'] = jax.random.normal(ks[5], (3 * CD, CD), dtype=jnp.float32) * s
    inp['gru_w_hh'] = jax.random.normal(ks[6], (3 * CD, CD), dtype=jnp.float32) * s
    inp['gru_b_ih'] = jnp.zeros((3 * CD,), dtype=jnp.float32)
    inp['gru_b_hh'] = jnp.zeros((3 * CD,), dtype=jnp.float32)
    inp['word_codebook'] = jax.random.uniform(ks[7], (WS, CD), dtype=jnp.float32, minval=-1.0 / WS, maxval=1.0 / WS)
    inp['align_w'] = jax.random.normal(ks[8], (CD, CD), dtype=jnp.float32) * s
    inp['align_b'] = jnp.zeros((CD,), dtype=jnp.float32)
    return inp


def reference(features, fp_w1, fp_b1, fp_w2, fp_b2, conv_w, conv_b, codebook, gru_w_ih, gru_w_hh, gru_b_ih, gru_b_hh, word_codebook, align_w, align_b):
    Bb, Tt, _ = features.shape
    # VQSignFeatures.process_features (dropout is identity in eval)
    h = jnp.maximum(features @ fp_w1.T + fp_b1, 0.0)
    h = jnp.maximum(h @ fp_w2.T + fp_b2, 0.0)
    x = jnp.transpose(h, (0, 2, 1))
    x = jax.lax.conv_general_dilated(x, conv_w, window_strides=(1,), padding=[(1, 1)], dimension_numbers=('NCH', 'OIH', 'NCH')) + conv_b[None, :, None]
    feats = jnp.transpose(x, (0, 2, 1))
    # quantize: nearest codebook entry (euclidean)
    flat = feats.reshape(-1, CD)
    d2 = jnp.sum(flat * flat, axis=1, keepdims=True) - 2.0 * (flat @ codebook.T) + jnp.sum(codebook * codebook, axis=1)[None, :]
    idx = jnp.argmin(d2, axis=-1)
    quant = jnp.take(codebook, idx, axis=0).reshape(feats.shape)
    token_indices = idx.reshape(Bb, Tt)
    commitment_loss = _mse(feats, jax.lax.stop_gradient(quant))
    codebook_loss = _mse(quant, jax.lax.stop_gradient(feats))
    ctx = _gru(quant[:, :-1], gru_w_ih, gru_w_hh, gru_b_ih, gru_b_hh)
    context_loss = _mse(ctx, feats[:, 1:])
    vq_loss = commitment_loss + 0.25 * codebook_loss + 0.1 * context_loss
    # SimpleCRAFeatures.group_characters: groups of 2 consecutive quantized embeddings
    Tw = Tt // 2
    word_mean = quant[:, :Tw * 2].reshape(Bb, Tw, 2, CD).mean(axis=2)
    flat_w = word_mean.reshape(-1, CD)
    d2w = jnp.sum(flat_w * flat_w, axis=1, keepdims=True) - 2.0 * (flat_w @ word_codebook.T) + jnp.sum(word_codebook * word_codebook, axis=1)[None, :]
    widx = jnp.argmin(d2w, axis=-1)
    words = jnp.take(word_codebook, widx, axis=0)
    projected = words @ align_w.T + align_b
    alignment_loss = _mse(projected, jax.lax.stop_gradient(words))
    total_loss = vq_loss + alignment_loss * LAMBDA_MMD
    return (widx.reshape(Bb, Tw), token_indices, commitment_loss, codebook_loss, context_loss, vq_loss, alignment_loss, total_loss)

if __name__ == "__main__":
    import jax
    _d = setup_inputs()
    print(jax.jit(kernel)(*tuple(_d.values())))

</pallas_src>

<mosaic_0001>
#map = affine_map<(d0, d1) -> (0, 0)>
module attributes {stable_mosaic.version = 14 : i64} {
  func.func @k(%arg0: i32, %arg1: i32, %arg2: memref<1024x256xf32, #tpu.memory_space<hbm>>, %arg3: memref<1x8192xi32, #tpu.memory_space<hbm>>, %arg4: memref<8192x256xf32, #tpu.memory_space<hbm>>) attributes {dimension_semantics = [#tpu.dimension_semantics<core_parallel>, #tpu.dimension_semantics<subcore_parallel>], iteration_bounds = array<i64: 2, 16>, scalar_prefetch = 0 : i64, scratch_operands = 0 : i64, tpu.core_type = #tpu.core_type<sc_vector_subcore>, window_params = [{transform_indices = #map}, {transform_indices = #map}, {transform_indices = #map}]} {
    %mul3A = arith.constant 4 : i32
    %mul3A_0 = arith.muli %arg1, %mul3A : i32
    "tpu.region"() ({
      %run_scoped3A = memref.alloca() : memref<2x1x128xi32, #tpu.memory_space<vmem>>
      %run_scoped3A_1 = tpu.sem_alloc : memref<2x!tpu.dma_semaphore, #tpu.memory_space<semaphore_mem>>
      %run_scoped3A_2 = memref.alloca() : memref<2x128x256xf32, #tpu.memory_space<vmem>>
      %run_scoped3A_3 = tpu.sem_alloc : memref<2x!tpu.dma_semaphore, #tpu.memory_space<semaphore_mem>>
      %add3A = arith.constant 0 : i32
      %add3A_4 = arith.addi %add3A, %mul3A_0 : i32
      %select_n3A = arith.constant true
      %select_n3A_5 = arith.constant 0 : i32
      %select_n3A_6 = arith.constant -1 : i32
      %select_n3A_7 = arith.select %select_n3A, %select_n3A_6, %select_n3A_5 : i32
      %eq3A = arith.constant -1 : i32
      %eq3A_8 = arith.cmpi eq, %select_n3A_7, %eq3A : i32
      %select_n3A_9 = arith.constant 3 : i32
      %select_n3A_10 = arith.select %eq3A_8, %select_n3A_9, %select_n3A_7 : i32
      %add3A_11 = arith.addi %select_n3A_10, %mul3A_0 : i32
      %select_n3A_12 = arith.constant true
      %select_n3A_13 = arith.constant 0 : i32
      %select_n3A_14 = arith.constant 1 : i32
      %select_n3A_15 = arith.select %select_n3A_12, %select_n3A_14, %select_n3A_13 : i32
      %eq3A_16 = arith.constant 4 : i32
      %eq3A_17 = arith.cmpi eq, %select_n3A_15, %eq3A_16 : i32
      %select_n3A_18 = arith.constant 0 : i32
      %select_n3A_19 = arith.select %eq3A_17, %select_n3A_18, %select_n3A_15 : i32
      %add3A_20 = arith.addi %select_n3A_19, %mul3A_0 : i32
      %add3A_21 = arith.constant 1 : i32
      %add3A_22 = arith.addi %select_n3A_19, %add3A_21 : i32
      %select_n3A_23 = arith.constant true
      %select_n3A_24 = arith.select %select_n3A_23, %add3A_22, %select_n3A_19 : i32
      %eq3A_25 = arith.constant 4 : i32
      %eq3A_26 = arith.cmpi eq, %select_n3A_24, %eq3A_25 : i32
      %select_n3A_27 = arith.constant 0 : i32
      %select_n3A_28 = arith.select %eq3A_26, %select_n3A_27, %select_n3A_24 : i32
      %add3A_29 = arith.addi %select_n3A_28, %mul3A_0 : i32
      "tpu.trace_start"() <{level = 10 : i32, message = "ep_initialize_0"}> : () -> ()
      %rem3A = arith.constant 0 : i32
      %rem3A_30 = arith.constant 2 : i32
      %rem3A_31 = arith.remui %rem3A, %rem3A_30 : i32
      %mul3A_32 = arith.constant 128 : i32
      %mul3A_33 = arith.muli %mul3A_32, %add3A_4 : i32
      %dma_start3A = arith.constant 0 : i32
      %dma_start3A_34 = arith.constant 0 : i32
      %dma_start3A_35 = tpu.memref_slice %run_scoped3A[%rem3A_31, %dma_start3A, %dma_start3A_34] : memref<2x1x128xi32, #tpu.memory_space<vmem>> -> memref<1x1x128xi32, #tpu.memory_space<vmem>>
      %dma_start3A_36 = tpu.memref_squeeze %dma_start3A_35 : memref<1x1x128xi32, #tpu.memory_space<vmem>> -> memref<1x128xi32, #tpu.memory_space<vmem>>
      %dma_start3A_37 = arith.constant 0 : i32
      %dma_start3A_38 = tpu.memref_slice %arg3[%dma_start3A_37, %mul3A_33] : memref<1x8192xi32, #tpu.memory_space<hbm>> -> memref<1x128xi32, #tpu.memory_space<hbm>>
      %dma_start3A_39 = tpu.memref_slice %run_scoped3A_1[%rem3A_31] : memref<2x!tpu.dma_semaphore, #tpu.memory_space<semaphore_mem>> -> memref<1x!tpu.dma_semaphore, #tpu.memory_space<semaphore_mem>>
      %dma_start3A_40 = tpu.memref_squeeze %dma_start3A_39 : memref<1x!tpu.dma_semaphore, #tpu.memory_space<semaphore_mem>> -> memref<!tpu.dma_semaphore, #tpu.memory_space<semaphore_mem>>
      %dma_start3A_41 = arith.constant 0 : i32
      %dma_start3A_42 = arith.constant 0 : i32
      %dma_start3A_43 = tpu.memref_slice %run_scoped3A[%rem3A_31, %dma_start3A_41, %dma_start3A_42] : memref<2x1x128xi32, #tpu.memory_space<vmem>> -> memref<1x1x128xi32, #tpu.memory_space<vmem>>
      %dma_start3A_44 = tpu.memref_squeeze %dma_start3A_43 : memref<1x1x128xi32, #tpu.memory_space<vmem>> -> memref<1x128xi32, #tpu.memory_space<vmem>>
      %dma_start3A_45 = arith.constant 0 : i32
      %dma_start3A_46 = tpu.memref_slice %arg3[%dma_start3A_45, %mul3A_33] : memref<1x8192xi32, #tpu.memory_space<hbm>> -> memref<1x128xi32, #tpu.memory_space<hbm>>
      tpu.enqueue_dma source(%dma_start3A_46 : memref<1x128xi32, #tpu.memory_space<hbm>>) target(%dma_start3A_44 : memref<1x128xi32, #tpu.memory_space<vmem>>) target_semaphore(%dma_start3A_40 : memref<!tpu.dma_semaphore, #tpu.memory_space<semaphore_mem>>)
      %add3A_47 = arith.constant 0 : i32
      %add3A_48 = arith.constant 1 : i32
      %add3A_49 = arith.addi %add3A_47, %add3A_48 : i32
      %select_n3A_50 = arith.constant true
      %select_n3A_51 = arith.constant 0 : i32
      %select_n3A_52 = arith.select %select_n3A_50, %add3A_49, %select_n3A_51 : i32
      "tpu.trace_stop"() : () -> ()
      %scan3A = arith.constant 0 : i32
      %scan3A_53 = arith.constant 0 : i32
      %scan3A_54 = arith.constant 0 : i32
      %scan3A_55 = arith.constant 0 : i32
      %scan3A_56 = arith.constant 0 : i32
      %scan3A_57 = arith.constant 4 : i32
      %scan3A_58 = arith.addi %scan3A_56, %scan3A_57 : i32
      %scan3A_59 = arith.constant 1 : i32
      %scan3A_60:5 = scf.for %scan3A_114 = %scan3A_56 to %scan3A_58 step %scan3A_59 iter_args(%scan3A_115 = %select_n3A_52, %scan3A_116 = %scan3A, %scan3A_117 = %scan3A_53, %scan3A_118 = %scan3A_54, %scan3A_119 = %scan3A_55) -> (i32, i32, i32, i32, i32)  : i32 {
        %eq3A_120 = arith.constant 0 : i32
        %eq3A_121 = arith.cmpi eq, %scan3A_114, %eq3A_120 : i32
        %eq3A_122 = arith.constant 3 : i32
        %eq3A_123 = arith.cmpi eq, %scan3A_114, %eq3A_122 : i32
        %add3A_124 = arith.addi %scan3A_119, %mul3A_0 : i32
        %sub3A_125 = arith.constant 1 : i32
        %sub3A_126 = arith.subi %scan3A_119, %sub3A_125 : i32
        %select_n3A_127 = arith.constant true
        %select_n3A_128 = arith.select %select_n3A_127, %sub3A_126, %scan3A_119 : i32
        %eq3A_129 = arith.constant -1 : i32
        %eq3A_130 = arith.cmpi eq, %select_n3A_128, %eq3A_129 : i32
        %select_n3A_131 = arith.constant 3 : i32
        %select_n3A_132 = arith.select %eq3A_130, %select_n3A_131, %select_n3A_128 : i32
        %add3A_133 = arith.addi %select_n3A_132, %mul3A_0 : i32
        %add3A_134 = arith.constant 1 : i32
        %add3A_135 = arith.addi %scan3A_119, %add3A_134 : i32
        %select_n3A_136 = arith.constant true
        %select_n3A_137 = arith.select %select_n3A_136, %add3A_135, %scan3A_119 : i32
        %eq3A_138 = arith.constant 4 : i32
        %eq3A_139 = arith.cmpi eq, %select_n3A_137, %eq3A_138 : i32
        %select_n3A_140 = arith.constant 0 : i32
        %select_n3A_141 = arith.select %eq3A_139, %select_n3A_140, %select_n3A_137 : i32
        %add3A_142 = arith.addi %select_n3A_141, %mul3A_0 : i32
        %add3A_143 = arith.constant 1 : i32
        %add3A_144 = arith.addi %select_n3A_141, %add3A_143 : i32
        %select_n3A_145 = arith.constant true
        %select_n3A_146 = arith.select %select_n3A_145, %add3A_144, %select_n3A_141 : i32
        %eq3A_147 = arith.constant 4 : i32
        %eq3A_148 = arith.cmpi eq, %select_n3A_146, %eq3A_147 : i32
        %select_n3A_149 = arith.constant 0 : i32
        %select_n3A_150 = arith.select %eq3A_148, %select_n3A_149, %select_n3A_146 : i32
        %add3A_151 = arith.addi %select_n3A_150, %mul3A_0 : i32
        %ne3A = arith.cmpi ne, %add3A_124, %add3A_142 : i32
        %or3A = arith.constant false
        %or3A_152 = arith.ori %or3A, %ne3A : i1
        %ge3A = arith.constant 3 : i32
        %ge3A_153 = arith.cmpi sge, %scan3A_114, %ge3A : i32
        %not3A = arith.constant true
        %not3A_154 = arith.xori %ge3A_153, %not3A : i1
        %and3A = arith.andi %or3A_152, %not3A_154 : i1
        %convert_element_type3A = arith.extui %and3A : i1 to i32
        %cond3A = arith.constant 0 : i32
        %cond3A_155 = arith.cmpi ne, %convert_element_type3A, %cond3A : i32
        scf.if %cond3A_155 {
          "tpu.trace_start"() <{level = 10 : i32, message = "ep_copy_in"}> : () -> ()
          %rem3A_257 = arith.constant 2 : i32
          %rem3A_258 = arith.remui %scan3A_115, %rem3A_257 : i32
          %mul3A_259 = arith.constant 128 : i32
          %mul3A_260 = arith.muli %mul3A_259, %add3A_142 : i32
          %dma_start3A_261 = arith.constant 0 : i32
          %dma_start3A_262 = arith.constant 0 : i32
          %dma_start3A_263 = tpu.memref_slice %run_scoped3A[%rem3A_258, %dma_start3A_261, %dma_start3A_262] : memref<2x1x128xi32, #tpu.memory_space<vmem>> -> memref<1x1x128xi32, #tpu.memory_space<vmem>>
          %dma_start3A_264 = tpu.memref_squeeze %dma_start3A_263 : memref<1x1x128xi32, #tpu.memory_space<vmem>> -> memref<1x128xi32, #tpu.memory_space<vmem>>
          %dma_start3A_265 = arith.constant 0 : i32
          %dma_start3A_266 = tpu.memref_slice %arg3[%dma_start3A_265, %mul3A_260] : memref<1x8192xi32, #tpu.memory_space<hbm>> -> memref<1x128xi32, #tpu.memory_space<hbm>>
          %dma_start3A_267 = tpu.memref_slice %run_scoped3A_1[%rem3A_258] : memref<2x!tpu.dma_semaphore, #tpu.memory_space<semaphore_mem>> -> memref<1x!tpu.dma_semaphore, #tpu.memory_space<semaphore_mem>>
          %dma_start3A_268 = tpu.memref_squeeze %dma_start3A_267 : memref<1x!tpu.dma_semaphore, #tpu.memory_space<semaphore_mem>> -> memref<!tpu.dma_semaphore, #tpu.memory_space<semaphore_mem>>
          %dma_start3A_269 = arith.constant 0 : i32
          %dma_start3A_270 = arith.constant 0 : i32
          %dma_start3A_271 = tpu.memref_slice %run_scoped3A[%rem3A_258, %dma_start3A_269, %dma_start3A_270] : memref<2x1x128xi32, #tpu.memory_space<vmem>> -> memref<1x1x128xi32, #tpu.memory_space<vmem>>
          %dma_start3A_272 = tpu.memref_squeeze %dma_start3A_271 : memref<1x1x128xi32, #tpu.memory_space<vmem>> -> memref<1x128xi32, #tpu.memory_space<vmem>>
          %dma_start3A_273 = arith.constant 0 : i32
          %dma_start3A_274 = tpu.memref_slice %arg3[%dma_start3A_273, %mul3A_260] : memref<1x8192xi32, #tpu.memory_space<hbm>> -> memref<1x128xi32, #tpu.memory_space<hbm>>
          tpu.enqueue_dma source(%dma_start3A_274 : memref<1x128xi32, #tpu.memory_space<hbm>>) target(%dma_start3A_272 : memref<1x128xi32, #tpu.memory_space<vmem>>) target_semaphore(%dma_start3A_268 : memref<!tpu.dma_semaphore, #tpu.memory_space<semaphore_mem>>)
          "tpu.trace_stop"() : () -> ()
        } else {
        }
        %and3A_156 = arith.constant true
        %and3A_157 = arith.andi %and3A, %and3A_156 : i1
        %add3A_158 = arith.constant 1 : i32
        %add3A_159 = arith.addi %scan3A_115, %add3A_158 : i32
        %select_n3A_160 = arith.select %and3A_157, %add3A_159, %scan3A_115 : i32
        %ne3A_161 = arith.cmpi ne, %add3A_124, %add3A_142 : i32
        %or3A_162 = arith.constant false
        %or3A_163 = arith.ori %or3A_162, %ne3A_161 : i1
        %or3A_164 = arith.constant false
        %or3A_165 = arith.ori %or3A_163, %or3A_164 : i1
        %ge3A_166 = arith.constant 3 : i32
        %ge3A_167 = arith.cmpi sge, %scan3A_114, %ge3A_166 : i32
        %not3A_168 = arith.constant true
        %not3A_169 = arith.xori %ge3A_167, %not3A_168 : i1
        %and3A_170 = arith.andi %or3A_165, %not3A_169 : i1
        %ne3A_171 = arith.cmpi ne, %add3A_124, %add3A_133 : i32
        %or3A_172 = arith.constant false
        %or3A_173 = arith.ori %or3A_172, %ne3A_171 : i1
        %or3A_174 = arith.ori %or3A_173, %eq3A_121 : i1
        %convert_element_type3A_175 = arith.extui %or3A_174 : i1 to i32
        %cond3A_176 = arith.constant 0 : i32
        %cond3A_177 = arith.cmpi ne, %convert_element_type3A_175, %cond3A_176 : i32
        scf.if %cond3A_177 {
          "tpu.trace_start"() <{level = 10 : i32, message = "ep_wait_in"}> : () -> ()
          %mul3A_257 = arith.constant 128 : i32
          %mul3A_258 = arith.muli %mul3A_257, %add3A_124 : i32
          %rem3A_259 = arith.constant 2 : i32
          %rem3A_260 = arith.remui %scan3A_116, %rem3A_259 : i32
          %dma_wait3A_261 = arith.constant 0 : i32
          %dma_wait3A_262 = arith.constant 0 : i32
          %dma_wait3A_263 = tpu.memref_slice %run_scoped3A[%rem3A_260, %dma_wait3A_261, %dma_wait3A_262] : memref<2x1x128xi32, #tpu.memory_space<vmem>> -> memref<1x1x128xi32, #tpu.memory_space<vmem>>
          %dma_wait3A_264 = tpu.memref_squeeze %dma_wait3A_263 : memref<1x1x128xi32, #tpu.memory_space<vmem>> -> memref<1x128xi32, #tpu.memory_space<vmem>>
          %dma_wait3A_265 = arith.constant 0 : i32
          %dma_wait3A_266 = tpu.memref_slice %arg3[%dma_wait3A_265, %mul3A_258] : memref<1x8192xi32, #tpu.memory_space<hbm>> -> memref<1x128xi32, #tpu.memory_space<hbm>>
          %dma_wait3A_267 = tpu.memref_slice %run_scoped3A_1[%rem3A_260] : memref<2x!tpu.dma_semaphore, #tpu.memory_space<semaphore_mem>> -> memref<1x!tpu.dma_semaphore, #tpu.memory_space<semaphore_mem>>
          %dma_wait3A_268 = tpu.memref_squeeze %dma_wait3A_267 : memref<1x!tpu.dma_semaphore, #tpu.memory_space<semaphore_mem>> -> memref<!tpu.dma_semaphore, #tpu.memory_space<semaphore_mem>>
          %dma_wait3A_269 = arith.constant 0 : i32
          %dma_wait3A_270 = arith.constant 0 : i32
          %dma_wait3A_271 = tpu.memref_slice %run_scoped3A[%rem3A_260, %dma_wait3A_269, %dma_wait3A_270] : memref<2x1x128xi32, #tpu.memory_space<vmem>> -> memref<1x1x128xi32, #tpu.memory_space<vmem>>
          %dma_wait3A_272 = tpu.memref_squeeze %dma_wait3A_271 : memref<1x1x128xi32, #tpu.memory_space<vmem>> -> memref<1x128xi32, #tpu.memory_space<vmem>>
          %dma_wait3A_273 = arith.constant 0 : i32
          %dma_wait3A_274 = tpu.memref_slice %arg3[%dma_wait3A_273, %mul3A_258] : memref<1x8192xi32, #tpu.memory_space<hbm>> -> memref<1x128xi32, #tpu.memory_space<hbm>>
          tpu.wait_dma2 semaphore(%dma_wait3A_268 : memref<!tpu.dma_semaphore, #tpu.memory_space<semaphore_mem>>) src(%dma_wait3A_274 : memref<1x128xi32, #tpu.memory_space<hbm>>) dst(%dma_wait3A_272 : memref<1x128xi32, #tpu.memory_space<vmem>>)
          "tpu.trace_stop"() : () -> ()
        } else {
        }
        %ne3A_178 = arith.cmpi ne, %add3A_124, %add3A_133 : i32
        %or3A_179 = arith.constant false
        %or3A_180 = arith.ori %or3A_179, %ne3A_178 : i1
        %or3A_181 = arith.constant false
        %or3A_182 = arith.ori %or3A_180, %or3A_181 : i1
        %or3A_183 = arith.ori %or3A_182, %eq3A_121 : i1
        %convert_element_type3A_184 = arith.extui %or3A_183 : i1 to i32
        %cond3A_185 = arith.constant 0 : i32
        %cond3A_186 = arith.cmpi ne, %convert_element_type3A_184, %cond3A_185 : i32
        scf.if %cond3A_186 {
        } else {
        }
        %rem3A_187 = arith.constant 2 : i32
        %rem3A_188 = arith.remui %scan3A_116, %rem3A_187 : i32
        %rem3A_189 = arith.constant 2 : i32
        %rem3A_190 = arith.remui %scan3A_117, %rem3A_189 : i32
        %run_scoped3A_191 = arith.constant 0 : i32
        "tpu.trace_start"() <{level = 10 : i32, message = "ep_run_kernel"}> : () -> ()
        "tpu.region"() ({
          %run_scoped3A_257 = tpu.sem_alloc : memref<!tpu.dma_semaphore, #tpu.memory_space<semaphore_mem>>
          %dma_start3A_258 = arith.constant 0 : i32
          %dma_start3A_259 = arith.constant 0 : i32
          %dma_start3A_260 = tpu.memref_slice %run_scoped3A_2[%rem3A_190, %dma_start3A_258, %dma_start3A_259] : memref<2x128x256xf32, #tpu.memory_space<vmem>> -> memref<1x128x256xf32, #tpu.memory_space<vmem>>
          %dma_start3A_261 = tpu.memref_squeeze %dma_start3A_260 : memref<1x128x256xf32, #tpu.memory_space<vmem>> -> memref<128x256xf32, #tpu.memory_space<vmem>>
          %dma_start3A_262 = arith.constant 0 : i32
          %dma_start3A_263 = arith.constant 0 : i32
          %dma_start3A_264 = tpu.memref_slice %run_scoped3A[%rem3A_188, %dma_start3A_262, %dma_start3A_263] : memref<2x1x128xi32, #tpu.memory_space<vmem>> -> memref<1x1x128xi32, #tpu.memory_space<vmem>>
          %dma_start3A_265 = tpu.memref_squeeze %dma_start3A_264 : memref<1x1x128xi32, #tpu.memory_space<vmem>> -> memref<1x128xi32, #tpu.memory_space<vmem>>
          %dma_start3A_266 = arith.constant 0 : i32
          %dma_start3A_267 = tpu.memref_slice %dma_start3A_265[%run_scoped3A_191, %dma_start3A_266] : memref<1x128xi32, #tpu.memory_space<vmem>> -> memref<1x128xi32, #tpu.memory_space<vmem>>
          %dma_start3A_268 = tpu.memref_squeeze %dma_start3A_267 : memref<1x128xi32, #tpu.memory_space<vmem>> -> memref<128xi32, #tpu.memory_space<vmem>>
          %dma_start3A_269 = arith.constant 0 : i32
          %dma_start3A_270 = arith.constant 0 : i32
          %dma_start3A_271 = tpu.memref_slice %arg2[%dma_start3A_269, %dma_start3A_270] : memref<1024x256xf32, #tpu.memory_space<hbm>> -> memref<1024x256xf32, #tpu.memory_space<hbm>>
          tpu.enqueue_indirect_dma source(%dma_start3A_271 : memref<1024x256xf32, #tpu.memory_space<hbm>>) target(%dma_start3A_261 : memref<128x256xf32, #tpu.memory_space<vmem>>) offsets(%dma_start3A_268 : memref<128xi32, #tpu.memory_space<vmem>>) semaphore(%run_scoped3A_257 : memref<!tpu.dma_semaphore, #tpu.memory_space<semaphore_mem>>)
          %dma_wait3A_272 = arith.constant 0 : i32
          %dma_wait3A_273 = arith.constant 0 : i32
          %dma_wait3A_274 = tpu.memref_slice %run_scoped3A_2[%rem3A_190, %dma_wait3A_272, %dma_wait3A_273] : memref<2x128x256xf32, #tpu.memory_space<vmem>> -> memref<1x128x256xf32, #tpu.memory_space<vmem>>
          %dma_wait3A_275 = tpu.memref_squeeze %dma_wait3A_274 : memref<1x128x256xf32, #tpu.memory_space<vmem>> -> memref<128x256xf32, #tpu.memory_space<vmem>>
          %dma_wait3A_276 = arith.constant 0 : i32
          %dma_wait3A_277 = arith.constant 0 : i32
          %dma_wait3A_278 = tpu.memref_slice %run_scoped3A[%rem3A_188, %dma_wait3A_276, %dma_wait3A_277] : memref<2x1x128xi32, #tpu.memory_space<vmem>> -> memref<1x1x128xi32, #tpu.memory_space<vmem>>
          %dma_wait3A_279 = tpu.memref_squeeze %dma_wait3A_278 : memref<1x1x128xi32, #tpu.memory_space<vmem>> -> memref<1x128xi32, #tpu.memory_space<vmem>>
          %dma_wait3A_280 = arith.constant 0 : i32
          %dma_wait3A_281 = tpu.memref_slice %dma_wait3A_279[%run_scoped3A_191, %dma_wait3A_280] : memref<1x128xi32, #tpu.memory_space<vmem>> -> memref<1x128xi32, #tpu.memory_space<vmem>>
          %dma_wait3A_282 = tpu.memref_squeeze %dma_wait3A_281 : memref<1x128xi32, #tpu.memory_space<vmem>> -> memref<128xi32, #tpu.memory_space<vmem>>
          %dma_wait3A_283 = arith.constant 0 : i32
          %dma_wait3A_284 = arith.constant 0 : i32
          %dma_wait3A_285 = tpu.memref_slice %arg2[%dma_wait3A_283, %dma_wait3A_284] : memref<1024x256xf32, #tpu.memory_space<hbm>> -> memref<1024x256xf32, #tpu.memory_space<hbm>>
          tpu.wait_indirect_dma semaphore(%run_scoped3A_257 : memref<!tpu.dma_semaphore, #tpu.memory_space<semaphore_mem>>) src(%dma_wait3A_285 : memref<1024x256xf32, #tpu.memory_space<hbm>>) dst(%dma_wait3A_275 : memref<128x256xf32, #tpu.memory_space<vmem>>)
          tpu.yield
        }) : () -> ()
        "tpu.trace_stop"() : () -> ()
        %ne3A_192 = arith.cmpi ne, %add3A_124, %add3A_142 : i32
        %or3A_193 = arith.constant false
        %or3A_194 = arith.ori %or3A_193, %ne3A_192 : i1
        %or3A_195 = arith.ori %or3A_194, %eq3A_123 : i1
        %convert_element_type3A_196 = arith.extui %or3A_195 : i1 to i32
        %cond3A_197 = arith.constant 0 : i32
        %cond3A_198 = arith.cmpi ne, %convert_element_type3A_196, %cond3A_197 : i32
        scf.if %cond3A_198 {
        } else {
        }
        %and3A_199 = arith.constant false
        %and3A_200 = arith.andi %or3A_195, %and3A_199 : i1
        %ne3A_201 = arith.cmpi ne, %add3A_124, %add3A_142 : i32
        %or3A_202 = arith.constant false
        %or3A_203 = arith.ori %or3A_202, %ne3A_201 : i1
        %or3A_204 = arith.constant false
        %or3A_205 = arith.ori %or3A_203, %or3A_204 : i1
        %or3A_206 = arith.ori %or3A_205, %eq3A_123 : i1
        %convert_element_type3A_207 = arith.extui %or3A_206 : i1 to i32
        %cond3A_208 = arith.constant 0 : i32
        %cond3A_209 = arith.cmpi ne, %convert_element_type3A_207, %cond3A_208 : i32
        scf.if %cond3A_209 {
          "tpu.trace_start"() <{level = 10 : i32, message = "ep_copy_out"}> : () -> ()
          %rem3A_257 = arith.constant 2 : i32
          %rem3A_258 = arith.remui %scan3A_117, %rem3A_257 : i32
          %mul3A_259 = arith.constant 128 : i32
          %mul3A_260 = arith.muli %mul3A_259, %add3A_124 : i32
          %dma_start3A_261 = arith.constant 0 : i32
          %dma_start3A_262 = arith.constant 0 : i32
          %dma_start3A_263 = tpu.memref_slice %run_scoped3A_2[%rem3A_258, %dma_start3A_261, %dma_start3A_262] : memref<2x128x256xf32, #tpu.memory_space<vmem>> -> memref<1x128x256xf32, #tpu.memory_space<vmem>>
          %dma_start3A_264 = tpu.memref_squeeze %dma_start3A_263 : memref<1x128x256xf32, #tpu.memory_space<vmem>> -> memref<128x256xf32, #tpu.memory_space<vmem>>
          %dma_start3A_265 = arith.constant 0 : i32
          %dma_start3A_266 = tpu.memref_slice %arg4[%mul3A_260, %dma_start3A_265] : memref<8192x256xf32, #tpu.memory_space<hbm>> -> memref<128x256xf32, #tpu.memory_space<hbm>>
          %dma_start3A_267 = tpu.memref_slice %run_scoped3A_3[%rem3A_258] : memref<2x!tpu.dma_semaphore, #tpu.memory_space<semaphore_mem>> -> memref<1x!tpu.dma_semaphore, #tpu.memory_space<semaphore_mem>>
          %dma_start3A_268 = tpu.memref_squeeze %dma_start3A_267 : memref<1x!tpu.dma_semaphore, #tpu.memory_space<semaphore_mem>> -> memref<!tpu.dma_semaphore, #tpu.memory_space<semaphore_mem>>
          %dma_start3A_269 = arith.constant 0 : i32
          %dma_start3A_270 = tpu.memref_slice %arg4[%mul3A_260, %dma_start3A_269] : memref<8192x256xf32, #tpu.memory_space<hbm>> -> memref<128x256xf32, #tpu.memory_space<hbm>>
          %dma_start3A_271 = arith.constant 0 : i32
          %dma_start3A_272 = arith.constant 0 : i32
          %dma_start3A_273 = tpu.memref_slice %run_scoped3A_2[%rem3A_258, %dma_start3A_271, %dma_start3A_272] : memref<2x128x256xf32, #tpu.memory_space<vmem>> -> memref<1x128x256xf32, #tpu.memory_space<vmem>>
          %dma_start3A_274 = tpu.memref_squeeze %dma_start3A_273 : memref<1x128x256xf32, #tpu.memory_space<vmem>> -> memref<128x256xf32, #tpu.memory_space<vmem>>
          tpu.enqueue_dma source(%dma_start3A_274 : memref<128x256xf32, #tpu.memory_space<vmem>>) target(%dma_start3A_270 : memref<128x256xf32, #tpu.memory_space<hbm>>) target_semaphore(%dma_start3A_268 : memref<!tpu.dma_semaphore, #tpu.memory_space<semaphore_mem>>)
          "tpu.trace_stop"() : () -> ()
        } else {
        }
        %and3A_210 = arith.constant true
        %and3A_211 = arith.andi %or3A_206, %and3A_210 : i1
        %add3A_212 = arith.constant 1 : i32
        %add3A_213 = arith.addi %scan3A_117, %add3A_212 : i32
        %select_n3A_214 = arith.select %and3A_211, %add3A_213, %scan3A_117 : i32
        %ne3A_215 = arith.cmpi ne, %add3A_124, %add3A_133 : i32
        %or3A_216 = arith.constant false
        %or3A_217 = arith.ori %or3A_216, %ne3A_215 : i1
        %not3A_218 = arith.constant true
        %not3A_219 = arith.xori %eq3A_121, %not3A_218 : i1
        %and3A_220 = arith.andi %or3A_217, %not3A_219 : i1
        %convert_element_type3A_221 = arith.extui %and3A_220 : i1 to i32
        %cond3A_222 = arith.constant 0 : i32
        %cond3A_223 = arith.cmpi ne, %convert_element_type3A_221, %cond3A_222 : i32
        scf.if %cond3A_223 {
        } else {
        }
        %and3A_224 = arith.constant false
        %and3A_225 = arith.andi %and3A_220, %and3A_224 : i1
        %ne3A_226 = arith.cmpi ne, %add3A_124, %add3A_133 : i32
        %or3A_227 = arith.constant false
        %or3A_228 = arith.ori %or3A_227, %ne3A_226 : i1
        %or3A_229 = arith.constant false
        %or3A_230 = arith.ori %or3A_228, %or3A_229 : i1
        %not3A_231 = arith.constant true
        %not3A_232 = arith.xori %eq3A_121, %not3A_231 : i1
        %and3A_233 = arith.andi %or3A_230, %not3A_232 : i1
        %convert_element_type3A_234 = arith.extui %and3A_233 : i1 to i32
        %cond3A_235 = arith.constant 0 : i32
        %cond3A_236 = arith.cmpi ne, %convert_element_type3A_234, %cond3A_235 : i32
        scf.if %cond3A_236 {
          "tpu.trace_start"() <{level = 10 : i32, message = "ep_wait_out"}> : () -> ()
          %rem3A_257 = arith.constant 2 : i32
          %rem3A_258 = arith.remui %scan3A_118, %rem3A_257 : i32
          %mul3A_259 = arith.constant 128 : i32
          %mul3A_260 = arith.muli %mul3A_259, %add3A_133 : i32
          %dma_wait3A_261 = arith.constant 0 : i32
          %dma_wait3A_262 = arith.constant 0 : i32
          %dma_wait3A_263 = tpu.memref_slice %run_scoped3A_2[%rem3A_258, %dma_wait3A_261, %dma_wait3A_262] : memref<2x128x256xf32, #tpu.memory_space<vmem>> -> memref<1x128x256xf32, #tpu.memory_space<vmem>>
          %dma_wait3A_264 = tpu.memref_squeeze %dma_wait3A_263 : memref<1x128x256xf32, #tpu.memory_space<vmem>> -> memref<128x256xf32, #tpu.memory_space<vmem>>
          %dma_wait3A_265 = arith.constant 0 : i32
          %dma_wait3A_266 = tpu.memref_slice %arg4[%mul3A_260, %dma_wait3A_265] : memref<8192x256xf32, #tpu.memory_space<hbm>> -> memref<128x256xf32, #tpu.memory_space<hbm>>
          %dma_wait3A_267 = tpu.memref_slice %run_scoped3A_3[%rem3A_258] : memref<2x!tpu.dma_semaphore, #tpu.memory_space<semaphore_mem>> -> memref<1x!tpu.dma_semaphore, #tpu.memory_space<semaphore_mem>>
          %dma_wait3A_268 = tpu.memref_squeeze %dma_wait3A_267 : memref<1x!tpu.dma_semaphore, #tpu.memory_space<semaphore_mem>> -> memref<!tpu.dma_semaphore, #tpu.memory_space<semaphore_mem>>
          %dma_wait3A_269 = arith.constant 0 : i32
          %dma_wait3A_270 = tpu.memref_slice %arg4[%mul3A_260, %dma_wait3A_269] : memref<8192x256xf32, #tpu.memory_space<hbm>> -> memref<128x256xf32, #tpu.memory_space<hbm>>
          %dma_wait3A_271 = arith.constant 0 : i32
          %dma_wait3A_272 = arith.constant 0 : i32
          %dma_wait3A_273 = tpu.memref_slice %run_scoped3A_2[%rem3A_258, %dma_wait3A_271, %dma_wait3A_272] : memref<2x128x256xf32, #tpu.memory_space<vmem>> -> memref<1x128x256xf32, #tpu.memory_space<vmem>>
          %dma_wait3A_274 = tpu.memref_squeeze %dma_wait3A_273 : memref<1x128x256xf32, #tpu.memory_space<vmem>> -> memref<128x256xf32, #tpu.memory_space<vmem>>
          tpu.wait_dma2 semaphore(%dma_wait3A_268 : memref<!tpu.dma_semaphore, #tpu.memory_space<semaphore_mem>>) src(%dma_wait3A_274 : memref<128x256xf32, #tpu.memory_space<vmem>>) dst(%dma_wait3A_270 : memref<128x256xf32, #tpu.memory_space<hbm>>)
          "tpu.trace_stop"() : () -> ()
        } else {
        }
        %and3A_237 = arith.constant true
        %and3A_238 = arith.andi %and3A_233, %and3A_237 : i1
        %add3A_239 = arith.constant 1 : i32
        %add3A_240 = arith.addi %scan3A_118, %add3A_239 : i32
        %select_n3A_241 = arith.select %and3A_238, %add3A_240, %scan3A_118 : i32
        %ne3A_242 = arith.cmpi ne, %add3A_124, %add3A_142 : i32
        %or3A_243 = arith.constant false
        %or3A_244 = arith.ori %or3A_243, %ne3A_242 : i1
        %or3A_245 = arith.ori %or3A_244, %eq3A_123 : i1
        %add3A_246 = arith.constant 1 : i32
        %add3A_247 = arith.addi %scan3A_116, %add3A_246 : i32
        %select_n3A_248 = arith.select %or3A_245, %add3A_247, %scan3A_116 : i32
        %add3A_249 = arith.constant 1 : i32
        %add3A_250 = arith.addi %scan3A_119, %add3A_249 : i32
        %select_n3A_251 = arith.constant true
        %select_n3A_252 = arith.select %select_n3A_251, %add3A_250, %scan3A_119 : i32
        %eq3A_253 = arith.constant 4 : i32
        %eq3A_254 = arith.cmpi eq, %select_n3A_252, %eq3A_253 : i32
        %select_n3A_255 = arith.constant 0 : i32
        %select_n3A_256 = arith.select %eq3A_254, %select_n3A_255, %select_n3A_252 : i32
        scf.yield %select_n3A_160, %select_n3A_248, %select_n3A_214, %select_n3A_241, %select_n3A_256 : i32, i32, i32, i32, i32
      }
      %scan3A_61 = arith.constant 4 : i32
      %sub3A = arith.constant 1 : i32
      %sub3A_62 = arith.subi %scan3A_60#4, %sub3A : i32
      %select_n3A_63 = arith.constant true
      %select_n3A_64 = arith.select %select_n3A_63, %sub3A_62, %scan3A_60#4 : i32
      %eq3A_65 = arith.constant -1 : i32
      %eq3A_66 = arith.cmpi eq, %select_n3A_64, %eq3A_65 : i32
      %select_n3A_67 = arith.constant 3 : i32
      %select_n3A_68 = arith.select %eq3A_66, %select_n3A_67, %select_n3A_64 : i32
      %add3A_69 = arith.addi %select_n3A_68, %mul3A_0 : i32
      %sub3A_70 = arith.constant 1 : i32
      %sub3A_71 = arith.subi %select_n3A_68, %sub3A_70 : i32
      %select_n3A_72 = arith.constant true
      %select_n3A_73 = arith.select %select_n3A_72, %sub3A_71, %select_n3A_68 : i32
      %eq3A_74 = arith.constant -1 : i32
      %eq3A_75 = arith.cmpi eq, %select_n3A_73, %eq3A_74 : i32
      %select_n3A_76 = arith.constant 3 : i32
      %select_n3A_77 = arith.select %eq3A_75, %select_n3A_76, %select_n3A_73 : i32
      %add3A_78 = arith.addi %select_n3A_77, %mul3A_0 : i32
      %add3A_79 = arith.constant 1 : i32
      %add3A_80 = arith.addi %select_n3A_68, %add3A_79 : i32
      %select_n3A_81 = arith.constant true
      %select_n3A_82 = arith.select %select_n3A_81, %add3A_80, %select_n3A_68 : i32
      %eq3A_83 = arith.constant 4 : i32
      %eq3A_84 = arith.cmpi eq, %select_n3A_82, %eq3A_83 : i32
      %select_n3A_85 = arith.constant 0 : i32
      %select_n3A_86 = arith.select %eq3A_84, %select_n3A_85, %select_n3A_82 : i32
      %add3A_87 = arith.addi %select_n3A_86, %mul3A_0 : i32
      %add3A_88 = arith.constant 1 : i32
      %add3A_89 = arith.addi %select_n3A_86, %add3A_88 : i32
      %select_n3A_90 = arith.constant true
      %select_n3A_91 = arith.select %select_n3A_90, %add3A_89, %select_n3A_86 : i32
      %eq3A_92 = arith.constant 4 : i32
      %eq3A_93 = arith.cmpi eq, %select_n3A_91, %eq3A_92 : i32
      %select_n3A_94 = arith.constant 0 : i32
      %select_n3A_95 = arith.select %eq3A_93, %select_n3A_94, %select_n3A_91 : i32
      %add3A_96 = arith.addi %select_n3A_95, %mul3A_0 : i32
      "tpu.trace_start"() <{level = 10 : i32, message = "ep_finalize"}> : () -> ()
      %rem3A_97 = arith.constant 2 : i32
      %rem3A_98 = arith.remui %scan3A_60#3, %rem3A_97 : i32
      %mul3A_99 = arith.constant 128 : i32
      %mul3A_100 = arith.muli %mul3A_99, %add3A_69 : i32
      %dma_wait3A = arith.constant 0 : i32
      %dma_wait3A_101 = arith.constant 0 : i32
      %dma_wait3A_102 = tpu.memref_slice %run_scoped3A_2[%rem3A_98, %dma_wait3A, %dma_wait3A_101] : memref<2x128x256xf32, #tpu.memory_space<vmem>> -> memref<1x128x256xf32, #tpu.memory_space<vmem>>
      %dma_wait3A_103 = tpu.memref_squeeze %dma_wait3A_102 : memref<1x128x256xf32, #tpu.memory_space<vmem>> -> memref<128x256xf32, #tpu.memory_space<vmem>>
      %dma_wait3A_104 = arith.constant 0 : i32
      %dma_wait3A_105 = tpu.memref_slice %arg4[%mul3A_100, %dma_wait3A_104] : memref<8192x256xf32, #tpu.memory_space<hbm>> -> memref<128x256xf32, #tpu.memory_space<hbm>>
      %dma_wait3A_106 = tpu.memref_slice %run_scoped3A_3[%rem3A_98] : memref<2x!tpu.dma_semaphore, #tpu.memory_space<semaphore_mem>> -> memref<1x!tpu.dma_semaphore, #tpu.memory_space<semaphore_mem>>
      %dma_wait3A_107 = tpu.memref_squeeze %dma_wait3A_106 : memref<1x!tpu.dma_semaphore, #tpu.memory_space<semaphore_mem>> -> memref<!tpu.dma_semaphore, #tpu.memory_space<semaphore_mem>>
      %dma_wait3A_108 = arith.constant 0 : i32
      %dma_wait3A_109 = tpu.memref_slice %arg4[%mul3A_100, %dma_wait3A_108] : memref<8192x256xf32, #tpu.memory_space<hbm>> -> memref<128x256xf32, #tpu.memory_space<hbm>>
      %dma_wait3A_110 = arith.constant 0 : i32
      %dma_wait3A_111 = arith.constant 0 : i32
      %dma_wait3A_112 = tpu.memref_slice %run_scoped3A_2[%rem3A_98, %dma_wait3A_110, %dma_wait3A_111] : memref<2x128x256xf32, #tpu.memory_space<vmem>> -> memref<1x128x256xf32, #tpu.memory_space<vmem>>
      %dma_wait3A_113 = tpu.memref_squeeze %dma_wait3A_112 : memref<1x128x256xf32, #tpu.memory_space<vmem>> -> memref<128x256xf32, #tpu.memory_space<vmem>>
      tpu.wait_dma2 semaphore(%dma_wait3A_107 : memref<!tpu.dma_semaphore, #tpu.memory_space<semaphore_mem>>) src(%dma_wait3A_113 : memref<128x256xf32, #tpu.memory_space<vmem>>) dst(%dma_wait3A_109 : memref<128x256xf32, #tpu.memory_space<hbm>>)
      "tpu.trace_stop"() : () -> ()
      tpu.yield
    }) : () -> ()
    return
  }
}

#map = affine_map<(d0, d1) -> (0, 0)>
module attributes {stable_mosaic.version = 14 : i64} {
  func.func @k(%arg0: i32, %arg1: i32, %arg2: memref<1024x256xf32, #tpu.memory_space<hbm>>, %arg3: memref<1x8192xi32, #tpu.memory_space<hbm>>, %arg4: memref<8192x256xf32, #tpu.memory_space<hbm>>) attributes {dimension_semantics = [#tpu.dimension_semantics<core_parallel>, #tpu.dimension_semantics<subcore_parallel>], iteration_bounds = array<i64: 2, 16>, scalar_prefetch = 0 : i64, scratch_operands = 0 : i64, tpu.core_type = #tpu.core_type<sc_vector_subcore>, window_params = [{transform_indices = #map}, {transform_indices = #map}, {transform_indices = #map}]} {
    %mul3A = arith.constant 4 : i32
    %mul3A_0 = arith.muli %arg1, %mul3A : i32
    "tpu.region"() ({
      %run_scoped3A = memref.alloca() : memref<2x1x128xi32, #tpu.memory_space<vmem>>
      %run_scoped3A_1 = tpu.sem_alloc : memref<2x!tpu.dma_semaphore, #tpu.memory_space<semaphore_mem>>
      %run_scoped3A_2 = memref.alloca() : memref<2x128x256xf32, #tpu.memory_space<vmem>>
      %run_scoped3A_3 = tpu.sem_alloc : memref<2x!tpu.dma_semaphore, #tpu.memory_space<semaphore_mem>>
      %add3A = arith.constant 0 : i32
      %add3A_4 = arith.addi %add3A, %mul3A_0 : i32
      %select_n3A = arith.constant true
      %select_n3A_5 = arith.constant 0 : i32
      %select_n3A_6 = arith.constant -1 : i32
      %select_n3A_7 = arith.select %select_n3A, %select_n3A_6, %select_n3A_5 : i32
      %eq3A = arith.constant -1 : i32
      %eq3A_8 = arith.cmpi eq, %select_n3A_7, %eq3A : i32
      %select_n3A_9 = arith.constant 3 : i32
      %select_n3A_10 = arith.select %eq3A_8, %select_n3A_9, %select_n3A_7 : i32
      %add3A_11 = arith.addi %select_n3A_10, %mul3A_0 : i32
      %select_n3A_12 = arith.constant true
      %select_n3A_13 = arith.constant 0 : i32
      %select_n3A_14 = arith.constant 1 : i32
      %select_n3A_15 = arith.select %select_n3A_12, %select_n3A_14, %select_n3A_13 : i32
      %eq3A_16 = arith.constant 4 : i32
      %eq3A_17 = arith.cmpi eq, %select_n3A_15, %eq3A_16 : i32
      %select_n3A_18 = arith.constant 0 : i32
      %select_n3A_19 = arith.select %eq3A_17, %select_n3A_18, %select_n3A_15 : i32
      %add3A_20 = arith.addi %select_n3A_19, %mul3A_0 : i32
      %add3A_21 = arith.constant 1 : i32
      %add3A_22 = arith.addi %select_n3A_19, %add3A_21 : i32
      %select_n3A_23 = arith.constant true
      %select_n3A_24 = arith.select %select_n3A_23, %add3A_22, %select_n3A_19 : i32
      %eq3A_25 = arith.constant 4 : i32
      %eq3A_26 = arith.cmpi eq, %select_n3A_24, %eq3A_25 : i32
      %select_n3A_27 = arith.constant 0 : i32
      %select_n3A_28 = arith.select %eq3A_26, %select_n3A_27, %select_n3A_24 : i32
      %add3A_29 = arith.addi %select_n3A_28, %mul3A_0 : i32
      "tpu.trace_start"() <{level = 10 : i32, message = "ep_initialize_0"}> : () -> ()
      %rem3A = arith.constant 0 : i32
      %rem3A_30 = arith.constant 2 : i32
      %rem3A_31 = arith.remui %rem3A, %rem3A_30 : i32
      %mul3A_32 = arith.constant 128 : i32
      %mul3A_33 = arith.muli %mul3A_32, %add3A_4 : i32
      %dma_start3A = arith.constant 0 : i32
      %dma_start3A_34 = arith.constant 0 : i32
      %dma_start3A_35 = tpu.memref_slice %run_scoped3A[%rem3A_31, %dma_start3A, %dma_start3A_34] : memref<2x1x128xi32, #tpu.memory_space<vmem>> -> memref<1x1x128xi32, #tpu.memory_space<vmem>>
      %dma_start3A_36 = tpu.memref_squeeze %dma_start3A_35 : memref<1x1x128xi32, #tpu.memory_space<vmem>> -> memref<1x128xi32, #tpu.memory_space<vmem>>
      %dma_start3A_37 = arith.constant 0 : i32
      %dma_start3A_38 = tpu.memref_slice %arg3[%dma_start3A_37, %mul3A_33] : memref<1x8192xi32, #tpu.memory_space<hbm>> -> memref<1x128xi32, #tpu.memory_space<hbm>>
      %dma_start3A_39 = tpu.memref_slice %run_scoped3A_1[%rem3A_31] : memref<2x!tpu.dma_semaphore, #tpu.memory_space<semaphore_mem>> -> memref<1x!tpu.dma_semaphore, #tpu.memory_space<semaphore_mem>>
      %dma_start3A_40 = tpu.memref_squeeze %dma_start3A_39 : memref<1x!tpu.dma_semaphore, #tpu.memory_space<semaphore_mem>> -> memref<!tpu.dma_semaphore, #tpu.memory_space<semaphore_mem>>
      %dma_start3A_41 = arith.constant 0 : i32
      %dma_start3A_42 = arith.constant 0 : i32
      %dma_start3A_43 = tpu.memref_slice %run_scoped3A[%rem3A_31, %dma_start3A_41, %dma_start3A_42] : memref<2x1x128xi32, #tpu.memory_space<vmem>> -> memref<1x1x128xi32, #tpu.memory_space<vmem>>
      %dma_start3A_44 = tpu.memref_squeeze %dma_start3A_43 : memref<1x1x128xi32, #tpu.memory_space<vmem>> -> memref<1x128xi32, #tpu.memory_space<vmem>>
      %dma_start3A_45 = arith.constant 0 : i32
      %dma_start3A_46 = tpu.memref_slice %arg3[%dma_start3A_45, %mul3A_33] : memref<1x8192xi32, #tpu.memory_space<hbm>> -> memref<1x128xi32, #tpu.memory_space<hbm>>
      tpu.enqueue_dma source(%dma_start3A_46 : memref<1x128xi32, #tpu.memory_space<hbm>>) target(%dma_start3A_44 : memref<1x128xi32, #tpu.memory_space<vmem>>) target_semaphore(%dma_start3A_40 : memref<!tpu.dma_semaphore, #tpu.memory_space<semaphore_mem>>)
      %add3A_47 = arith.constant 0 : i32
      %add3A_48 = arith.constant 1 : i32
      %add3A_49 = arith.addi %add3A_47, %add3A_48 : i32
      %select_n3A_50 = arith.constant true
      %select_n3A_51 = arith.constant 0 : i32
      %select_n3A_52 = arith.select %select_n3A_50, %add3A_49, %select_n3A_51 : i32
      "tpu.trace_stop"() : () -> ()
      %scan3A = arith.constant 0 : i32
      %scan3A_53 = arith.constant 0 : i32
      %scan3A_54 = arith.constant 0 : i32
      %scan3A_55 = arith.constant 0 : i32
      %scan3A_56 = arith.constant 0 : i32
      %scan3A_57 = arith.constant 4 : i32
      %scan3A_58 = arith.addi %scan3A_56, %scan3A_57 : i32
      %scan3A_59 = arith.constant 1 : i32
      %scan3A_60:5 = scf.for %scan3A_114 = %scan3A_56 to %scan3A_58 step %scan3A_59 iter_args(%scan3A_115 = %select_n3A_52, %scan3A_116 = %scan3A, %scan3A_117 = %scan3A_53, %scan3A_118 = %scan3A_54, %scan3A_119 = %scan3A_55) -> (i32, i32, i32, i32, i32)  : i32 {
        %eq3A_120 = arith.constant 0 : i32
        %eq3A_121 = arith.cmpi eq, %scan3A_114, %eq3A_120 : i32
        %eq3A_122 = arith.constant 3 : i32
        %eq3A_123 = arith.cmpi eq, %scan3A_114, %eq3A_122 : i32
        %add3A_124 = arith.addi %scan3A_119, %mul3A_0 : i32
        %sub3A_125 = arith.constant 1 : i32
        %sub3A_126 = arith.subi %scan3A_119, %sub3A_125 : i32
        %select_n3A_127 = arith.constant true
        %select_n3A_128 = arith.select %select_n3A_127, %sub3A_126, %scan3A_119 : i32
        %eq3A_129 = arith.constant -1 : i32
        %eq3A_130 = arith.cmpi eq, %select_n3A_128, %eq3A_129 : i32
        %select_n3A_131 = arith.constant 3 : i32
        %select_n3A_132 = arith.select %eq3A_130, %select_n3A_131, %select_n3A_128 : i32
        %add3A_133 = arith.addi %select_n3A_132, %mul3A_0 : i32
        %add3A_134 = arith.constant 1 : i32
        %add3A_135 = arith.addi %scan3A_119, %add3A_134 : i32
        %select_n3A_136 = arith.constant true
        %select_n3A_137 = arith.select %select_n3A_136, %add3A_135, %scan3A_119 : i32
        %eq3A_138 = arith.constant 4 : i32
        %eq3A_139 = arith.cmpi eq, %select_n3A_137, %eq3A_138 : i32
        %select_n3A_140 = arith.constant 0 : i32
        %select_n3A_141 = arith.select %eq3A_139, %select_n3A_140, %select_n3A_137 : i32
        %add3A_142 = arith.addi %select_n3A_141, %mul3A_0 : i32
        %add3A_143 = arith.constant 1 : i32
        %add3A_144 = arith.addi %select_n3A_141, %add3A_143 : i32
        %select_n3A_145 = arith.constant true
        %select_n3A_146 = arith.select %select_n3A_145, %add3A_144, %select_n3A_141 : i32
        %eq3A_147 = arith.constant 4 : i32
        %eq3A_148 = arith.cmpi eq, %select_n3A_146, %eq3A_147 : i32
        %select_n3A_149 = arith.constant 0 : i32
        %select_n3A_150 = arith.select %eq3A_148, %select_n3A_149, %select_n3A_146 : i32
        %add3A_151 = arith.addi %select_n3A_150, %mul3A_0 : i32
        %ne3A = arith.cmpi ne, %add3A_124, %add3A_142 : i32
        %or3A = arith.constant false
        %or3A_152 = arith.ori %or3A, %ne3A : i1
        %ge3A = arith.constant 3 : i32
        %ge3A_153 = arith.cmpi sge, %scan3A_114, %ge3A : i32
        %not3A = arith.constant true
        %not3A_154 = arith.xori %ge3A_153, %not3A : i1
        %and3A = arith.andi %or3A_152, %not3A_154 : i1
        %convert_element_type3A = arith.extui %and3A : i1 to i32
        %cond3A = arith.constant 0 : i32
        %cond3A_155 = arith.cmpi ne, %convert_element_type3A, %cond3A : i32
        scf.if %cond3A_155 {
          "tpu.trace_start"() <{level = 10 : i32, message = "ep_copy_in"}> : () -> ()
          %rem3A_257 = arith.constant 2 : i32
          %rem3A_258 = arith.remui %scan3A_115, %rem3A_257 : i32
          %mul3A_259 = arith.constant 128 : i32
          %mul3A_260 = arith.muli %mul3A_259, %add3A_142 : i32
          %dma_start3A_261 = arith.constant 0 : i32
          %dma_start3A_262 = arith.constant 0 : i32
          %dma_start3A_263 = tpu.memref_slice %run_scoped3A[%rem3A_258, %dma_start3A_261, %dma_start3A_262] : memref<2x1x128xi32, #tpu.memory_space<vmem>> -> memref<1x1x128xi32, #tpu.memory_space<vmem>>
          %dma_start3A_264 = tpu.memref_squeeze %dma_start3A_263 : memref<1x1x128xi32, #tpu.memory_space<vmem>> -> memref<1x128xi32, #tpu.memory_space<vmem>>
          %dma_start3A_265 = arith.constant 0 : i32
          %dma_start3A_266 = tpu.memref_slice %arg3[%dma_start3A_265, %mul3A_260] : memref<1x8192xi32, #tpu.memory_space<hbm>> -> memref<1x128xi32, #tpu.memory_space<hbm>>
          %dma_start3A_267 = tpu.memref_slice %run_scoped3A_1[%rem3A_258] : memref<2x!tpu.dma_semaphore, #tpu.memory_space<semaphore_mem>> -> memref<1x!tpu.dma_semaphore, #tpu.memory_space<semaphore_mem>>
          %dma_start3A_268 = tpu.memref_squeeze %dma_start3A_267 : memref<1x!tpu.dma_semaphore, #tpu.memory_space<semaphore_mem>> -> memref<!tpu.dma_semaphore, #tpu.memory_space<semaphore_mem>>
          %dma_start3A_269 = arith.constant 0 : i32
          %dma_start3A_270 = arith.constant 0 : i32
          %dma_start3A_271 = tpu.memref_slice %run_scoped3A[%rem3A_258, %dma_start3A_269, %dma_start3A_270] : memref<2x1x128xi32, #tpu.memory_space<vmem>> -> memref<1x1x128xi32, #tpu.memory_space<vmem>>
          %dma_start3A_272 = tpu.memref_squeeze %dma_start3A_271 : memref<1x1x128xi32, #tpu.memory_space<vmem>> -> memref<1x128xi32, #tpu.memory_space<vmem>>
          %dma_start3A_273 = arith.constant 0 : i32
          %dma_start3A_274 = tpu.memref_slice %arg3[%dma_start3A_273, %mul3A_260] : memref<1x8192xi32, #tpu.memory_space<hbm>> -> memref<1x128xi32, #tpu.memory_space<hbm>>
          tpu.enqueue_dma source(%dma_start3A_274 : memref<1x128xi32, #tpu.memory_space<hbm>>) target(%dma_start3A_272 : memref<1x128xi32, #tpu.memory_space<vmem>>) target_semaphore(%dma_start3A_268 : memref<!tpu.dma_semaphore, #tpu.memory_space<semaphore_mem>>)
          "tpu.trace_stop"() : () -> ()
        } else {
        }
        %and3A_156 = arith.constant true
        %and3A_157 = arith.andi %and3A, %and3A_156 : i1
        %add3A_158 = arith.constant 1 : i32
        %add3A_159 = arith.addi %scan3A_115, %add3A_158 : i32
        %select_n3A_160 = arith.select %and3A_157, %add3A_159, %scan3A_115 : i32
        %ne3A_161 = arith.cmpi ne, %add3A_124, %add3A_142 : i32
        %or3A_162 = arith.constant false
        %or3A_163 = arith.ori %or3A_162, %ne3A_161 : i1
        %or3A_164 = arith.constant false
        %or3A_165 = arith.ori %or3A_163, %or3A_164 : i1
        %ge3A_166 = arith.constant 3 : i32
        %ge3A_167 = arith.cmpi sge, %scan3A_114, %ge3A_166 : i32
        %not3A_168 = arith.constant true
        %not3A_169 = arith.xori %ge3A_167, %not3A_168 : i1
        %and3A_170 = arith.andi %or3A_165, %not3A_169 : i1
        %ne3A_171 = arith.cmpi ne, %add3A_124, %add3A_133 : i32
        %or3A_172 = arith.constant false
        %or3A_173 = arith.ori %or3A_172, %ne3A_171 : i1
        %or3A_174 = arith.ori %or3A_173, %eq3A_121 : i1
        %convert_element_type3A_175 = arith.extui %or3A_174 : i1 to i32
        %cond3A_176 = arith.constant 0 : i32
        %cond3A_177 = arith.cmpi ne, %convert_element_type3A_175, %cond3A_176 : i32
        scf.if %cond3A_177 {
          "tpu.trace_start"() <{level = 10 : i32, message = "ep_wait_in"}> : () -> ()
          %mul3A_257 = arith.constant 128 : i32
          %mul3A_258 = arith.muli %mul3A_257, %add3A_124 : i32
          %rem3A_259 = arith.constant 2 : i32
          %rem3A_260 = arith.remui %scan3A_116, %rem3A_259 : i32
          %dma_wait3A_261 = arith.constant 0 : i32
          %dma_wait3A_262 = arith.constant 0 : i32
          %dma_wait3A_263 = tpu.memref_slice %run_scoped3A[%rem3A_260, %dma_wait3A_261, %dma_wait3A_262] : memref<2x1x128xi32, #tpu.memory_space<vmem>> -> memref<1x1x128xi32, #tpu.memory_space<vmem>>
          %dma_wait3A_264 = tpu.memref_squeeze %dma_wait3A_263 : memref<1x1x128xi32, #tpu.memory_space<vmem>> -> memref<1x128xi32, #tpu.memory_space<vmem>>
          %dma_wait3A_265 = arith.constant 0 : i32
          %dma_wait3A_266 = tpu.memref_slice %arg3[%dma_wait3A_265, %mul3A_258] : memref<1x8192xi32, #tpu.memory_space<hbm>> -> memref<1x128xi32, #tpu.memory_space<hbm>>
          %dma_wait3A_267 = tpu.memref_slice %run_scoped3A_1[%rem3A_260] : memref<2x!tpu.dma_semaphore, #tpu.memory_space<semaphore_mem>> -> memref<1x!tpu.dma_semaphore, #tpu.memory_space<semaphore_mem>>
          %dma_wait3A_268 = tpu.memref_squeeze %dma_wait3A_267 : memref<1x!tpu.dma_semaphore, #tpu.memory_space<semaphore_mem>> -> memref<!tpu.dma_semaphore, #tpu.memory_space<semaphore_mem>>
          %dma_wait3A_269 = arith.constant 0 : i32
          %dma_wait3A_270 = arith.constant 0 : i32
          %dma_wait3A_271 = tpu.memref_slice %run_scoped3A[%rem3A_260, %dma_wait3A_269, %dma_wait3A_270] : memref<2x1x128xi32, #tpu.memory_space<vmem>> -> memref<1x1x128xi32, #tpu.memory_space<vmem>>
          %dma_wait3A_272 = tpu.memref_squeeze %dma_wait3A_271 : memref<1x1x128xi32, #tpu.memory_space<vmem>> -> memref<1x128xi32, #tpu.memory_space<vmem>>
          %dma_wait3A_273 = arith.constant 0 : i32
          %dma_wait3A_274 = tpu.memref_slice %arg3[%dma_wait3A_273, %mul3A_258] : memref<1x8192xi32, #tpu.memory_space<hbm>> -> memref<1x128xi32, #tpu.memory_space<hbm>>
          tpu.wait_dma2 semaphore(%dma_wait3A_268 : memref<!tpu.dma_semaphore, #tpu.memory_space<semaphore_mem>>) src(%dma_wait3A_274 : memref<1x128xi32, #tpu.memory_space<hbm>>) dst(%dma_wait3A_272 : memref<1x128xi32, #tpu.memory_space<vmem>>)
          "tpu.trace_stop"() : () -> ()
        } else {
        }
        %ne3A_178 = arith.cmpi ne, %add3A_124, %add3A_133 : i32
        %or3A_179 = arith.constant false
        %or3A_180 = arith.ori %or3A_179, %ne3A_178 : i1
        %or3A_181 = arith.constant false
        %or3A_182 = arith.ori %or3A_180, %or3A_181 : i1
        %or3A_183 = arith.ori %or3A_182, %eq3A_121 : i1
        %convert_element_type3A_184 = arith.extui %or3A_183 : i1 to i32
        %cond3A_185 = arith.constant 0 : i32
        %cond3A_186 = arith.cmpi ne, %convert_element_type3A_184, %cond3A_185 : i32
        scf.if %cond3A_186 {
        } else {
        }
        %rem3A_187 = arith.constant 2 : i32
        %rem3A_188 = arith.remui %scan3A_116, %rem3A_187 : i32
        %rem3A_189 = arith.constant 2 : i32
        %rem3A_190 = arith.remui %scan3A_117, %rem3A_189 : i32
        %run_scoped3A_191 = arith.constant 0 : i32
        "tpu.trace_start"() <{level = 10 : i32, message = "ep_run_kernel"}> : () -> ()
        "tpu.region"() ({
          %run_scoped3A_257 = tpu.sem_alloc : memref<!tpu.dma_semaphore, #tpu.memory_space<semaphore_mem>>
          %dma_start3A_258 = arith.constant 0 : i32
          %dma_start3A_259 = arith.constant 0 : i32
          %dma_start3A_260 = tpu.memref_slice %run_scoped3A_2[%rem3A_190, %dma_start3A_258, %dma_start3A_259] : memref<2x128x256xf32, #tpu.memory_space<vmem>> -> memref<1x128x256xf32, #tpu.memory_space<vmem>>
          %dma_start3A_261 = tpu.memref_squeeze %dma_start3A_260 : memref<1x128x256xf32, #tpu.memory_space<vmem>> -> memref<128x256xf32, #tpu.memory_space<vmem>>
          %dma_start3A_262 = arith.constant 0 : i32
          %dma_start3A_263 = arith.constant 0 : i32
          %dma_start3A_264 = tpu.memref_slice %run_scoped3A[%rem3A_188, %dma_start3A_262, %dma_start3A_263] : memref<2x1x128xi32, #tpu.memory_space<vmem>> -> memref<1x1x128xi32, #tpu.memory_space<vmem>>
          %dma_start3A_265 = tpu.memref_squeeze %dma_start3A_264 : memref<1x1x128xi32, #tpu.memory_space<vmem>> -> memref<1x128xi32, #tpu.memory_space<vmem>>
          %dma_start3A_266 = arith.constant 0 : i32
          %dma_start3A_267 = tpu.memref_slice %dma_start3A_265[%run_scoped3A_191, %dma_start3A_266] : memref<1x128xi32, #tpu.memory_space<vmem>> -> memref<1x128xi32, #tpu.memory_space<vmem>>
          %dma_start3A_268 = tpu.memref_squeeze %dma_start3A_267 : memref<1x128xi32, #tpu.memory_space<vmem>> -> memref<128xi32, #tpu.memory_space<vmem>>
          %dma_start3A_269 = arith.constant 0 : i32
          %dma_start3A_270 = arith.constant 0 : i32
          %dma_start3A_271 = tpu.memref_slice %arg2[%dma_start3A_269, %dma_start3A_270] : memref<1024x256xf32, #tpu.memory_space<hbm>> -> memref<1024x256xf32, #tpu.memory_space<hbm>>
          tpu.enqueue_indirect_dma source(%dma_start3A_271 : memref<1024x256xf32, #tpu.memory_space<hbm>>) target(%dma_start3A_261 : memref<128x256xf32, #tpu.memory_space<vmem>>) offsets(%dma_start3A_268 : memref<128xi32, #tpu.memory_space<vmem>>) semaphore(%run_scoped3A_257 : memref<!tpu.dma_semaphore, #tpu.memory_space<semaphore_mem>>)
          %dma_wait3A_272 = arith.constant 0 : i32
          %dma_wait3A_273 = arith.constant 0 : i32
          %dma_wait3A_274 = tpu.memref_slice %run_scoped3A_2[%rem3A_190, %dma_wait3A_272, %dma_wait3A_273] : memref<2x128x256xf32, #tpu.memory_space<vmem>> -> memref<1x128x256xf32, #tpu.memory_space<vmem>>
          %dma_wait3A_275 = tpu.memref_squeeze %dma_wait3A_274 : memref<1x128x256xf32, #tpu.memory_space<vmem>> -> memref<128x256xf32, #tpu.memory_space<vmem>>
          %dma_wait3A_276 = arith.constant 0 : i32
          %dma_wait3A_277 = arith.constant 0 : i32
          %dma_wait3A_278 = tpu.memref_slice %run_scoped3A[%rem3A_188, %dma_wait3A_276, %dma_wait3A_277] : memref<2x1x128xi32, #tpu.memory_space<vmem>> -> memref<1x1x128xi32, #tpu.memory_space<vmem>>
          %dma_wait3A_279 = tpu.memref_squeeze %dma_wait3A_278 : memref<1x1x128xi32, #tpu.memory_space<vmem>> -> memref<1x128xi32, #tpu.memory_space<vmem>>
          %dma_wait3A_280 = arith.constant 0 : i32
          %dma_wait3A_281 = tpu.memref_slice %dma_wait3A_279[%run_scoped3A_191, %dma_wait3A_280] : memref<1x128xi32, #tpu.memory_space<vmem>> -> memref<1x128xi32, #tpu.memory_space<vmem>>
          %dma_wait3A_282 = tpu.memref_squeeze %dma_wait3A_281 : memref<1x128xi32, #tpu.memory_space<vmem>> -> memref<128xi32, #tpu.memory_space<vmem>>
          %dma_wait3A_283 = arith.constant 0 : i32
          %dma_wait3A_284 = arith.constant 0 : i32
          %dma_wait3A_285 = tpu.memref_slice %arg2[%dma_wait3A_283, %dma_wait3A_284] : memref<1024x256xf32, #tpu.memory_space<hbm>> -> memref<1024x256xf32, #tpu.memory_space<hbm>>
          tpu.wait_indirect_dma semaphore(%run_scoped3A_257 : memref<!tpu.dma_semaphore, #tpu.memory_space<semaphore_mem>>) src(%dma_wait3A_285 : memref<1024x256xf32, #tpu.memory_space<hbm>>) dst(%dma_wait3A_275 : memref<128x256xf32, #tpu.memory_space<vmem>>)
          tpu.yield
        }) : () -> ()
        "tpu.trace_stop"() : () -> ()
        %ne3A_192 = arith.cmpi ne, %add3A_124, %add3A_142 : i32
        %or3A_193 = arith.constant false
        %or3A_194 = arith.ori %or3A_193, %ne3A_192 : i1
        %or3A_195 = arith.ori %or3A_194, %eq3A_123 : i1
        %convert_element_type3A_196 = arith.extui %or3A_195 : i1 to i32
        %cond3A_197 = arith.constant 0 : i32
        %cond3A_198 = arith.cmpi ne, %convert_element_type3A_196, %cond3A_197 : i32
        scf.if %cond3A_198 {
        } else {
        }
        %and3A_199 = arith.constant false
        %and3A_200 = arith.andi %or3A_195, %and3A_199 : i1
        %ne3A_201 = arith.cmpi ne, %add3A_124, %add3A_142 : i32
        %or3A_202 = arith.constant false
        %or3A_203 = arith.ori %or3A_202, %ne3A_201 : i1
        %or3A_204 = arith.constant false
        %or3A_205 = arith.ori %or3A_203, %or3A_204 : i1
        %or3A_206 = arith.ori %or3A_205, %eq3A_123 : i1
        %convert_element_type3A_207 = arith.extui %or3A_206 : i1 to i32
        %cond3A_208 = arith.constant 0 : i32
        %cond3A_209 = arith.cmpi ne, %convert_element_type3A_207, %cond3A_208 : i32
        scf.if %cond3A_209 {
          "tpu.trace_start"() <{level = 10 : i32, message = "ep_copy_out"}> : () -> ()
          %rem3A_257 = arith.constant 2 : i32
          %rem3A_258 = arith.remui %scan3A_117, %rem3A_257 : i32
          %mul3A_259 = arith.constant 128 : i32
          %mul3A_260 = arith.muli %mul3A_259, %add3A_124 : i32
          %dma_start3A_261 = arith.constant 0 : i32
          %dma_start3A_262 = arith.constant 0 : i32
          %dma_start3A_263 = tpu.memref_slice %run_scoped3A_2[%rem3A_258, %dma_start3A_261, %dma_start3A_262] : memref<2x128x256xf32, #tpu.memory_space<vmem>> -> memref<1x128x256xf32, #tpu.memory_space<vmem>>
          %dma_start3A_264 = tpu.memref_squeeze %dma_start3A_263 : memref<1x128x256xf32, #tpu.memory_space<vmem>> -> memref<128x256xf32, #tpu.memory_space<vmem>>
          %dma_start3A_265 = arith.constant 0 : i32
          %dma_start3A_266 = tpu.memref_slice %arg4[%mul3A_260, %dma_start3A_265] : memref<8192x256xf32, #tpu.memory_space<hbm>> -> memref<128x256xf32, #tpu.memory_space<hbm>>
          %dma_start3A_267 = tpu.memref_slice %run_scoped3A_3[%rem3A_258] : memref<2x!tpu.dma_semaphore, #tpu.memory_space<semaphore_mem>> -> memref<1x!tpu.dma_semaphore, #tpu.memory_space<semaphore_mem>>
          %dma_start3A_268 = tpu.memref_squeeze %dma_start3A_267 : memref<1x!tpu.dma_semaphore, #tpu.memory_space<semaphore_mem>> -> memref<!tpu.dma_semaphore, #tpu.memory_space<semaphore_mem>>
          %dma_start3A_269 = arith.constant 0 : i32
          %dma_start3A_270 = tpu.memref_slice %arg4[%mul3A_260, %dma_start3A_269] : memref<8192x256xf32, #tpu.memory_space<hbm>> -> memref<128x256xf32, #tpu.memory_space<hbm>>
          %dma_start3A_271 = arith.constant 0 : i32
          %dma_start3A_272 = arith.constant 0 : i32
          %dma_start3A_273 = tpu.memref_slice %run_scoped3A_2[%rem3A_258, %dma_start3A_271, %dma_start3A_272] : memref<2x128x256xf32, #tpu.memory_space<vmem>> -> memref<1x128x256xf32, #tpu.memory_space<vmem>>
          %dma_start3A_274 = tpu.memref_squeeze %dma_start3A_273 : memref<1x128x256xf32, #tpu.memory_space<vmem>> -> memref<128x256xf32, #tpu.memory_space<vmem>>
          tpu.enqueue_dma source(%dma_start3A_274 : memref<128x256xf32, #tpu.memory_space<vmem>>) target(%dma_start3A_270 : memref<128x256xf32, #tpu.memory_space<hbm>>) target_semaphore(%dma_start3A_268 : memref<!tpu.dma_semaphore, #tpu.memory_space<semaphore_mem>>)
          "tpu.trace_stop"() : () -> ()
        } else {
        }
        %and3A_210 = arith.constant true
        %and3A_211 = arith.andi %or3A_206, %and3A_210 : i1
        %add3A_212 = arith.constant 1 : i32
        %add3A_213 = arith.addi %scan3A_117, %add3A_212 : i32
        %select_n3A_214 = arith.select %and3A_211, %add3A_213, %scan3A_117 : i32
        %ne3A_215 = arith.cmpi ne, %add3A_124, %add3A_133 : i32
        %or3A_216 = arith.constant false
        %or3A_217 = arith.ori %or3A_216, %ne3A_215 : i1
        %not3A_218 = arith.constant true
        %not3A_219 = arith.xori %eq3A_121, %not3A_218 : i1
        %and3A_220 = arith.andi %or3A_217, %not3A_219 : i1
        %convert_element_type3A_221 = arith.extui %and3A_220 : i1 to i32
        %cond3A_222 = arith.constant 0 : i32
        %cond3A_223 = arith.cmpi ne, %convert_element_type3A_221, %cond3A_222 : i32
        scf.if %cond3A_223 {
        } else {
        }
        %and3A_224 = arith.constant false
        %and3A_225 = arith.andi %and3A_220, %and3A_224 : i1
        %ne3A_226 = arith.cmpi ne, %add3A_124, %add3A_133 : i32
        %or3A_227 = arith.constant false
        %or3A_228 = arith.ori %or3A_227, %ne3A_226 : i1
        %or3A_229 = arith.constant false
        %or3A_230 = arith.ori %or3A_228, %or3A_229 : i1
        %not3A_231 = arith.constant true
        %not3A_232 = arith.xori %eq3A_121, %not3A_231 : i1
        %and3A_233 = arith.andi %or3A_230, %not3A_232 : i1
        %convert_element_type3A_234 = arith.extui %and3A_233 : i1 to i32
        %cond3A_235 = arith.constant 0 : i32
        %cond3A_236 = arith.cmpi ne, %convert_element_type3A_234, %cond3A_235 : i32
        scf.if %cond3A_236 {
          "tpu.trace_start"() <{level = 10 : i32, message = "ep_wait_out"}> : () -> ()
          %rem3A_257 = arith.constant 2 : i32
          %rem3A_258 = arith.remui %scan3A_118, %rem3A_257 : i32
          %mul3A_259 = arith.constant 128 : i32
          %mul3A_260 = arith.muli %mul3A_259, %add3A_133 : i32
          %dma_wait3A_261 = arith.constant 0 : i32
          %dma_wait3A_262 = arith.constant 0 : i32
          %dma_wait3A_263 = tpu.memref_slice %run_scoped3A_2[%rem3A_258, %dma_wait3A_261, %dma_wait3A_262] : memref<2x128x256xf32, #tpu.memory_space<vmem>> -> memref<1x128x256xf32, #tpu.memory_space<vmem>>
          %dma_wait3A_264 = tpu.memref_squeeze %dma_wait3A_263 : memref<1x128x256xf32, #tpu.memory_space<vmem>> -> memref<128x256xf32, #tpu.memory_space<vmem>>
          %dma_wait3A_265 = arith.constant 0 : i32
          %dma_wait3A_266 = tpu.memref_slice %arg4[%mul3A_260, %dma_wait3A_265] : memref<8192x256xf32, #tpu.memory_space<hbm>> -> memref<128x256xf32, #tpu.memory_space<hbm>>
          %dma_wait3A_267 = tpu.memref_slice %run_scoped3A_3[%rem3A_258] : memref<2x!tpu.dma_semaphore, #tpu.memory_space<semaphore_mem>> -> memref<1x!tpu.dma_semaphore, #tpu.memory_space<semaphore_mem>>
          %dma_wait3A_268 = tpu.memref_squeeze %dma_wait3A_267 : memref<1x!tpu.dma_semaphore, #tpu.memory_space<semaphore_mem>> -> memref<!tpu.dma_semaphore, #tpu.memory_space<semaphore_mem>>
          %dma_wait3A_269 = arith.constant 0 : i32
          %dma_wait3A_270 = tpu.memref_slice %arg4[%mul3A_260, %dma_wait3A_269] : memref<8192x256xf32, #tpu.memory_space<hbm>> -> memref<128x256xf32, #tpu.memory_space<hbm>>
          %dma_wait3A_271 = arith.constant 0 : i32
          %dma_wait3A_272 = arith.constant 0 : i32
          %dma_wait3A_273 = tpu.memref_slice %run_scoped3A_2[%rem3A_258, %dma_wait3A_271, %dma_wait3A_272] : memref<2x128x256xf32, #tpu.memory_space<vmem>> -> memref<1x128x256xf32, #tpu.memory_space<vmem>>
          %dma_wait3A_274 = tpu.memref_squeeze %dma_wait3A_273 : memref<1x128x256xf32, #tpu.memory_space<vmem>> -> memref<128x256xf32, #tpu.memory_space<vmem>>
          tpu.wait_dma2 semaphore(%dma_wait3A_268 : memref<!tpu.dma_semaphore, #tpu.memory_space<semaphore_mem>>) src(%dma_wait3A_274 : memref<128x256xf32, #tpu.memory_space<vmem>>) dst(%dma_wait3A_270 : memref<128x256xf32, #tpu.memory_space<hbm>>)
          "tpu.trace_stop"() : () -> ()
        } else {
        }
        %and3A_237 = arith.constant true
        %and3A_238 = arith.andi %and3A_233, %and3A_237 : i1
        %add3A_239 = arith.constant 1 : i32
        %add3A_240 = arith.addi %scan3A_118, %add3A_239 : i32
        %select_n3A_241 = arith.select %and3A_238, %add3A_240, %scan3A_118 : i32
        %ne3A_242 = arith.cmpi ne, %add3A_124, %add3A_142 : i32
        %or3A_243 = arith.constant false
        %or3A_244 = arith.ori %or3A_243, %ne3A_242 : i1
        %or3A_245 = arith.ori %or3A_244, %eq3A_123 : i1
        %add3A_246 = arith.constant 1 : i32
        %add3A_247 = arith.addi %scan3A_116, %add3A_246 : i32
        %select_n3A_248 = arith.select %or3A_245, %add3A_247, %scan3A_116 : i32
        %add3A_249 = arith.constant 1 : i32
        %add3A_250 = arith.addi %scan3A_119, %add3A_249 : i32
        %select_n3A_251 = arith.constant true
        %select_n3A_252 = arith.select %select_n3A_251, %add3A_250, %scan3A_119 : i32
        %eq3A_253 = arith.constant 4 : i32
        %eq3A_254 = arith.cmpi eq, %select_n3A_252, %eq3A_253 : i32
        %select_n3A_255 = arith.constant 0 : i32
        %select_n3A_256 = arith.select %eq3A_254, %select_n3A_255, %select_n3A_252 : i32
        scf.yield %select_n3A_160, %select_n3A_248, %select_n3A_214, %select_n3A_241, %select_n3A_256 : i32, i32, i32, i32, i32
      }
      %scan3A_61 = arith.constant 4 : i32
      %sub3A = arith.constant 1 : i32
      %sub3A_62 = arith.subi %scan3A_60#4, %sub3A : i32
      %select_n3A_63 = arith.constant true
      %select_n3A_64 = arith.select %select_n3A_63, %sub3A_62, %scan3A_60#4 : i32
      %eq3A_65 = arith.constant -1 : i32
      %eq3A_66 = arith.cmpi eq, %select_n3A_64, %eq3A_65 : i32
      %select_n3A_67 = arith.constant 3 : i32
      %select_n3A_68 = arith.select %eq3A_66, %select_n3A_67, %select_n3A_64 : i32
      %add3A_69 = arith.addi %select_n3A_68, %mul3A_0 : i32
      %sub3A_70 = arith.constant 1 : i32
      %sub3A_71 = arith.subi %select_n3A_68, %sub3A_70 : i32
      %select_n3A_72 = arith.constant true
      %select_n3A_73 = arith.select %select_n3A_72, %sub3A_71, %select_n3A_68 : i32
      %eq3A_74 = arith.constant -1 : i32
      %eq3A_75 = arith.cmpi eq, %select_n3A_73, %eq3A_74 : i32
      %select_n3A_76 = arith.constant 3 : i32
      %select_n3A_77 = arith.select %eq3A_75, %select_n3A_76, %select_n3A_73 : i32
      %add3A_78 = arith.addi %select_n3A_77, %mul3A_0 : i32
      %add3A_79 = arith.constant 1 : i32
      %add3A_80 = arith.addi %select_n3A_68, %add3A_79 : i32
      %select_n3A_81 = arith.constant true
      %select_n3A_82 = arith.select %select_n3A_81, %add3A_80, %select_n3A_68 : i32
      %eq3A_83 = arith.constant 4 : i32
      %eq3A_84 = arith.cmpi eq, %select_n3A_82, %eq3A_83 : i32
      %select_n3A_85 = arith.constant 0 : i32
      %select_n3A_86 = arith.select %eq3A_84, %select_n3A_85, %select_n3A_82 : i32
      %add3A_87 = arith.addi %select_n3A_86, %mul3A_0 : i32
      %add3A_88 = arith.constant 1 : i32
      %add3A_89 = arith.addi %select_n3A_86, %add3A_88 : i32
      %select_n3A_90 = arith.constant true
      %select_n3A_91 = arith.select %select_n3A_90, %add3A_89, %select_n3A_86 : i32
      %eq3A_92 = arith.constant 4 : i32
      %eq3A_93 = arith.cmpi eq, %select_n3A_91, %eq3A_92 : i32
      %select_n3A_94 = arith.constant 0 : i32
      %select_n3A_95 = arith.select %eq3A_93, %select_n3A_94, %select_n3A_91 : i32
      %add3A_96 = arith.addi %select_n3A_95, %mul3A_0 : i32
      "tpu.trace_start"() <{level = 10 : i32, message = "ep_finalize"}> : () -> ()
      %rem3A_97 = arith.constant 2 : i32
      %rem3A_98 = arith.remui %scan3A_60#3, %rem3A_97 : i32
      %mul3A_99 = arith.constant 128 : i32
      %mul3A_100 = arith.muli %mul3A_99, %add3A_69 : i32
      %dma_wait3A = arith.constant 0 : i32
      %dma_wait3A_101 = arith.constant 0 : i32
      %dma_wait3A_102 = tpu.memref_slice %run_scoped3A_2[%rem3A_98, %dma_wait3A, %dma_wait3A_101] : memref<2x128x256xf32, #tpu.memory_space<vmem>> -> memref<1x128x256xf32, #tpu.memory_space<vmem>>
      %dma_wait3A_103 = tpu.memref_squeeze %dma_wait3A_102 : memref<1x128x256xf32, #tpu.memory_space<vmem>> -> memref<128x256xf32, #tpu.memory_space<vmem>>
      %dma_wait3A_104 = arith.constant 0 : i32
      %dma_wait3A_105 = tpu.memref_slice %arg4[%mul3A_100, %dma_wait3A_104] : memref<8192x256xf32, #tpu.memory_space<hbm>> -> memref<128x256xf32, #tpu.memory_space<hbm>>
      %dma_wait3A_106 = tpu.memref_slice %run_scoped3A_3[%rem3A_98] : memref<2x!tpu.dma_semaphore, #tpu.memory_space<semaphore_mem>> -> memref<1x!tpu.dma_semaphore, #tpu.memory_space<semaphore_mem>>
      %dma_wait3A_107 = tpu.memref_squeeze %dma_wait3A_106 : memref<1x!tpu.dma_semaphore, #tpu.memory_space<semaphore_mem>> -> memref<!tpu.dma_semaphore, #tpu.memory_space<semaphore_mem>>
      %dma_wait3A_108 = arith.constant 0 : i32
      %dma_wait3A_109 = tpu.memref_slice %arg4[%mul3A_100, %dma_wait3A_108] : memref<8192x256xf32, #tpu.memory_space<hbm>> -> memref<128x256xf32, #tpu.memory_space<hbm>>
      %dma_wait3A_110 = arith.constant 0 : i32
      %dma_wait3A_111 = arith.constant 0 : i32
      %dma_wait3A_112 = tpu.memref_slice %run_scoped3A_2[%rem3A_98, %dma_wait3A_110, %dma_wait3A_111] : memref<2x128x256xf32, #tpu.memory_space<vmem>> -> memref<1x128x256xf32, #tpu.memory_space<vmem>>
      %dma_wait3A_113 = tpu.memref_squeeze %dma_wait3A_112 : memref<1x128x256xf32, #tpu.memory_space<vmem>> -> memref<128x256xf32, #tpu.memory_space<vmem>>
      tpu.wait_dma2 semaphore(%dma_wait3A_107 : memref<!tpu.dma_semaphore, #tpu.memory_space<semaphore_mem>>) src(%dma_wait3A_113 : memref<128x256xf32, #tpu.memory_space<vmem>>) dst(%dma_wait3A_109 : memref<128x256xf32, #tpu.memory_space<hbm>>)
      "tpu.trace_stop"() : () -> ()
      tpu.yield
    }) : () -> ()
    return
  }
}

#map = affine_map<(d0, d1) -> (0, 0)>
module attributes {stable_mosaic.version = 14 : i64} {
  func.func @k(%arg0: i32, %arg1: i32, %arg2: memref<1024x256xf32, #tpu.memory_space<hbm>>, %arg3: memref<1x8192xi32, #tpu.memory_space<hbm>>, %arg4: memref<8192x256xf32, #tpu.memory_space<hbm>>) attributes {dimension_semantics = [#tpu.dimension_semantics<core_parallel>, #tpu.dimension_semantics<subcore_parallel>], iteration_bounds = array<i64: 2, 16>, scalar_prefetch = 0 : i64, scratch_operands = 0 : i64, tpu.core_type = #tpu.core_type<sc_vector_subcore>, window_params = [{transform_indices = #map}, {transform_indices = #map}, {transform_indices = #map}]} {
    %mul3A = arith.constant 4 : i32
    %mul3A_0 = arith.muli %arg1, %mul3A : i32
    "tpu.region"() ({
      %run_scoped3A = memref.alloca() : memref<2x1x128xi32, #tpu.memory_space<vmem>>
      %run_scoped3A_1 = tpu.sem_alloc : memref<2x!tpu.dma_semaphore, #tpu.memory_space<semaphore_mem>>
      %run_scoped3A_2 = memref.alloca() : memref<2x128x256xf32, #tpu.memory_space<vmem>>
      %run_scoped3A_3 = tpu.sem_alloc : memref<2x!tpu.dma_semaphore, #tpu.memory_space<semaphore_mem>>
      %add3A = arith.constant 0 : i32
      %add3A_4 = arith.addi %add3A, %mul3A_0 : i32
      %select_n3A = arith.constant true
      %select_n3A_5 = arith.constant 0 : i32
      %select_n3A_6 = arith.constant -1 : i32
      %select_n3A_7 = arith.select %select_n3A, %select_n3A_6, %select_n3A_5 : i32
      %eq3A = arith.constant -1 : i32
      %eq3A_8 = arith.cmpi eq, %select_n3A_7, %eq3A : i32
      %select_n3A_9 = arith.constant 3 : i32
      %select_n3A_10 = arith.select %eq3A_8, %select_n3A_9, %select_n3A_7 : i32
      %add3A_11 = arith.addi %select_n3A_10, %mul3A_0 : i32
      %select_n3A_12 = arith.constant true
      %select_n3A_13 = arith.constant 0 : i32
      %select_n3A_14 = arith.constant 1 : i32
      %select_n3A_15 = arith.select %select_n3A_12, %select_n3A_14, %select_n3A_13 : i32
      %eq3A_16 = arith.constant 4 : i32
      %eq3A_17 = arith.cmpi eq, %select_n3A_15, %eq3A_16 : i32
      %select_n3A_18 = arith.constant 0 : i32
      %select_n3A_19 = arith.select %eq3A_17, %select_n3A_18, %select_n3A_15 : i32
      %add3A_20 = arith.addi %select_n3A_19, %mul3A_0 : i32
      %add3A_21 = arith.constant 1 : i32
      %add3A_22 = arith.addi %select_n3A_19, %add3A_21 : i32
      %select_n3A_23 = arith.constant true
      %select_n3A_24 = arith.select %select_n3A_23, %add3A_22, %select_n3A_19 : i32
      %eq3A_25 = arith.constant 4 : i32
      %eq3A_26 = arith.cmpi eq, %select_n3A_24, %eq3A_25 : i32
      %select_n3A_27 = arith.constant 0 : i32
      %select_n3A_28 = arith.select %eq3A_26, %select_n3A_27, %select_n3A_24 : i32
      %add3A_29 = arith.addi %select_n3A_28, %mul3A_0 : i32
      "tpu.trace_start"() <{level = 10 : i32, message = "ep_initialize_0"}> : () -> ()
      %rem3A = arith.constant 0 : i32
      %rem3A_30 = arith.constant 2 : i32
      %rem3A_31 = arith.remui %rem3A, %rem3A_30 : i32
      %mul3A_32 = arith.constant 128 : i32
      %mul3A_33 = arith.muli %mul3A_32, %add3A_4 : i32
      %dma_start3A = arith.constant 0 : i32
      %dma_start3A_34 = arith.constant 0 : i32
      %dma_start3A_35 = tpu.memref_slice %run_scoped3A[%rem3A_31, %dma_start3A, %dma_start3A_34] : memref<2x1x128xi32, #tpu.memory_space<vmem>> -> memref<1x1x128xi32, #tpu.memory_space<vmem>>
      %dma_start3A_36 = tpu.memref_squeeze %dma_start3A_35 : memref<1x1x128xi32, #tpu.memory_space<vmem>> -> memref<1x128xi32, #tpu.memory_space<vmem>>
      %dma_start3A_37 = arith.constant 0 : i32
      %dma_start3A_38 = tpu.memref_slice %arg3[%dma_start3A_37, %mul3A_33] : memref<1x8192xi32, #tpu.memory_space<hbm>> -> memref<1x128xi32, #tpu.memory_space<hbm>>
      %dma_start3A_39 = tpu.memref_slice %run_scoped3A_1[%rem3A_31] : memref<2x!tpu.dma_semaphore, #tpu.memory_space<semaphore_mem>> -> memref<1x!tpu.dma_semaphore, #tpu.memory_space<semaphore_mem>>
      %dma_start3A_40 = tpu.memref_squeeze %dma_start3A_39 : memref<1x!tpu.dma_semaphore, #tpu.memory_space<semaphore_mem>> -> memref<!tpu.dma_semaphore, #tpu.memory_space<semaphore_mem>>
      %dma_start3A_41 = arith.constant 0 : i32
      %dma_start3A_42 = arith.constant 0 : i32
      %dma_start3A_43 = tpu.memref_slice %run_scoped3A[%rem3A_31, %dma_start3A_41, %dma_start3A_42] : memref<2x1x128xi32, #tpu.memory_space<vmem>> -> memref<1x1x128xi32, #tpu.memory_space<vmem>>
      %dma_start3A_44 = tpu.memref_squeeze %dma_start3A_43 : memref<1x1x128xi32, #tpu.memory_space<vmem>> -> memref<1x128xi32, #tpu.memory_space<vmem>>
      %dma_start3A_45 = arith.constant 0 : i32
      %dma_start3A_46 = tpu.memref_slice %arg3[%dma_start3A_45, %mul3A_33] : memref<1x8192xi32, #tpu.memory_space<hbm>> -> memref<1x128xi32, #tpu.memory_space<hbm>>
      tpu.enqueue_dma source(%dma_start3A_46 : memref<1x128xi32, #tpu.memory_space<hbm>>) target(%dma_start3A_44 : memref<1x128xi32, #tpu.memory_space<vmem>>) target_semaphore(%dma_start3A_40 : memref<!tpu.dma_semaphore, #tpu.memory_space<semaphore_mem>>)
      %add3A_47 = arith.constant 0 : i32
      %add3A_48 = arith.constant 1 : i32
      %add3A_49 = arith.addi %add3A_47, %add3A_48 : i32
      %select_n3A_50 = arith.constant true
      %select_n3A_51 = arith.constant 0 : i32
      %select_n3A_52 = arith.select %select_n3A_50, %add3A_49, %select_n3A_51 : i32
      "tpu.trace_stop"() : () -> ()
      %scan3A = arith.constant 0 : i32
      %scan3A_53 = arith.constant 0 : i32
      %scan3A_54 = arith.constant 0 : i32
      %scan3A_55 = arith.constant 0 : i32
      %scan3A_56 = arith.constant 0 : i32
      %scan3A_57 = arith.constant 4 : i32
      %scan3A_58 = arith.addi %scan3A_56, %scan3A_57 : i32
      %scan3A_59 = arith.constant 1 : i32
      %scan3A_60:5 = scf.for %scan3A_114 = %scan3A_56 to %scan3A_58 step %scan3A_59 iter_args(%scan3A_115 = %select_n3A_52, %scan3A_116 = %scan3A, %scan3A_117 = %scan3A_53, %scan3A_118 = %scan3A_54, %scan3A_119 = %scan3A_55) -> (i32, i32, i32, i32, i32)  : i32 {
        %eq3A_120 = arith.constant 0 : i32
        %eq3A_121 = arith.cmpi eq, %scan3A_114, %eq3A_120 : i32
        %eq3A_122 = arith.constant 3 : i32
        %eq3A_123 = arith.cmpi eq, %scan3A_114, %eq3A_122 : i32
        %add3A_124 = arith.addi %scan3A_119, %mul3A_0 : i32
        %sub3A_125 = arith.constant 1 : i32
        %sub3A_126 = arith.subi %scan3A_119, %sub3A_125 : i32
        %select_n3A_127 = arith.constant true
        %select_n3A_128 = arith.select %select_n3A_127, %sub3A_126, %scan3A_119 : i32
        %eq3A_129 = arith.constant -1 : i32
        %eq3A_130 = arith.cmpi eq, %select_n3A_128, %eq3A_129 : i32
        %select_n3A_131 = arith.constant 3 : i32
        %select_n3A_132 = arith.select %eq3A_130, %select_n3A_131, %select_n3A_128 : i32
        %add3A_133 = arith.addi %select_n3A_132, %mul3A_0 : i32
        %add3A_134 = arith.constant 1 : i32
        %add3A_135 = arith.addi %scan3A_119, %add3A_134 : i32
        %select_n3A_136 = arith.constant true
        %select_n3A_137 = arith.select %select_n3A_136, %add3A_135, %scan3A_119 : i32
        %eq3A_138 = arith.constant 4 : i32
        %eq3A_139 = arith.cmpi eq, %select_n3A_137, %eq3A_138 : i32
        %select_n3A_140 = arith.constant 0 : i32
        %select_n3A_141 = arith.select %eq3A_139, %select_n3A_140, %select_n3A_137 : i32
        %add3A_142 = arith.addi %select_n3A_141, %mul3A_0 : i32
        %add3A_143 = arith.constant 1 : i32
        %add3A_144 = arith.addi %select_n3A_141, %add3A_143 : i32
        %select_n3A_145 = arith.constant true
        %select_n3A_146 = arith.select %select_n3A_145, %add3A_144, %select_n3A_141 : i32
        %eq3A_147 = arith.constant 4 : i32
        %eq3A_148 = arith.cmpi eq, %select_n3A_146, %eq3A_147 : i32
        %select_n3A_149 = arith.constant 0 : i32
        %select_n3A_150 = arith.select %eq3A_148, %select_n3A_149, %select_n3A_146 : i32
        %add3A_151 = arith.addi %select_n3A_150, %mul3A_0 : i32
        %ne3A = arith.cmpi ne, %add3A_124, %add3A_142 : i32
        %or3A = arith.constant false
        %or3A_152 = arith.ori %or3A, %ne3A : i1
        %ge3A = arith.constant 3 : i32
        %ge3A_153 = arith.cmpi sge, %scan3A_114, %ge3A : i32
        %not3A = arith.constant true
        %not3A_154 = arith.xori %ge3A_153, %not3A : i1
        %and3A = arith.andi %or3A_152, %not3A_154 : i1
        %convert_element_type3A = arith.extui %and3A : i1 to i32
        %cond3A = arith.constant 0 : i32
        %cond3A_155 = arith.cmpi ne, %convert_element_type3A, %cond3A : i32
        scf.if %cond3A_155 {
          "tpu.trace_start"() <{level = 10 : i32, message = "ep_copy_in"}> : () -> ()
          %rem3A_257 = arith.constant 2 : i32
          %rem3A_258 = arith.remui %scan3A_115, %rem3A_257 : i32
          %mul3A_259 = arith.constant 128 : i32
          %mul3A_260 = arith.muli %mul3A_259, %add3A_142 : i32
          %dma_start3A_261 = arith.constant 0 : i32
          %dma_start3A_262 = arith.constant 0 : i32
          %dma_start3A_263 = tpu.memref_slice %run_scoped3A[%rem3A_258, %dma_start3A_261, %dma_start3A_262] : memref<2x1x128xi32, #tpu.memory_space<vmem>> -> memref<1x1x128xi32, #tpu.memory_space<vmem>>
          %dma_start3A_264 = tpu.memref_squeeze %dma_start3A_263 : memref<1x1x128xi32, #tpu.memory_space<vmem>> -> memref<1x128xi32, #tpu.memory_space<vmem>>
          %dma_start3A_265 = arith.constant 0 : i32
          %dma_start3A_266 = tpu.memref_slice %arg3[%dma_start3A_265, %mul3A_260] : memref<1x8192xi32, #tpu.memory_space<hbm>> -> memref<1x128xi32, #tpu.memory_space<hbm>>
          %dma_start3A_267 = tpu.memref_slice %run_scoped3A_1[%rem3A_258] : memref<2x!tpu.dma_semaphore, #tpu.memory_space<semaphore_mem>> -> memref<1x!tpu.dma_semaphore, #tpu.memory_space<semaphore_mem>>
          %dma_start3A_268 = tpu.memref_squeeze %dma_start3A_267 : memref<1x!tpu.dma_semaphore, #tpu.memory_space<semaphore_mem>> -> memref<!tpu.dma_semaphore, #tpu.memory_space<semaphore_mem>>
          %dma_start3A_269 = arith.constant 0 : i32
          %dma_start3A_270 = arith.constant 0 : i32
          %dma_start3A_271 = tpu.memref_slice %run_scoped3A[%rem3A_258, %dma_start3A_269, %dma_start3A_270] : memref<2x1x128xi32, #tpu.memory_space<vmem>> -> memref<1x1x128xi32, #tpu.memory_space<vmem>>
          %dma_start3A_272 = tpu.memref_squeeze %dma_start3A_271 : memref<1x1x128xi32, #tpu.memory_space<vmem>> -> memref<1x128xi32, #tpu.memory_space<vmem>>
          %dma_start3A_273 = arith.constant 0 : i32
          %dma_start3A_274 = tpu.memref_slice %arg3[%dma_start3A_273, %mul3A_260] : memref<1x8192xi32, #tpu.memory_space<hbm>> -> memref<1x128xi32, #tpu.memory_space<hbm>>
          tpu.enqueue_dma source(%dma_start3A_274 : memref<1x128xi32, #tpu.memory_space<hbm>>) target(%dma_start3A_272 : memref<1x128xi32, #tpu.memory_space<vmem>>) target_semaphore(%dma_start3A_268 : memref<!tpu.dma_semaphore, #tpu.memory_space<semaphore_mem>>)
          "tpu.trace_stop"() : () -> ()
        } else {
        }
        %and3A_156 = arith.constant true
        %and3A_157 = arith.andi %and3A, %and3A_156 : i1
        %add3A_158 = arith.constant 1 : i32
        %add3A_159 = arith.addi %scan3A_115, %add3A_158 : i32
        %select_n3A_160 = arith.select %and3A_157, %add3A_159, %scan3A_115 : i32
        %ne3A_161 = arith.cmpi ne, %add3A_124, %add3A_142 : i32
        %or3A_162 = arith.constant false
        %or3A_163 = arith.ori %or3A_162, %ne3A_161 : i1
        %or3A_164 = arith.constant false
        %or3A_165 = arith.ori %or3A_163, %or3A_164 : i1
        %ge3A_166 = arith.constant 3 : i32
        %ge3A_167 = arith.cmpi sge, %scan3A_114, %ge3A_166 : i32
        %not3A_168 = arith.constant true
        %not3A_169 = arith.xori %ge3A_167, %not3A_168 : i1
        %and3A_170 = arith.andi %or3A_165, %not3A_169 : i1
        %ne3A_171 = arith.cmpi ne, %add3A_124, %add3A_133 : i32
        %or3A_172 = arith.constant false
        %or3A_173 = arith.ori %or3A_172, %ne3A_171 : i1
        %or3A_174 = arith.ori %or3A_173, %eq3A_121 : i1
        %convert_element_type3A_175 = arith.extui %or3A_174 : i1 to i32
        %cond3A_176 = arith.constant 0 : i32
        %cond3A_177 = arith.cmpi ne, %convert_element_type3A_175, %cond3A_176 : i32
        scf.if %cond3A_177 {
          "tpu.trace_start"() <{level = 10 : i32, message = "ep_wait_in"}> : () -> ()
          %mul3A_257 = arith.constant 128 : i32
          %mul3A_258 = arith.muli %mul3A_257, %add3A_124 : i32
          %rem3A_259 = arith.constant 2 : i32
          %rem3A_260 = arith.remui %scan3A_116, %rem3A_259 : i32
          %dma_wait3A_261 = arith.constant 0 : i32
          %dma_wait3A_262 = arith.constant 0 : i32
          %dma_wait3A_263 = tpu.memref_slice %run_scoped3A[%rem3A_260, %dma_wait3A_261, %dma_wait3A_262] : memref<2x1x128xi32, #tpu.memory_space<vmem>> -> memref<1x1x128xi32, #tpu.memory_space<vmem>>
          %dma_wait3A_264 = tpu.memref_squeeze %dma_wait3A_263 : memref<1x1x128xi32, #tpu.memory_space<vmem>> -> memref<1x128xi32, #tpu.memory_space<vmem>>
          %dma_wait3A_265 = arith.constant 0 : i32
          %dma_wait3A_266 = tpu.memref_slice %arg3[%dma_wait3A_265, %mul3A_258] : memref<1x8192xi32, #tpu.memory_space<hbm>> -> memref<1x128xi32, #tpu.memory_space<hbm>>
          %dma_wait3A_267 = tpu.memref_slice %run_scoped3A_1[%rem3A_260] : memref<2x!tpu.dma_semaphore, #tpu.memory_space<semaphore_mem>> -> memref<1x!tpu.dma_semaphore, #tpu.memory_space<semaphore_mem>>
          %dma_wait3A_268 = tpu.memref_squeeze %dma_wait3A_267 : memref<1x!tpu.dma_semaphore, #tpu.memory_space<semaphore_mem>> -> memref<!tpu.dma_semaphore, #tpu.memory_space<semaphore_mem>>
          %dma_wait3A_269 = arith.constant 0 : i32
          %dma_wait3A_270 = arith.constant 0 : i32
          %dma_wait3A_271 = tpu.memref_slice %run_scoped3A[%rem3A_260, %dma_wait3A_269, %dma_wait3A_270] : memref<2x1x128xi32, #tpu.memory_space<vmem>> -> memref<1x1x128xi32, #tpu.memory_space<vmem>>
          %dma_wait3A_272 = tpu.memref_squeeze %dma_wait3A_271 : memref<1x1x128xi32, #tpu.memory_space<vmem>> -> memref<1x128xi32, #tpu.memory_space<vmem>>
          %dma_wait3A_273 = arith.constant 0 : i32
          %dma_wait3A_274 = tpu.memref_slice %arg3[%dma_wait3A_273, %mul3A_258] : memref<1x8192xi32, #tpu.memory_space<hbm>> -> memref<1x128xi32, #tpu.memory_space<hbm>>
          tpu.wait_dma2 semaphore(%dma_wait3A_268 : memref<!tpu.dma_semaphore, #tpu.memory_space<semaphore_mem>>) src(%dma_wait3A_274 : memref<1x128xi32, #tpu.memory_space<hbm>>) dst(%dma_wait3A_272 : memref<1x128xi32, #tpu.memory_space<vmem>>)
          "tpu.trace_stop"() : () -> ()
        } else {
        }
        %ne3A_178 = arith.cmpi ne, %add3A_124, %add3A_133 : i32
        %or3A_179 = arith.constant false
        %or3A_180 = arith.ori %or3A_179, %ne3A_178 : i1
        %or3A_181 = arith.constant false
        %or3A_182 = arith.ori %or3A_180, %or3A_181 : i1
        %or3A_183 = arith.ori %or3A_182, %eq3A_121 : i1
        %convert_element_type3A_184 = arith.extui %or3A_183 : i1 to i32
        %cond3A_185 = arith.constant 0 : i32
        %cond3A_186 = arith.cmpi ne, %convert_element_type3A_184, %cond3A_185 : i32
        scf.if %cond3A_186 {
        } else {
        }
        %rem3A_187 = arith.constant 2 : i32
        %rem3A_188 = arith.remui %scan3A_116, %rem3A_187 : i32
        %rem3A_189 = arith.constant 2 : i32
        %rem3A_190 = arith.remui %scan3A_117, %rem3A_189 : i32
        %run_scoped3A_191 = arith.constant 0 : i32
        "tpu.trace_start"() <{level = 10 : i32, message = "ep_run_kernel"}> : () -> ()
        "tpu.region"() ({
          %run_scoped3A_257 = tpu.sem_alloc : memref<!tpu.dma_semaphore, #tpu.memory_space<semaphore_mem>>
          %dma_start3A_258 = arith.constant 0 : i32
          %dma_start3A_259 = arith.constant 0 : i32
          %dma_start3A_260 = tpu.memref_slice %run_scoped3A_2[%rem3A_190, %dma_start3A_258, %dma_start3A_259] : memref<2x128x256xf32, #tpu.memory_space<vmem>> -> memref<1x128x256xf32, #tpu.memory_space<vmem>>
          %dma_start3A_261 = tpu.memref_squeeze %dma_start3A_260 : memref<1x128x256xf32, #tpu.memory_space<vmem>> -> memref<128x256xf32, #tpu.memory_space<vmem>>
          %dma_start3A_262 = arith.constant 0 : i32
          %dma_start3A_263 = arith.constant 0 : i32
          %dma_start3A_264 = tpu.memref_slice %run_scoped3A[%rem3A_188, %dma_start3A_262, %dma_start3A_263] : memref<2x1x128xi32, #tpu.memory_space<vmem>> -> memref<1x1x128xi32, #tpu.memory_space<vmem>>
          %dma_start3A_265 = tpu.memref_squeeze %dma_start3A_264 : memref<1x1x128xi32, #tpu.memory_space<vmem>> -> memref<1x128xi32, #tpu.memory_space<vmem>>
          %dma_start3A_266 = arith.constant 0 : i32
          %dma_start3A_267 = tpu.memref_slice %dma_start3A_265[%run_scoped3A_191, %dma_start3A_266] : memref<1x128xi32, #tpu.memory_space<vmem>> -> memref<1x128xi32, #tpu.memory_space<vmem>>
          %dma_start3A_268 = tpu.memref_squeeze %dma_start3A_267 : memref<1x128xi32, #tpu.memory_space<vmem>> -> memref<128xi32, #tpu.memory_space<vmem>>
          %dma_start3A_269 = arith.constant 0 : i32
          %dma_start3A_270 = arith.constant 0 : i32
          %dma_start3A_271 = tpu.memref_slice %arg2[%dma_start3A_269, %dma_start3A_270] : memref<1024x256xf32, #tpu.memory_space<hbm>> -> memref<1024x256xf32, #tpu.memory_space<hbm>>
          tpu.enqueue_indirect_dma source(%dma_start3A_271 : memref<1024x256xf32, #tpu.memory_space<hbm>>) target(%dma_start3A_261 : memref<128x256xf32, #tpu.memory_space<vmem>>) offsets(%dma_start3A_268 : memref<128xi32, #tpu.memory_space<vmem>>) semaphore(%run_scoped3A_257 : memref<!tpu.dma_semaphore, #tpu.memory_space<semaphore_mem>>)
          %dma_wait3A_272 = arith.constant 0 : i32
          %dma_wait3A_273 = arith.constant 0 : i32
          %dma_wait3A_274 = tpu.memref_slice %run_scoped3A_2[%rem3A_190, %dma_wait3A_272, %dma_wait3A_273] : memref<2x128x256xf32, #tpu.memory_space<vmem>> -> memref<1x128x256xf32, #tpu.memory_space<vmem>>
          %dma_wait3A_275 = tpu.memref_squeeze %dma_wait3A_274 : memref<1x128x256xf32, #tpu.memory_space<vmem>> -> memref<128x256xf32, #tpu.memory_space<vmem>>
          %dma_wait3A_276 = arith.constant 0 : i32
          %dma_wait3A_277 = arith.constant 0 : i32
          %dma_wait3A_278 = tpu.memref_slice %run_scoped3A[%rem3A_188, %dma_wait3A_276, %dma_wait3A_277] : memref<2x1x128xi32, #tpu.memory_space<vmem>> -> memref<1x1x128xi32, #tpu.memory_space<vmem>>
          %dma_wait3A_279 = tpu.memref_squeeze %dma_wait3A_278 : memref<1x1x128xi32, #tpu.memory_space<vmem>> -> memref<1x128xi32, #tpu.memory_space<vmem>>
          %dma_wait3A_280 = arith.constant 0 : i32
          %dma_wait3A_281 = tpu.memref_slice %dma_wait3A_279[%run_scoped3A_191, %dma_wait3A_280] : memref<1x128xi32, #tpu.memory_space<vmem>> -> memref<1x128xi32, #tpu.memory_space<vmem>>
          %dma_wait3A_282 = tpu.memref_squeeze %dma_wait3A_281 : memref<1x128xi32, #tpu.memory_space<vmem>> -> memref<128xi32, #tpu.memory_space<vmem>>
          %dma_wait3A_283 = arith.constant 0 : i32
          %dma_wait3A_284 = arith.constant 0 : i32
          %dma_wait3A_285 = tpu.memref_slice %arg2[%dma_wait3A_283, %dma_wait3A_284] : memref<1024x256xf32, #tpu.memory_space<hbm>> -> memref<1024x256xf32, #tpu.memory_space<hbm>>
          tpu.wait_indirect_dma semaphore(%run_scoped3A_257 : memref<!tpu.dma_semaphore, #tpu.memory_space<semaphore_mem>>) src(%dma_wait3A_285 : memref<1024x256xf32, #tpu.memory_space<hbm>>) dst(%dma_wait3A_275 : memref<128x256xf32, #tpu.memory_space<vmem>>)
          tpu.yield
        }) : () -> ()
        "tpu.trace_stop"() : () -> ()
        %ne3A_192 = arith.cmpi ne, %add3A_124, %add3A_142 : i32
        %or3A_193 = arith.constant false
        %or3A_194 = arith.ori %or3A_193, %ne3A_192 : i1
        %or3A_195 = arith.ori %or3A_194, %eq3A_123 : i1
        %convert_element_type3A_196 = arith.extui %or3A_195 : i1 to i32
        %cond3A_197 = arith.constant 0 : i32
        %cond3A_198 = arith.cmpi ne, %convert_element_type3A_196, %cond3A_197 : i32
        scf.if %cond3A_198 {
        } else {
        }
        %and3A_199 = arith.constant false
        %and3A_200 = arith.andi %or3A_195, %and3A_199 : i1
        %ne3A_201 = arith.cmpi ne, %add3A_124, %add3A_142 : i32
        %or3A_202 = arith.constant false
        %or3A_203 = arith.ori %or3A_202, %ne3A_201 : i1
        %or3A_204 = arith.constant false
        %or3A_205 = arith.ori %or3A_203, %or3A_204 : i1
        %or3A_206 = arith.ori %or3A_205, %eq3A_123 : i1
        %convert_element_type3A_207 = arith.extui %or3A_206 : i1 to i32
        %cond3A_208 = arith.constant 0 : i32
        %cond3A_209 = arith.cmpi ne, %convert_element_type3A_207, %cond3A_208 : i32
        scf.if %cond3A_209 {
          "tpu.trace_start"() <{level = 10 : i32, message = "ep_copy_out"}> : () -> ()
          %rem3A_257 = arith.constant 2 : i32
          %rem3A_258 = arith.remui %scan3A_117, %rem3A_257 : i32
          %mul3A_259 = arith.constant 128 : i32
          %mul3A_260 = arith.muli %mul3A_259, %add3A_124 : i32
          %dma_start3A_261 = arith.constant 0 : i32
          %dma_start3A_262 = arith.constant 0 : i32
          %dma_start3A_263 = tpu.memref_slice %run_scoped3A_2[%rem3A_258, %dma_start3A_261, %dma_start3A_262] : memref<2x128x256xf32, #tpu.memory_space<vmem>> -> memref<1x128x256xf32, #tpu.memory_space<vmem>>
          %dma_start3A_264 = tpu.memref_squeeze %dma_start3A_263 : memref<1x128x256xf32, #tpu.memory_space<vmem>> -> memref<128x256xf32, #tpu.memory_space<vmem>>
          %dma_start3A_265 = arith.constant 0 : i32
          %dma_start3A_266 = tpu.memref_slice %arg4[%mul3A_260, %dma_start3A_265] : memref<8192x256xf32, #tpu.memory_space<hbm>> -> memref<128x256xf32, #tpu.memory_space<hbm>>
          %dma_start3A_267 = tpu.memref_slice %run_scoped3A_3[%rem3A_258] : memref<2x!tpu.dma_semaphore, #tpu.memory_space<semaphore_mem>> -> memref<1x!tpu.dma_semaphore, #tpu.memory_space<semaphore_mem>>
          %dma_start3A_268 = tpu.memref_squeeze %dma_start3A_267 : memref<1x!tpu.dma_semaphore, #tpu.memory_space<semaphore_mem>> -> memref<!tpu.dma_semaphore, #tpu.memory_space<semaphore_mem>>
          %dma_start3A_269 = arith.constant 0 : i32
          %dma_start3A_270 = tpu.memref_slice %arg4[%mul3A_260, %dma_start3A_269] : memref<8192x256xf32, #tpu.memory_space<hbm>> -> memref<128x256xf32, #tpu.memory_space<hbm>>
          %dma_start3A_271 = arith.constant 0 : i32
          %dma_start3A_272 = arith.constant 0 : i32
          %dma_start3A_273 = tpu.memref_slice %run_scoped3A_2[%rem3A_258, %dma_start3A_271, %dma_start3A_272] : memref<2x128x256xf32, #tpu.memory_space<vmem>> -> memref<1x128x256xf32, #tpu.memory_space<vmem>>
          %dma_start3A_274 = tpu.memref_squeeze %dma_start3A_273 : memref<1x128x256xf32, #tpu.memory_space<vmem>> -> memref<128x256xf32, #tpu.memory_space<vmem>>
          tpu.enqueue_dma source(%dma_start3A_274 : memref<128x256xf32, #tpu.memory_space<vmem>>) target(%dma_start3A_270 : memref<128x256xf32, #tpu.memory_space<hbm>>) target_semaphore(%dma_start3A_268 : memref<!tpu.dma_semaphore, #tpu.memory_space<semaphore_mem>>)
          "tpu.trace_stop"() : () -> ()
        } else {
        }
        %and3A_210 = arith.constant true
        %and3A_211 = arith.andi %or3A_206, %and3A_210 : i1
        %add3A_212 = arith.constant 1 : i32
        %add3A_213 = arith.addi %scan3A_117, %add3A_212 : i32
        %select_n3A_214 = arith.select %and3A_211, %add3A_213, %scan3A_117 : i32
        %ne3A_215 = arith.cmpi ne, %add3A_124, %add3A_133 : i32
        %or3A_216 = arith.constant false
        %or3A_217 = arith.ori %or3A_216, %ne3A_215 : i1
        %not3A_218 = arith.constant true
        %not3A_219 = arith.xori %eq3A_121, %not3A_218 : i1
        %and3A_220 = arith.andi %or3A_217, %not3A_219 : i1
        %convert_element_type3A_221 = arith.extui %and3A_220 : i1 to i32
        %cond3A_222 = arith.constant 0 : i32
        %cond3A_223 = arith.cmpi ne, %convert_element_type3A_221, %cond3A_222 : i32
        scf.if %cond3A_223 {
        } else {
        }
        %and3A_224 = arith.constant false
        %and3A_225 = arith.andi %and3A_220, %and3A_224 : i1
        %ne3A_226 = arith.cmpi ne, %add3A_124, %add3A_133 : i32
        %or3A_227 = arith.constant false
        %or3A_228 = arith.ori %or3A_227, %ne3A_226 : i1
        %or3A_229 = arith.constant false
        %or3A_230 = arith.ori %or3A_228, %or3A_229 : i1
        %not3A_231 = arith.constant true
        %not3A_232 = arith.xori %eq3A_121, %not3A_231 : i1
        %and3A_233 = arith.andi %or3A_230, %not3A_232 : i1
        %convert_element_type3A_234 = arith.extui %and3A_233 : i1 to i32
        %cond3A_235 = arith.constant 0 : i32
        %cond3A_236 = arith.cmpi ne, %convert_element_type3A_234, %cond3A_235 : i32
        scf.if %cond3A_236 {
          "tpu.trace_start"() <{level = 10 : i32, message = "ep_wait_out"}> : () -> ()
          %rem3A_257 = arith.constant 2 : i32
          %rem3A_258 = arith.remui %scan3A_118, %rem3A_257 : i32
          %mul3A_259 = arith.constant 128 : i32
          %mul3A_260 = arith.muli %mul3A_259, %add3A_133 : i32
          %dma_wait3A_261 = arith.constant 0 : i32
          %dma_wait3A_262 = arith.constant 0 : i32
          %dma_wait3A_263 = tpu.memref_slice %run_scoped3A_2[%rem3A_258, %dma_wait3A_261, %dma_wait3A_262] : memref<2x128x256xf32, #tpu.memory_space<vmem>> -> memref<1x128x256xf32, #tpu.memory_space<vmem>>
          %dma_wait3A_264 = tpu.memref_squeeze %dma_wait3A_263 : memref<1x128x256xf32, #tpu.memory_space<vmem>> -> memref<128x256xf32, #tpu.memory_space<vmem>>
          %dma_wait3A_265 = arith.constant 0 : i32
          %dma_wait3A_266 = tpu.memref_slice %arg4[%mul3A_260, %dma_wait3A_265] : memref<8192x256xf32, #tpu.memory_space<hbm>> -> memref<128x256xf32, #tpu.memory_space<hbm>>
          %dma_wait3A_267 = tpu.memref_slice %run_scoped3A_3[%rem3A_258] : memref<2x!tpu.dma_semaphore, #tpu.memory_space<semaphore_mem>> -> memref<1x!tpu.dma_semaphore, #tpu.memory_space<semaphore_mem>>
          %dma_wait3A_268 = tpu.memref_squeeze %dma_wait3A_267 : memref<1x!tpu.dma_semaphore, #tpu.memory_space<semaphore_mem>> -> memref<!tpu.dma_semaphore, #tpu.memory_space<semaphore_mem>>
          %dma_wait3A_269 = arith.constant 0 : i32
          %dma_wait3A_270 = tpu.memref_slice %arg4[%mul3A_260, %dma_wait3A_269] : memref<8192x256xf32, #tpu.memory_space<hbm>> -> memref<128x256xf32, #tpu.memory_space<hbm>>
          %dma_wait3A_271 = arith.constant 0 : i32
          %dma_wait3A_272 = arith.constant 0 : i32
          %dma_wait3A_273 = tpu.memref_slice %run_scoped3A_2[%rem3A_258, %dma_wait3A_271, %dma_wait3A_272] : memref<2x128x256xf32, #tpu.memory_space<vmem>> -> memref<1x128x256xf32, #tpu.memory_space<vmem>>
          %dma_wait3A_274 = tpu.memref_squeeze %dma_wait3A_273 : memref<1x128x256xf32, #tpu.memory_space<vmem>> -> memref<128x256xf32, #tpu.memory_space<vmem>>
          tpu.wait_dma2 semaphore(%dma_wait3A_268 : memref<!tpu.dma_semaphore, #tpu.memory_space<semaphore_mem>>) src(%dma_wait3A_274 : memref<128x256xf32, #tpu.memory_space<vmem>>) dst(%dma_wait3A_270 : memref<128x256xf32, #tpu.memory_space<hbm>>)
          "tpu.trace_stop"() : () -> ()
        } else {
        }
        %and3A_237 = arith.constant true
        %and3A_238 = arith.andi %and3A_233, %and3A_237 : i1
        %add3A_239 = arith.constant 1 : i32
        %add3A_240 = arith.addi %scan3A_118, %add3A_239 : i32
        %select_n3A_241 = arith.select %and3A_238, %add3A_240, %scan3A_118 : i32
        %ne3A_242 = arith.cmpi ne, %add3A_124, %add3A_142 : i32
        %or3A_243 = arith.constant false
        %or3A_244 = arith.ori %or3A_243, %ne3A_242 : i1
        %or3A_245 = arith.ori %or3A_244, %eq3A_123 : i1
        %add3A_246 = arith.constant 1 : i32
        %add3A_247 = arith.addi %scan3A_116, %add3A_246 : i32
        %select_n3A_248 = arith.select %or3A_245, %add3A_247, %scan3A_116 : i32
        %add3A_249 = arith.constant 1 : i32
        %add3A_250 = arith.addi %scan3A_119, %add3A_249 : i32
        %select_n3A_251 = arith.constant true
        %select_n3A_252 = arith.select %select_n3A_251, %add3A_250, %scan3A_119 : i32
        %eq3A_253 = arith.constant 4 : i32
        %eq3A_254 = arith.cmpi eq, %select_n3A_252, %eq3A_253 : i32
        %select_n3A_255 = arith.constant 0 : i32
        %select_n3A_256 = arith.select %eq3A_254, %select_n3A_255, %select_n3A_252 : i32
        scf.yield %select_n3A_160, %select_n3A_248, %select_n3A_214, %select_n3A_241, %select_n3A_256 : i32, i32, i32, i32, i32
      }
      %scan3A_61 = arith.constant 4 : i32
      %sub3A = arith.constant 1 : i32
      %sub3A_62 = arith.subi %scan3A_60#4, %sub3A : i32
      %select_n3A_63 = arith.constant true
      %select_n3A_64 = arith.select %select_n3A_63, %sub3A_62, %scan3A_60#4 : i32
      %eq3A_65 = arith.constant -1 : i32
      %eq3A_66 = arith.cmpi eq, %select_n3A_64, %eq3A_65 : i32
      %select_n3A_67 = arith.constant 3 : i32
      %select_n3A_68 = arith.select %eq3A_66, %select_n3A_67, %select_n3A_64 : i32
      %add3A_69 = arith.addi %select_n3A_68, %mul3A_0 : i32
      %sub3A_70 = arith.constant 1 : i32
      %sub3A_71 = arith.subi %select_n3A_68, %sub3A_70 : i32
      %select_n3A_72 = arith.constant true
      %select_n3A_73 = arith.select %select_n3A_72, %sub3A_71, %select_n3A_68 : i32
      %eq3A_74 = arith.constant -1 : i32
      %eq3A_75 = arith.cmpi eq, %select_n3A_73, %eq3A_74 : i32
      %select_n3A_76 = arith.constant 3 : i32
      %select_n3A_77 = arith.select %eq3A_75, %select_n3A_76, %select_n3A_73 : i32
      %add3A_78 = arith.addi %select_n3A_77, %mul3A_0 : i32
      %add3A_79 = arith.constant 1 : i32
      %add3A_80 = arith.addi %select_n3A_68, %add3A_79 : i32
      %select_n3A_81 = arith.constant true
      %select_n3A_82 = arith.select %select_n3A_81, %add3A_80, %select_n3A_68 : i32
      %eq3A_83 = arith.constant 4 : i32
      %eq3A_84 = arith.cmpi eq, %select_n3A_82, %eq3A_83 : i32
      %select_n3A_85 = arith.constant 0 : i32
      %select_n3A_86 = arith.select %eq3A_84, %select_n3A_85, %select_n3A_82 : i32
      %add3A_87 = arith.addi %select_n3A_86, %mul3A_0 : i32
      %add3A_88 = arith.constant 1 : i32
      %add3A_89 = arith.addi %select_n3A_86, %add3A_88 : i32
      %select_n3A_90 = arith.constant true
      %select_n3A_91 = arith.select %select_n3A_90, %add3A_89, %select_n3A_86 : i32
      %eq3A_92 = arith.constant 4 : i32
      %eq3A_93 = arith.cmpi eq, %select_n3A_91, %eq3A_92 : i32
      %select_n3A_94 = arith.constant 0 : i32
      %select_n3A_95 = arith.select %eq3A_93, %select_n3A_94, %select_n3A_91 : i32
      %add3A_96 = arith.addi %select_n3A_95, %mul3A_0 : i32
      "tpu.trace_start"() <{level = 10 : i32, message = "ep_finalize"}> : () -> ()
      %rem3A_97 = arith.constant 2 : i32
      %rem3A_98 = arith.remui %scan3A_60#3, %rem3A_97 : i32
      %mul3A_99 = arith.constant 128 : i32
      %mul3A_100 = arith.muli %mul3A_99, %add3A_69 : i32
      %dma_wait3A = arith.constant 0 : i32
      %dma_wait3A_101 = arith.constant 0 : i32
      %dma_wait3A_102 = tpu.memref_slice %run_scoped3A_2[%rem3A_98, %dma_wait3A, %dma_wait3A_101] : memref<2x128x256xf32, #tpu.memory_space<vmem>> -> memref<1x128x256xf32, #tpu.memory_space<vmem>>
      %dma_wait3A_103 = tpu.memref_squeeze %dma_wait3A_102 : memref<1x128x256xf32, #tpu.memory_space<vmem>> -> memref<128x256xf32, #tpu.memory_space<vmem>>
      %dma_wait3A_104 = arith.constant 0 : i32
      %dma_wait3A_105 = tpu.memref_slice %arg4[%mul3A_100, %dma_wait3A_104] : memref<8192x256xf32, #tpu.memory_space<hbm>> -> memref<128x256xf32, #tpu.memory_space<hbm>>
      %dma_wait3A_106 = tpu.memref_slice %run_scoped3A_3[%rem3A_98] : memref<2x!tpu.dma_semaphore, #tpu.memory_space<semaphore_mem>> -> memref<1x!tpu.dma_semaphore, #tpu.memory_space<semaphore_mem>>
      %dma_wait3A_107 = tpu.memref_squeeze %dma_wait3A_106 : memref<1x!tpu.dma_semaphore, #tpu.memory_space<semaphore_mem>> -> memref<!tpu.dma_semaphore, #tpu.memory_space<semaphore_mem>>
      %dma_wait3A_108 = arith.constant 0 : i32
      %dma_wait3A_109 = tpu.memref_slice %arg4[%mul3A_100, %dma_wait3A_108] : memref<8192x256xf32, #tpu.memory_space<hbm>> -> memref<128x256xf32, #tpu.memory_space<hbm>>
      %dma_wait3A_110 = arith.constant 0 : i32
      %dma_wait3A_111 = arith.constant 0 : i32
      %dma_wait3A_112 = tpu.memref_slice %run_scoped3A_2[%rem3A_98, %dma_wait3A_110, %dma_wait3A_111] : memref<2x128x256xf32, #tpu.memory_space<vmem>> -> memref<1x128x256xf32, #tpu.memory_space<vmem>>
      %dma_wait3A_113 = tpu.memref_squeeze %dma_wait3A_112 : memref<1x128x256xf32, #tpu.memory_space<vmem>> -> memref<128x256xf32, #tpu.memory_space<vmem>>
      tpu.wait_dma2 semaphore(%dma_wait3A_107 : memref<!tpu.dma_semaphore, #tpu.memory_space<semaphore_mem>>) src(%dma_wait3A_113 : memref<128x256xf32, #tpu.memory_space<vmem>>) dst(%dma_wait3A_109 : memref<128x256xf32, #tpu.memory_space<hbm>>)
      "tpu.trace_stop"() : () -> ()
      tpu.yield
    }) : () -> ()
    return
  }
}

module attributes {stable_mosaic.version = 14 : i64} {
  func.func @_cbih_body(%arg0: memref<1024x256xf32, #tpu.memory_space<vmem>>, %arg1: memref<256x768xf32, #tpu.memory_space<vmem>>, %arg2: memref<1x768xf32, #tpu.memory_space<vmem>>, %arg3: memref<1024x768xf32, #tpu.memory_space<vmem>>) attributes {dimension_semantics = [], scalar_prefetch = 0 : i64, scratch_operands = 0 : i64, tpu.core_type = #tpu.core_type<tc>} {
    %get3A = arith.constant 0 : index
    %get3A_0 = arith.constant 0 : index
    %get3A_1 = vector.load %arg0[%get3A, %get3A_0] : memref<1024x256xf32, #tpu.memory_space<vmem>>, vector<1024x256xf32>
    %get3A_2 = arith.constant 0 : index
    %get3A_3 = arith.constant 0 : index
    %get3A_4 = vector.load %arg1[%get3A_2, %get3A_3] : memref<256x768xf32, #tpu.memory_space<vmem>>, vector<256x768xf32>
    %dot_general3A = arith.constant dense<0.000000e+00> : vector<1024x768xf32>
    %dot_general3A_5 = tpu.matmul %get3A_1, %get3A_4, %dot_general3A {dimension_numbers = #tpu.dot_dimension_numbers<[1], [0], [0], [1], [0, 0, 1, 1], [], []>, transpose_lhs_hint = false} : vector<1024x256xf32>, vector<256x768xf32>, vector<1024x768xf32> -> vector<1024x768xf32>
    %get3A_6 = arith.constant 0 : index
    %get3A_7 = arith.constant 0 : index
    %get3A_8 = vector.load %arg2[%get3A_6, %get3A_7] : memref<1x768xf32, #tpu.memory_space<vmem>>, vector<1x768xf32>
    %add3A = vector.broadcast %get3A_8 : vector<1x768xf32> to vector<1024x768xf32>
    %add3A_9 = arith.addf %dot_general3A_5, %add3A : vector<1024x768xf32>
    %swap3A = arith.constant 0 : index
    %swap3A_10 = arith.constant 0 : index
    %swap3A_11 = vector.load %arg3[%swap3A, %swap3A_10] : memref<1024x768xf32, #tpu.memory_space<vmem>>, vector<1024x768xf32>
    tpu.vector_store %arg3[%swap3A, %swap3A_10], %add3A_9 {strides = array<i32>} : memref<1024x768xf32, #tpu.memory_space<vmem>>, vector<1024x768xf32>,
    return
  }
}

module attributes {stable_mosaic.version = 14 : i64} {
  func.func @_k1_body(%arg0: i32, %arg1: memref<1x512x1024xf32, #tpu.memory_space<vmem>>, %arg2: memref<1024x512xf32, #tpu.memory_space<vmem>>, %arg3: memref<1x512xf32, #tpu.memory_space<vmem>>, %arg4: memref<512x256xf32, #tpu.memory_space<vmem>>, %arg5: memref<1x256xf32, #tpu.memory_space<vmem>>, %arg6: memref<256x256xf32, #tpu.memory_space<vmem>>, %arg7: memref<256x256xf32, #tpu.memory_space<vmem>>, %arg8: memref<256x256xf32, #tpu.memory_space<vmem>>, %arg9: memref<1024x256xf32, #tpu.memory_space<vmem>>, %arg10: memref<256x1024xf32, #tpu.memory_space<vmem>>, %arg11: memref<1x256xf32, #tpu.memory_space<vmem>>, %arg12: memref<128x256xf32, #tpu.memory_space<vmem>>, %arg13: memref<256x128xf32, #tpu.memory_space<vmem>>, %arg14: memref<256x256xf32, #tpu.memory_space<vmem>>, %arg15: memref<1x256xf32, #tpu.memory_space<vmem>>, %arg16: memref<1x512x1xi32, #tpu.memory_space<vmem>>, %arg17: memref<1x256x1xi32, #tpu.memory_space<vmem>>, %arg18: memref<1x512x256xf32, #tpu.memory_space<vmem>>, %arg19: memref<1x1x1xf32, #tpu.memory_space<vmem>>, %arg20: memref<1x1x1xf32, #tpu.memory_space<vmem>>, %arg21: memref<528x256xf32, #tpu.memory_space<vmem>>) attributes {dimension_semantics = [#tpu.dimension_semantics<parallel>], iteration_bounds = array<i64: 16>, scalar_prefetch = 0 : i64, scratch_operands = 1 : i64, tpu.core_type = #tpu.core_type<tc>, window_params = [{transform_indices = @transform_0, window_bounds = array<i64: 1, 512, 1024>}, {pipeline_mode = #tpu.pipeline_mode<synchronous>, transform_indices = @transform_1, window_bounds = array<i64: 1024, 512>}, {pipeline_mode = #tpu.pipeline_mode<synchronous>, transform_indices = @transform_2, window_bounds = array<i64: 1, 512>}, {pipeline_mode = #tpu.pipeline_mode<synchronous>, transform_indices = @transform_3, window_bounds = array<i64: 512, 256>}, {pipeline_mode = #tpu.pipeline_mode<synchronous>, transform_indices = @transform_4, window_bounds = array<i64: 1, 256>}, {pipeline_mode = #tpu.pipeline_mode<synchronous>, transform_indices = @transform_5, window_bounds = array<i64: 256, 256>}, {pipeline_mode = #tpu.pipeline_mode<synchronous>, transform_indices = @transform_6, window_bounds = array<i64: 256, 256>}, {pipeline_mode = #tpu.pipeline_mode<synchronous>, transform_indices = @transform_7, window_bounds = array<i64: 256, 256>}, {pipeline_mode = #tpu.pipeline_mode<synchronous>, transform_indices = @transform_8, window_bounds = array<i64: 1024, 256>}, {pipeline_mode = #tpu.pipeline_mode<synchronous>, transform_indices = @transform_9, window_bounds = array<i64: 256, 1024>}, {pipeline_mode = #tpu.pipeline_mode<synchronous>, transform_indices = @transform_10, window_bounds = array<i64: 1, 256>}, {pipeline_mode = #tpu.pipeline_mode<synchronous>, transform_indices = @transform_11, window_bounds = array<i64: 128, 256>}, {pipeline_mode = #tpu.pipeline_mode<synchronous>, transform_indices = @transform_12, window_bounds = array<i64: 256, 128>}, {pipeline_mode = #tpu.pipeline_mode<synchronous>, transform_indices = @transform_13, window_bounds = array<i64: 256, 256>}, {pipeline_mode = #tpu.pipeline_mode<synchronous>, transform_indices = @transform_14, window_bounds = array<i64: 1, 256>}, {transform_indices = @transform_15, window_bounds = array<i64: 1, 512, 1>}, {transform_indices = @transform_16, window_bounds = array<i64: 1, 256, 1>}, {transform_indices = @transform_17, window_bounds = array<i64: 1, 512, 256>}, {transform_indices = @transform_18, window_bounds = array<i64: 1, 1, 1>}, {transform_indices = @transform_19, window_bounds = array<i64: 1, 1, 1>}]} {
    %broadcast_in_dim3A = arith.constant 0.000000e+00 : f32
    %broadcast_in_dim3A_0 = vector.broadcast %broadcast_in_dim3A : f32 to vector<8x256xf32>
    %swap3A = arith.constant 0 : index
    %swap3A_1 = arith.constant 0 : index
    %swap3A_2 = vector.load %arg21[%swap3A, %swap3A_1] : memref<528x256xf32, #tpu.memory_space<vmem>>, vector<8x256xf32>
    tpu.vector_store %arg21[%swap3A, %swap3A_1], %broadcast_in_dim3A_0 {strides = array<i32>} : memref<528x256xf32, #tpu.memory_space<vmem>>, vector<8x256xf32>,
    %broadcast_in_dim3A_3 = arith.constant 0.000000e+00 : f32
    %broadcast_in_dim3A_4 = vector.broadcast %broadcast_in_dim3A_3 : f32 to vector<8x256xf32>
    %swap3A_5 = arith.constant 520 : index
    %swap3A_6 = arith.constant 0 : index
    %swap3A_7 = vector.load %arg21[%swap3A_5, %swap3A_6] : memref<528x256xf32, #tpu.memory_space<vmem>>, vector<8x256xf32>
    tpu.vector_store %arg21[%swap3A_5, %swap3A_6], %broadcast_in_dim3A_4 {strides = array<i32>} : memref<528x256xf32, #tpu.memory_space<vmem>>, vector<8x256xf32>,
    %get3A = arith.constant 0 : index
    %get3A_8 = arith.constant 0 : index
    %get3A_9 = arith.constant 0 : index
    %get3A_10 = vector.load %arg1[%get3A, %get3A_8, %get3A_9] : memref<1x512x1024xf32, #tpu.memory_space<vmem>>, vector<1x512x1024xf32>
    %get3A_11 = vector.shape_cast %get3A_10 : vector<1x512x1024xf32> to vector<512x1024xf32>
    %get3A_12 = arith.constant 0 : index
    %get3A_13 = arith.constant 0 : index
    %get3A_14 = vector.load %arg2[%get3A_12, %get3A_13] : memref<1024x512xf32, #tpu.memory_space<vmem>>, vector<1024x512xf32>
    %dot_general3A = arith.constant dense<0.000000e+00> : vector<512x512xf32>
    %dot_general3A_15 = tpu.matmul %get3A_11, %get3A_14, %dot_general3A {dimension_numbers = #tpu.dot_dimension_numbers<[1], [0], [0], [1], [0, 0, 1, 1], [], []>, transpose_lhs_hint = false} : vector<512x1024xf32>, vector<1024x512xf32>, vector<512x512xf32> -> vector<512x512xf32>
    %get3A_16 = arith.constant 0 : index
    %get3A_17 = arith.constant 0 : index
    %get3A_18 = vector.load %arg3[%get3A_16, %get3A_17] : memref<1x512xf32, #tpu.memory_space<vmem>>, vector<1x512xf32>
    %add3A = vector.broadcast %get3A_18 : vector<1x512xf32> to vector<512x512xf32>
    %add3A_19 = arith.addf %dot_general3A_15, %add3A : vector<512x512xf32>
    %max3A = arith.constant 0.000000e+00 : f32
    %max3A_20 = vector.broadcast %max3A : f32 to vector<512x512xf32>
    %max3A_21 = arith.maximumf %add3A_19, %max3A_20 : vector<512x512xf32>
    %get3A_22 = arith.constant 0 : index
    %get3A_23 = arith.constant 0 : index
    %get3A_24 = vector.load %arg4[%get3A_22, %get3A_23] : memref<512x256xf32, #tpu.memory_space<vmem>>, vector<512x256xf32>
    %dot_general3A_25 = arith.constant dense<0.000000e+00> : vector<512x256xf32>
    %dot_general3A_26 = tpu.matmul %max3A_21, %get3A_24, %dot_general3A_25 {dimension_numbers = #tpu.dot_dimension_numbers<[1], [0], [0], [1], [0, 0, 1, 1], [], []>, transpose_lhs_hint = false} : vector<512x512xf32>, vector<512x256xf32>, vector<512x256xf32> -> vector<512x256xf32>
    %get3A_27 = arith.constant 0 : index
    %get3A_28 = arith.constant 0 : index
    %get3A_29 = vector.load %arg5[%get3A_27, %get3A_28] : memref<1x256xf32, #tpu.memory_space<vmem>>, vector<1x256xf32>
    %add3A_30 = vector.broadcast %get3A_29 : vector<1x256xf32> to vector<512x256xf32>
    %add3A_31 = arith.addf %dot_general3A_26, %add3A_30 : vector<512x256xf32>
    %max3A_32 = arith.constant 0.000000e+00 : f32
    %max3A_33 = vector.broadcast %max3A_32 : f32 to vector<512x256xf32>
    %max3A_34 = arith.maximumf %add3A_31, %max3A_33 : vector<512x256xf32>
    %swap3A_35 = arith.constant 8 : index
    %swap3A_36 = arith.constant 0 : index
    %swap3A_37 = vector.load %arg21[%swap3A_35, %swap3A_36] : memref<528x256xf32, #tpu.memory_space<vmem>>, vector<512x256xf32>
    tpu.vector_store %arg21[%swap3A_35, %swap3A_36], %max3A_34 {strides = array<i32>} : memref<528x256xf32, #tpu.memory_space<vmem>>, vector<512x256xf32>,
    %get3A_38 = arith.constant 7 : index
    %get3A_39 = arith.constant 0 : index
    %get3A_40 = vector.load %arg21[%get3A_38, %get3A_39] : memref<528x256xf32, #tpu.memory_space<vmem>>, vector<512x256xf32>
    %get3A_41 = arith.constant 8 : index
    %get3A_42 = arith.constant 0 : index
    %get3A_43 = vector.load %arg21[%get3A_41, %get3A_42] : memref<528x256xf32, #tpu.memory_space<vmem>>, vector<512x256xf32>
    %get3A_44 = arith.constant 9 : index
    %get3A_45 = arith.constant 0 : index
    %get3A_46 = vector.load %arg21[%get3A_44, %get3A_45] : memref<528x256xf32, #tpu.memory_space<vmem>>, vector<512x256xf32>
    %get3A_47 = arith.constant 0 : index
    %get3A_48 = arith.constant 0 : index
    %get3A_49 = vector.load %arg6[%get3A_47, %get3A_48] : memref<256x256xf32, #tpu.memory_space<vmem>>, vector<256x256xf32>
    %dot_general3A_50 = arith.constant dense<0.000000e+00> : vector<512x256xf32>
    %dot_general3A_51 = tpu.matmul %get3A_40, %get3A_49, %dot_general3A_50 {dimension_numbers = #tpu.dot_dimension_numbers<[1], [0], [0], [1], [0, 0, 1, 1], [], []>, transpose_lhs_hint = false} : vector<512x256xf32>, vector<256x256xf32>, vector<512x256xf32> -> vector<512x256xf32>
    %get3A_52 = arith.constant 0 : index
    %get3A_53 = arith.constant 0 : index
    %get3A_54 = vector.load %arg7[%get3A_52, %get3A_53] : memref<256x256xf32, #tpu.memory_space<vmem>>, vector<256x256xf32>
    %dot_general3A_55 = arith.constant dense<0.000000e+00> : vector<512x256xf32>
    %dot_general3A_56 = tpu.matmul %get3A_43, %get3A_54, %dot_general3A_55 {dimension_numbers = #tpu.dot_dimension_numbers<[1], [0], [0], [1], [0, 0, 1, 1], [], []>, transpose_lhs_hint = false} : vector<512x256xf32>, vector<256x256xf32>, vector<512x256xf32> -> vector<512x256xf32>
    %add3A_57 = arith.addf %dot_general3A_51, %dot_general3A_56 : vector<512x256xf32>
    %get3A_58 = arith.constant 0 : index
    %get3A_59 = arith.constant 0 : index
    %get3A_60 = vector.load %arg8[%get3A_58, %get3A_59] : memref<256x256xf32, #tpu.memory_space<vmem>>, vector<256x256xf32>
    %dot_general3A_61 = arith.constant dense<0.000000e+00> : vector<512x256xf32>
    %dot_general3A_62 = tpu.matmul %get3A_46, %get3A_60, %dot_general3A_61 {dimension_numbers = #tpu.dot_dimension_numbers<[1], [0], [0], [1], [0, 0, 1, 1], [], []>, transpose_lhs_hint = false} : vector<512x256xf32>, vector<256x256xf32>, vector<512x256xf32> -> vector<512x256xf32>
    %add3A_63 = arith.addf %add3A_57, %dot_general3A_62 : vector<512x256xf32>
    %get3A_64 = arith.constant 0 : index
    %get3A_65 = arith.constant 0 : index
    %get3A_66 = vector.load %arg11[%get3A_64, %get3A_65] : memref<1x256xf32, #tpu.memory_space<vmem>>, vector<1x256xf32>
    %add3A_67 = vector.broadcast %get3A_66 : vector<1x256xf32> to vector<512x256xf32>
    %add3A_68 = arith.addf %add3A_63, %add3A_67 : vector<512x256xf32>
    %swap3A_69 = arith.constant 0 : index
    %swap3A_70 = arith.constant 0 : index
    %swap3A_71 = arith.constant 0 : index
    %swap3A_72 = vector.load %arg18[%swap3A_69, %swap3A_70, %swap3A_71] : memref<1x512x256xf32, #tpu.memory_space<vmem>>, vector<1x512x256xf32>
    %swap3A_73 = vector.shape_cast %swap3A_72 : vector<1x512x256xf32> to vector<512x256xf32>
    %swap3A_74 = vector.shape_cast %add3A_68 : vector<512x256xf32> to vector<1x512x256xf32>
    tpu.vector_store %arg18[%swap3A_69, %swap3A_70, %swap3A_71], %swap3A_74 {strides = array<i32>} : memref<1x512x256xf32, #tpu.memory_space<vmem>>, vector<1x512x256xf32>,
    %mul3A = arith.mulf %add3A_68, %add3A_68 : vector<512x256xf32>
    %reduce_sum3A = arith.constant dense<0.000000e+00> : vector<512xf32>
    %reduce_sum3A_75 = vector.multi_reduction <add>, %mul3A, %reduce_sum3A [1] : vector<512x256xf32> to vector<512xf32>
    %broadcast_in_dim3A_76 = vector.shape_cast %reduce_sum3A_75 : vector<512xf32> to vector<512x1xf32>
    %get3A_77 = arith.constant 0 : index
    %get3A_78 = arith.constant 0 : index
    %get3A_79 = vector.load %arg10[%get3A_77, %get3A_78] : memref<256x1024xf32, #tpu.memory_space<vmem>>, vector<256x1024xf32>
    %dot_general3A_80 = arith.constant dense<0.000000e+00> : vector<512x1024xf32>
    %dot_general3A_81 = tpu.matmul %add3A_68, %get3A_79, %dot_general3A_80 {dimension_numbers = #tpu.dot_dimension_numbers<[1], [0], [0], [1], [0, 0, 1, 1], [], []>, transpose_lhs_hint = false} : vector<512x256xf32>, vector<256x1024xf32>, vector<512x1024xf32> -> vector<512x1024xf32>
    %get3A_82 = arith.constant 0 : index
    %get3A_83 = arith.constant 0 : index
    %get3A_84 = vector.load %arg10[%get3A_82, %get3A_83] : memref<256x1024xf32, #tpu.memory_space<vmem>>, vector<256x1024xf32>
    %get3A_85 = arith.constant 0 : index
    %get3A_86 = arith.constant 0 : index
    %get3A_87 = vector.load %arg10[%get3A_85, %get3A_86] : memref<256x1024xf32, #tpu.memory_space<vmem>>, vector<256x1024xf32>
    %mul3A_88 = arith.mulf %get3A_84, %get3A_87 : vector<256x1024xf32>
    %reduce_sum3A_89 = arith.constant dense<0.000000e+00> : vector<1024xf32>
    %reduce_sum3A_90 = vector.multi_reduction <add>, %mul3A_88, %reduce_sum3A_89 [0] : vector<256x1024xf32> to vector<1024xf32>
    %broadcast_in_dim3A_91 = vector.shape_cast %reduce_sum3A_90 : vector<1024xf32> to vector<1x1024xf32>
    %mul3A_92 = arith.constant 2.000000e+00 : f32
    %mul3A_93 = vector.broadcast %mul3A_92 : f32 to vector<512x1024xf32>
    %mul3A_94 = arith.mulf %mul3A_93, %dot_general3A_81 : vector<512x1024xf32>
    %sub3A = vector.broadcast %broadcast_in_dim3A_76 : vector<512x1xf32> to vector<512x1024xf32>
    %sub3A_95 = arith.subf %sub3A, %mul3A_94 : vector<512x1024xf32>
    %add3A_96 = vector.broadcast %broadcast_in_dim3A_91 : vector<1x1024xf32> to vector<512x1024xf32>
    %add3A_97 = arith.addf %sub3A_95, %add3A_96 : vector<512x1024xf32>
    %reduce_min3A = arith.constant dense<0x7F800000> : vector<512xf32>
    %reduce_min3A_98 = vector.multi_reduction <minimumf>, %add3A_97, %reduce_min3A [1] : vector<512x1024xf32> to vector<512xf32>
    %broadcast_in_dim3A_99 = vector.shape_cast %reduce_min3A_98 : vector<512xf32> to vector<512x1xf32>
    %iota3A = tpu.iota {dimensions = array<i32: 1>} : vector<512x1024xi32>
    %eq3A = vector.broadcast %broadcast_in_dim3A_99 : vector<512x1xf32> to vector<512x1024xf32>
    %eq3A_100 = arith.cmpf oeq, %add3A_97, %eq3A : vector<512x1024xf32>
    %jit3A = arith.constant 1024 : i32
    %broadcast_in_dim3A_101 = vector.broadcast %jit3A : i32 to vector<512x1024xi32>
    %select_n3A = arith.select %eq3A_100, %iota3A, %broadcast_in_dim3A_101 : vector<512x1024xi1>, vector<512x1024xi32>
    %reduce_min3A_102 = arith.constant dense<2147483647> : vector<512xi32>
    %reduce_min3A_103 = vector.multi_reduction <minsi>, %select_n3A, %reduce_min3A_102 [1] : vector<512x1024xi32> to vector<512xi32>
    %broadcast_in_dim3A_104 = vector.shape_cast %reduce_min3A_103 : vector<512xi32> to vector<512x1xi32>
    %swap3A_105 = arith.constant 0 : index
    %swap3A_106 = arith.constant 0 : index
    %swap3A_107 = arith.constant 0 : index
    %swap3A_108 = vector.load %arg16[%swap3A_105, %swap3A_106, %swap3A_107] : memref<1x512x1xi32, #tpu.memory_space<vmem>>, vector<1x512x1xi32>
    %swap3A_109 = vector.shape_cast %swap3A_108 : vector<1x512x1xi32> to vector<512x1xi32>
    %swap3A_110 = vector.shape_cast %broadcast_in_dim3A_104 : vector<512x1xi32> to vector<1x512x1xi32>
    tpu.vector_store %arg16[%swap3A_105, %swap3A_106, %swap3A_107], %swap3A_110 {strides = array<i32>} : memref<1x512x1xi32, #tpu.memory_space<vmem>>, vector<1x512x1xi32>,
    %reduce_sum3A_111 = vector.shape_cast %broadcast_in_dim3A_99 : vector<512x1xf32> to vector<1x512x1xf32>
    %reduce_sum3A_112 = arith.constant dense<0.000000e+00> : vector<1xf32>
    %reduce_sum3A_113 = vector.multi_reduction <add>, %reduce_sum3A_111, %reduce_sum3A_112 [1, 2] : vector<1x512x1xf32> to vector<1xf32>
    %reduce_sum3A_114 = vector.shape_cast %reduce_sum3A_113 : vector<1xf32> to vector<1x1x1xf32>
    %reduce_sum3A_115 = vector.extract %reduce_sum3A_114[0, 0, 0] : f32 from vector<1x1x1xf32>
    %broadcast_in_dim3A_116 = vector.broadcast %reduce_sum3A_115 : f32 to vector<1x1xf32>
    %swap3A_117 = arith.constant 0 : index
    %swap3A_118 = arith.constant 0 : index
    %swap3A_119 = arith.constant 0 : index
    %swap3A_120 = vector.load %arg19[%swap3A_117, %swap3A_118, %swap3A_119] : memref<1x1x1xf32, #tpu.memory_space<vmem>>, vector<1x1x1xf32>
    %swap3A_121 = vector.shape_cast %swap3A_120 : vector<1x1x1xf32> to vector<1x1xf32>
    %swap3A_122 = vector.shape_cast %broadcast_in_dim3A_116 : vector<1x1xf32> to vector<1x1x1xf32>
    tpu.vector_store %arg19[%swap3A_117, %swap3A_118, %swap3A_119], %swap3A_122 {strides = array<i32>} : memref<1x1x1xf32, #tpu.memory_space<vmem>>, vector<1x1x1xf32>,
    %eq3A_123 = vector.broadcast %broadcast_in_dim3A_104 : vector<512x1xi32> to vector<512x1024xi32>
    %eq3A_124 = arith.cmpi eq, %iota3A, %eq3A_123 : vector<512x1024xi32>
    %jit3A_125 = arith.constant 1.000000e+00 : f32
    %jit3A_126 = arith.constant 0.000000e+00 : f32
    %broadcast_in_dim3A_127 = vector.broadcast %jit3A_125 : f32 to vector<512x1024xf32>
    %broadcast_in_dim3A_128 = vector.broadcast %jit3A_126 : f32 to vector<512x1024xf32>
    %select_n3A_129 = arith.select %eq3A_124, %broadcast_in_dim3A_127, %broadcast_in_dim3A_128 : vector<512x1024xi1>, vector<512x1024xf32>
    %iota3A_130 = tpu.iota {dimensions = array<i32: 0>} : vector<256x512xi32>
    %iota3A_131 = tpu.iota {dimensions = array<i32: 1>} : vector<256x512xi32>
    %jit3A_132 = arith.constant 2 : i32
    %div3A = vector.broadcast %jit3A_132 : i32 to vector<256x512xi32>
    %div3A_133 = arith.divsi %iota3A_131, %div3A : vector<256x512xi32>
    %sign3A = arith.constant 0 : i32
    %sign3A_134 = vector.broadcast %sign3A : i32 to vector<256x512xi32>
    %sign3A_135 = arith.cmpi sgt, %iota3A_131, %sign3A_134 : vector<256x512xi32>
    %sign3A_136 = arith.extui %sign3A_135 : vector<256x512xi1> to vector<256x512xi32>
    %sign3A_137 = arith.constant 0 : i32
    %sign3A_138 = vector.broadcast %sign3A_137 : i32 to vector<256x512xi32>
    %sign3A_139 = arith.cmpi slt, %iota3A_131, %sign3A_138 : vector<256x512xi32>
    %sign3A_140 = arith.extui %sign3A_139 : vector<256x512xi1> to vector<256x512xi32>
    %sign3A_141 = arith.subi %sign3A_136, %sign3A_140 : vector<256x512xi32>
    %sign3A_142 = arith.constant 0 : i32
    %sign3A_143 = arith.cmpi sgt, %jit3A_132, %sign3A_142 : i32
    %sign3A_144 = arith.extui %sign3A_143 : i1 to i32
    %sign3A_145 = arith.constant 0 : i32
    %sign3A_146 = arith.cmpi slt, %jit3A_132, %sign3A_145 : i32
    %sign3A_147 = arith.extui %sign3A_146 : i1 to i32
    %sign3A_148 = arith.subi %sign3A_144, %sign3A_147 : i32
    %ne3A = vector.broadcast %sign3A_148 : i32 to vector<256x512xi32>
    %ne3A_149 = arith.cmpi ne, %sign3A_141, %ne3A : vector<256x512xi32>
    %rem3A = vector.broadcast %jit3A_132 : i32 to vector<256x512xi32>
    %rem3A_150 = arith.remsi %iota3A_131, %rem3A : vector<256x512xi32>
    %ne3A_151 = arith.constant 0 : i32
    %ne3A_152 = vector.broadcast %ne3A_151 : i32 to vector<256x512xi32>
    %ne3A_153 = arith.cmpi ne, %rem3A_150, %ne3A_152 : vector<256x512xi32>
    %and3A = arith.andi %ne3A_149, %ne3A_153 : vector<256x512xi1>
    %sub3A_154 = arith.constant 1 : i32
    %sub3A_155 = vector.broadcast %sub3A_154 : i32 to vector<256x512xi32>
    %sub3A_156 = arith.subi %div3A_133, %sub3A_155 : vector<256x512xi32>
    %select_n3A_157 = arith.select %and3A, %sub3A_156, %div3A_133 : vector<256x512xi1>, vector<256x512xi32>
    %eq3A_158 = arith.cmpi eq, %select_n3A_157, %iota3A_130 : vector<256x512xi32>
    %jit3A_159 = arith.constant 5.000000e-01 : f32
    %jit3A_160 = arith.constant 0.000000e+00 : f32
    %broadcast_in_dim3A_161 = vector.broadcast %jit3A_159 : f32 to vector<256x512xf32>
    %broadcast_in_dim3A_162 = vector.broadcast %jit3A_160 : f32 to vector<256x512xf32>
    %select_n3A_163 = arith.select %eq3A_158, %broadcast_in_dim3A_161, %broadcast_in_dim3A_162 : vector<256x512xi1>, vector<256x512xf32>
    %dot_general3A_164 = arith.constant dense<0.000000e+00> : vector<256x1024xf32>
    %dot_general3A_165 = tpu.matmul %select_n3A_163, %select_n3A_129, %dot_general3A_164 {dimension_numbers = #tpu.dot_dimension_numbers<[1], [0], [0], [1], [0, 0, 1, 1], [], []>, transpose_lhs_hint = false} : vector<256x512xf32>, vector<512x1024xf32>, vector<256x1024xf32> -> vector<256x1024xf32>
    %get3A_166 = arith.constant 0 : index
    %get3A_167 = arith.constant 0 : index
    %get3A_168 = vector.load %arg9[%get3A_166, %get3A_167] : memref<1024x256xf32, #tpu.memory_space<vmem>>, vector<1024x256xf32>
    %dot_general3A_169 = arith.constant dense<0.000000e+00> : vector<256x256xf32>
    %dot_general3A_170 = tpu.matmul %dot_general3A_165, %get3A_168, %dot_general3A_169 {dimension_numbers = #tpu.dot_dimension_numbers<[1], [0], [0], [1], [0, 0, 1, 1], [], []>, precision = #tpu.contract_precision<fp32>, transpose_lhs_hint = false} : vector<256x1024xf32>, vector<1024x256xf32>, vector<256x256xf32> -> vector<256x256xf32>
    %mul3A_171 = arith.mulf %dot_general3A_170, %dot_general3A_170 : vector<256x256xf32>
    %reduce_sum3A_172 = arith.constant dense<0.000000e+00> : vector<256xf32>
    %reduce_sum3A_173 = vector.multi_reduction <add>, %mul3A_171, %reduce_sum3A_172 [1] : vector<256x256xf32> to vector<256xf32>
    %broadcast_in_dim3A_174 = vector.shape_cast %reduce_sum3A_173 : vector<256xf32> to vector<256x1xf32>
    %get3A_175 = arith.constant 0 : index
    %get3A_176 = arith.constant 0 : index
    %get3A_177 = vector.load %arg13[%get3A_175, %get3A_176] : memref<256x128xf32, #tpu.memory_space<vmem>>, vector<256x128xf32>
    %dot_general3A_178 = arith.constant dense<0.000000e+00> : vector<256x128xf32>
    %dot_general3A_179 = tpu.matmul %dot_general3A_170, %get3A_177, %dot_general3A_178 {dimension_numbers = #tpu.dot_dimension_numbers<[1], [0], [0], [1], [0, 0, 1, 1], [], []>, transpose_lhs_hint = false} : vector<256x256xf32>, vector<256x128xf32>, vector<256x128xf32> -> vector<256x128xf32>
    %get3A_180 = arith.constant 0 : index
    %get3A_181 = arith.constant 0 : index
    %get3A_182 = vector.load %arg13[%get3A_180, %get3A_181] : memref<256x128xf32, #tpu.memory_space<vmem>>, vector<256x128xf32>
    %get3A_183 = arith.constant 0 : index
    %get3A_184 = arith.constant 0 : index
    %get3A_185 = vector.load %arg13[%get3A_183, %get3A_184] : memref<256x128xf32, #tpu.memory_space<vmem>>, vector<256x128xf32>
    %mul3A_186 = arith.mulf %get3A_182, %get3A_185 : vector<256x128xf32>
    %reduce_sum3A_187 = arith.constant dense<0.000000e+00> : vector<128xf32>
    %reduce_sum3A_188 = vector.multi_reduction <add>, %mul3A_186, %reduce_sum3A_187 [0] : vector<256x128xf32> to vector<128xf32>
    %broadcast_in_dim3A_189 = vector.shape_cast %reduce_sum3A_188 : vector<128xf32> to vector<1x128xf32>
    %mul3A_190 = arith.constant 2.000000e+00 : f32
    %mul3A_191 = vector.broadcast %mul3A_190 : f32 to vector<256x128xf32>
    %mul3A_192 = arith.mulf %mul3A_191, %dot_general3A_179 : vector<256x128xf32>
    %sub3A_193 = vector.broadcast %broadcast_in_dim3A_174 : vector<256x1xf32> to vector<256x128xf32>
    %sub3A_194 = arith.subf %sub3A_193, %mul3A_192 : vector<256x128xf32>
    %add3A_195 = vector.broadcast %broadcast_in_dim3A_189 : vector<1x128xf32> to vector<256x128xf32>
    %add3A_196 = arith.addf %sub3A_194, %add3A_195 : vector<256x128xf32>
    %reduce_min3A_197 = arith.constant dense<0x7F800000> : vector<256xf32>
    %reduce_min3A_198 = vector.multi_reduction <minimumf>, %add3A_196, %reduce_min3A_197 [1] : vector<256x128xf32> to vector<256xf32>
    %broadcast_in_dim3A_199 = vector.shape_cast %reduce_min3A_198 : vector<256xf32> to vector<256x1xf32>
    %iota3A_200 = tpu.iota {dimensions = array<i32: 1>} : vector<256x128xi32>
    %eq3A_201 = vector.broadcast %broadcast_in_dim3A_199 : vector<256x1xf32> to vector<256x128xf32>
    %eq3A_202 = arith.cmpf oeq, %add3A_196, %eq3A_201 : vector<256x128xf32>
    %jit3A_203 = arith.constant 128 : i32
    %broadcast_in_dim3A_204 = vector.broadcast %jit3A_203 : i32 to vector<256x128xi32>
    %select_n3A_205 = arith.select %eq3A_202, %iota3A_200, %broadcast_in_dim3A_204 : vector<256x128xi1>, vector<256x128xi32>
    %reduce_min3A_206 = arith.constant dense<2147483647> : vector<256xi32>
    %reduce_min3A_207 = vector.multi_reduction <minsi>, %select_n3A_205, %reduce_min3A_206 [1] : vector<256x128xi32> to vector<256xi32>
    %broadcast_in_dim3A_208 = vector.shape_cast %reduce_min3A_207 : vector<256xi32> to vector<256x1xi32>
    %swap3A_209 = arith.constant 0 : index
    %swap3A_210 = arith.constant 0 : index
    %swap3A_211 = arith.constant 0 : index
    %swap3A_212 = vector.load %arg17[%swap3A_209, %swap3A_210, %swap3A_211] : memref<1x256x1xi32, #tpu.memory_space<vmem>>, vector<1x256x1xi32>
    %swap3A_213 = vector.shape_cast %swap3A_212 : vector<1x256x1xi32> to vector<256x1xi32>
    %swap3A_214 = vector.shape_cast %broadcast_in_dim3A_208 : vector<256x1xi32> to vector<1x256x1xi32>
    tpu.vector_store %arg17[%swap3A_209, %swap3A_210, %swap3A_211], %swap3A_214 {strides = array<i32>} : memref<1x256x1xi32, #tpu.memory_space<vmem>>, vector<1x256x1xi32>,
    %eq3A_215 = vector.broadcast %broadcast_in_dim3A_208 : vector<256x1xi32> to vector<256x128xi32>
    %eq3A_216 = arith.cmpi eq, %iota3A_200, %eq3A_215 : vector<256x128xi32>
    %jit3A_217 = arith.constant 1.000000e+00 : f32
    %jit3A_218 = arith.constant 0.000000e+00 : f32
    %broadcast_in_dim3A_219 = vector.broadcast %jit3A_217 : f32 to vector<256x128xf32>
    %broadcast_in_dim3A_220 = vector.broadcast %jit3A_218 : f32 to vector<256x128xf32>
    %select_n3A_221 = arith.select %eq3A_216, %broadcast_in_dim3A_219, %broadcast_in_dim3A_220 : vector<256x128xi1>, vector<256x128xf32>
    %reduce_sum3A_222 = arith.constant dense<0.000000e+00> : vector<128xf32>
    %reduce_sum3A_223 = vector.multi_reduction <add>, %select_n3A_221, %reduce_sum3A_222 [0] : vector<256x128xf32> to vector<128xf32>
    %broadcast_in_dim3A_224 = vector.shape_cast %reduce_sum3A_223 : vector<128xf32> to vector<1x128xf32>
    %get3A_225 = arith.constant 0 : index
    %get3A_226 = arith.constant 0 : index
    %get3A_227 = vector.load %arg12[%get3A_225, %get3A_226] : memref<128x256xf32, #tpu.memory_space<vmem>>, vector<128x256xf32>
    %get3A_228 = arith.constant 0 : index
    %get3A_229 = arith.constant 0 : index
    %get3A_230 = vector.load %arg14[%get3A_228, %get3A_229] : memref<256x256xf32, #tpu.memory_space<vmem>>, vector<256x256xf32>
    %dot_general3A_231 = arith.constant dense<0.000000e+00> : vector<128x256xf32>
    %dot_general3A_232 = tpu.matmul %get3A_227, %get3A_230, %dot_general3A_231 {dimension_numbers = #tpu.dot_dimension_numbers<[1], [0], [0], [1], [0, 0, 1, 1], [], []>, transpose_lhs_hint = false} : vector<128x256xf32>, vector<256x256xf32>, vector<128x256xf32> -> vector<128x256xf32>
    %get3A_233 = arith.constant 0 : index
    %get3A_234 = arith.constant 0 : index
    %get3A_235 = vector.load %arg15[%get3A_233, %get3A_234] : memref<1x256xf32, #tpu.memory_space<vmem>>, vector<1x256xf32>
    %add3A_236 = vector.broadcast %get3A_235 : vector<1x256xf32> to vector<128x256xf32>
    %add3A_237 = arith.addf %dot_general3A_232, %add3A_236 : vector<128x256xf32>
    %get3A_238 = arith.constant 0 : index
    %get3A_239 = arith.constant 0 : index
    %get3A_240 = vector.load %arg12[%get3A_238, %get3A_239] : memref<128x256xf32, #tpu.memory_space<vmem>>, vector<128x256xf32>
    %sub3A_241 = arith.subf %add3A_237, %get3A_240 : vector<128x256xf32>
    %mul3A_242 = arith.mulf %sub3A_241, %sub3A_241 : vector<128x256xf32>
    %reduce_sum3A_243 = arith.constant dense<0.000000e+00> : vector<128xf32>
    %reduce_sum3A_244 = vector.multi_reduction <add>, %mul3A_242, %reduce_sum3A_243 [1] : vector<128x256xf32> to vector<128xf32>
    %broadcast_in_dim3A_245 = vector.shape_cast %reduce_sum3A_244 : vector<128xf32> to vector<128x1xf32>
    %dot_general3A_246 = arith.constant dense<0.000000e+00> : vector<1x1xf32>
    %dot_general3A_247 = tpu.matmul %broadcast_in_dim3A_224, %broadcast_in_dim3A_245, %dot_general3A_246 {dimension_numbers = #tpu.dot_dimension_numbers<[1], [0], [0], [1], [0, 0, 1, 1], [], []>, precision = #tpu.contract_precision<fp32>, transpose_lhs_hint = false} : vector<1x128xf32>, vector<128x1xf32>, vector<1x1xf32> -> vector<1x1xf32>
    %swap3A_248 = arith.constant 0 : index
    %swap3A_249 = arith.constant 0 : index
    %swap3A_250 = arith.constant 0 : index
    %swap3A_251 = vector.load %arg20[%swap3A_248, %swap3A_249, %swap3A_250] : memref<1x1x1xf32, #tpu.memory_space<vmem>>, vector<1x1x1xf32>
    %swap3A_252 = vector.shape_cast %swap3A_251 : vector<1x1x1xf32> to vector<1x1xf32>
    %swap3A_253 = vector.shape_cast %dot_general3A_247 : vector<1x1xf32> to vector<1x1x1xf32>
    tpu.vector_store %arg20[%swap3A_248, %swap3A_249, %swap3A_250], %swap3A_253 {strides = array<i32>} : memref<1x1x1xf32, #tpu.memory_space<vmem>>, vector<1x1x1xf32>,
    return
  }
  func.func @transform_0(%arg0: i32) -> (i32, i32, i32) {
    %c0_i32 = arith.constant 0 : i32
    %c0_i32_0 = arith.constant 0 : i32
    %c0_i32_1 = arith.constant 0 : i32
    return %arg0, %c0_i32, %c0_i32_0 : i32, i32, i32
  }
  func.func @transform_1(%arg0: i32) -> (i32, i32) {
    %c0_i32 = arith.constant 0 : i32
    %c0_i32_0 = arith.constant 0 : i32
    %c0_i32_1 = arith.constant 0 : i32
    return %c0_i32, %c0_i32_0 : i32, i32
  }
  func.func @transform_2(%arg0: i32) -> (i32, i32) {
    %c0_i32 = arith.constant 0 : i32
    %c0_i32_0 = arith.constant 0 : i32
    %c0_i32_1 = arith.constant 0 : i32
    return %c0_i32, %c0_i32_0 : i32, i32
  }
  func.func @transform_3(%arg0: i32) -> (i32, i32) {
    %c0_i32 = arith.constant 0 : i32
    %c0_i32_0 = arith.constant 0 : i32
    %c0_i32_1 = arith.constant 0 : i32
    return %c0_i32, %c0_i32_0 : i32, i32
  }
  func.func @transform_4(%arg0: i32) -> (i32, i32) {
    %c0_i32 = arith.constant 0 : i32
    %c0_i32_0 = arith.constant 0 : i32
    %c0_i32_1 = arith.constant 0 : i32
    return %c0_i32, %c0_i32_0 : i32, i32
  }
  func.func @transform_5(%arg0: i32) -> (i32, i32) {
    %c0_i32 = arith.constant 0 : i32
    %c0_i32_0 = arith.constant 0 : i32
    %c0_i32_1 = arith.constant 0 : i32
    return %c0_i32, %c0_i32_0 : i32, i32
  }
  func.func @transform_6(%arg0: i32) -> (i32, i32) {
    %c0_i32 = arith.constant 0 : i32
    %c0_i32_0 = arith.constant 0 : i32
    %c0_i32_1 = arith.constant 0 : i32
    return %c0_i32, %c0_i32_0 : i32, i32
  }
  func.func @transform_7(%arg0: i32) -> (i32, i32) {
    %c0_i32 = arith.constant 0 : i32
    %c0_i32_0 = arith.constant 0 : i32
    %c0_i32_1 = arith.constant 0 : i32
    return %c0_i32, %c0_i32_0 : i32, i32
  }
  func.func @transform_8(%arg0: i32) -> (i32, i32) {
    %c0_i32 = arith.constant 0 : i32
    %c0_i32_0 = arith.constant 0 : i32
    %c0_i32_1 = arith.constant 0 : i32
    return %c0_i32, %c0_i32_0 : i32, i32
  }
  func.func @transform_9(%arg0: i32) -> (i32, i32) {
    %c0_i32 = arith.constant 0 : i32
    %c0_i32_0 = arith.constant 0 : i32
    %c0_i32_1 = arith.constant 0 : i32
    return %c0_i32, %c0_i32_0 : i32, i32
  }
  func.func @transform_10(%arg0: i32) -> (i32, i32) {
    %c0_i32 = arith.constant 0 : i32
    %c0_i32_0 = arith.constant 0 : i32
    %c0_i32_1 = arith.constant 0 : i32
    return %c0_i32, %c0_i32_0 : i32, i32
  }
  func.func @transform_11(%arg0: i32) -> (i32, i32) {
    %c0_i32 = arith.constant 0 : i32
    %c0_i32_0 = arith.constant 0 : i32
    %c0_i32_1 = arith.constant 0 : i32
    return %c0_i32, %c0_i32_0 : i32, i32
  }
  func.func @transform_12(%arg0: i32) -> (i32, i32) {
    %c0_i32 = arith.constant 0 : i32
    %c0_i32_0 = arith.constant 0 : i32
    %c0_i32_1 = arith.constant 0 : i32
    return %c0_i32, %c0_i32_0 : i32, i32
  }
  func.func @transform_13(%arg0: i32) -> (i32, i32) {
    %c0_i32 = arith.constant 0 : i32
    %c0_i32_0 = arith.constant 0 : i32
    %c0_i32_1 = arith.constant 0 : i32
    return %c0_i32, %c0_i32_0 : i32, i32
  }
  func.func @transform_14(%arg0: i32) -> (i32, i32) {
    %c0_i32 = arith.constant 0 : i32
    %c0_i32_0 = arith.constant 0 : i32
    %c0_i32_1 = arith.constant 0 : i32
    return %c0_i32, %c0_i32_0 : i32, i32
  }
  func.func @transform_15(%arg0: i32) -> (i32, i32, i32) {
    %c0_i32 = arith.constant 0 : i32
    %c0_i32_0 = arith.constant 0 : i32
    %c0_i32_1 = arith.constant 0 : i32
    return %arg0, %c0_i32, %c0_i32_0 : i32, i32, i32
  }
  func.func @transform_16(%arg0: i32) -> (i32, i32, i32) {
    %c0_i32 = arith.constant 0 : i32
    %c0_i32_0 = arith.constant 0 : i32
    %c0_i32_1 = arith.constant 0 : i32
    return %arg0, %c0_i32, %c0_i32_0 : i32, i32, i32
  }
  func.func @transform_17(%arg0: i32) -> (i32, i32, i32) {
    %c0_i32 = arith.constant 0 : i32
    %c0_i32_0 = arith.constant 0 : i32
    %c0_i32_1 = arith.constant 0 : i32
    return %arg0, %c0_i32, %c0_i32_0 : i32, i32, i32
  }
  func.func @transform_18(%arg0: i32) -> (i32, i32, i32) {
    %c0_i32 = arith.constant 0 : i32
    %c0_i32_0 = arith.constant 0 : i32
    %c0_i32_1 = arith.constant 0 : i32
    return %arg0, %c0_i32, %c0_i32_0 : i32, i32, i32
  }
  func.func @transform_19(%arg0: i32) -> (i32, i32, i32) {
    %c0_i32 = arith.constant 0 : i32
    %c0_i32_0 = arith.constant 0 : i32
    %c0_i32_1 = arith.constant 0 : i32
    return %arg0, %c0_i32, %c0_i32_0 : i32, i32, i32
  }
}

module attributes {stable_mosaic.version = 14 : i64} {
  func.func @_k2_body(%arg0: memref<512x16x256xf32, #tpu.memory_space<vmem>>, %arg1: memref<512x16x256xf32, #tpu.memory_space<vmem>>, %arg2: memref<512x16x256xf32, #tpu.memory_space<vmem>>, %arg3: memref<512x16x256xf32, #tpu.memory_space<vmem>>, %arg4: memref<256x768xf32, #tpu.memory_space<vmem>>, %arg5: memref<1x1xf32, #tpu.memory_space<vmem>>) attributes {dimension_semantics = [], scalar_prefetch = 0 : i64, scratch_operands = 0 : i64, tpu.core_type = #tpu.core_type<tc>} {
    %broadcast_in_dim3A = arith.constant 0.000000e+00 : f32
    %broadcast_in_dim3A_0 = vector.broadcast %broadcast_in_dim3A : f32 to vector<16x256xf32>
    %broadcast_in_dim3A_1 = arith.constant 0.000000e+00 : f32
    %broadcast_in_dim3A_2 = vector.broadcast %broadcast_in_dim3A_1 : f32 to vector<16x256xf32>
    %scan3A = arith.constant 0 : i32
    %scan3A_3 = arith.constant 511 : i32
    %scan3A_4 = arith.addi %scan3A, %scan3A_3 : i32
    %scan3A_5 = arith.constant 1 : i32
    %scan3A_6:2 = scf.for %scan3A_19 = %scan3A to %scan3A_4 step %scan3A_5 iter_args(%scan3A_20 = %broadcast_in_dim3A_0, %scan3A_21 = %broadcast_in_dim3A_2) -> (vector<16x256xf32>, vector<16x256xf32>)  : i32 {
      %get3A_22 = arith.index_cast %scan3A_19 : i32 to index
      %get3A_23 = arith.constant 0 : index
      %get3A_24 = arith.constant 0 : index
      %get3A_25 = vector.load %arg3[%get3A_22, %get3A_23, %get3A_24] : memref<512x16x256xf32, #tpu.memory_space<vmem>>, vector<1x16x256xf32>
      %get3A_26 = vector.shape_cast %get3A_25 : vector<1x16x256xf32> to vector<16x256xf32>
      %sub3A_27 = arith.subf %scan3A_20, %get3A_26 : vector<16x256xf32>
      %gt3A = arith.constant 0 : i32
      %gt3A_28 = arith.cmpi sgt, %scan3A_19, %gt3A : i32
      %mul3A_29 = arith.mulf %sub3A_27, %sub3A_27 : vector<16x256xf32>
      %broadcast_in_dim3A_30 = arith.constant 0.000000e+00 : f32
      %broadcast_in_dim3A_31 = vector.broadcast %broadcast_in_dim3A_30 : f32 to vector<16x256xf32>
      %select_n3A = arith.select %gt3A_28, %mul3A_29, %broadcast_in_dim3A_31 : vector<16x256xf32>
      %add3A_32 = arith.addf %scan3A_21, %select_n3A : vector<16x256xf32>
      %get3A_33 = arith.constant 0 : index
      %get3A_34 = arith.constant 0 : index
      %get3A_35 = vector.load %arg4[%get3A_33, %get3A_34] : memref<256x768xf32, #tpu.memory_space<vmem>>, vector<256x768xf32>
      %dot_general3A = arith.constant dense<0.000000e+00> : vector<16x768xf32>
      %dot_general3A_36 = tpu.matmul %scan3A_20, %get3A_35, %dot_general3A {dimension_numbers = #tpu.dot_dimension_numbers<[1], [0], [0], [1], [0, 0, 1, 1], [], []>, transpose_lhs_hint = false} : vector<16x256xf32>, vector<256x768xf32>, vector<16x768xf32> -> vector<16x768xf32>
      %get3A_37 = arith.index_cast %scan3A_19 : i32 to index
      %get3A_38 = arith.constant 0 : index
      %get3A_39 = arith.constant 0 : index
      %get3A_40 = vector.load %arg0[%get3A_37, %get3A_38, %get3A_39] : memref<512x16x256xf32, #tpu.memory_space<vmem>>, vector<1x16x256xf32>
      %get3A_41 = vector.shape_cast %get3A_40 : vector<1x16x256xf32> to vector<16x256xf32>
      %slice3A = vector.extract_strided_slice %dot_general3A_36 {offsets = [0, 0], sizes = [16, 256], strides = [1, 1]} : vector<16x768xf32> to vector<16x256xf32>
      %add3A_42 = arith.addf %get3A_41, %slice3A : vector<16x256xf32>
      %logistic3A = arith.negf %add3A_42 : vector<16x256xf32>
      %logistic3A_43 = math.exp %logistic3A : vector<16x256xf32>
      %logistic3A_44 = arith.constant 1.000000e+00 : f32
      %logistic3A_45 = vector.broadcast %logistic3A_44 : f32 to vector<16x256xf32>
      %logistic3A_46 = arith.addf %logistic3A_45, %logistic3A_43 : vector<16x256xf32>
      %logistic3A_47 = arith.divf %logistic3A_45, %logistic3A_46 : vector<16x256xf32>
      %get3A_48 = arith.index_cast %scan3A_19 : i32 to index
      %get3A_49 = arith.constant 0 : index
      %get3A_50 = arith.constant 0 : index
      %get3A_51 = vector.load %arg1[%get3A_48, %get3A_49, %get3A_50] : memref<512x16x256xf32, #tpu.memory_space<vmem>>, vector<1x16x256xf32>
      %get3A_52 = vector.shape_cast %get3A_51 : vector<1x16x256xf32> to vector<16x256xf32>
      %slice3A_53 = vector.extract_strided_slice %dot_general3A_36 {offsets = [0, 256], sizes = [16, 256], strides = [1, 1]} : vector<16x768xf32> to vector<16x256xf32>
      %add3A_54 = arith.addf %get3A_52, %slice3A_53 : vector<16x256xf32>
      %logistic3A_55 = arith.negf %add3A_54 : vector<16x256xf32>
      %logistic3A_56 = math.exp %logistic3A_55 : vector<16x256xf32>
      %logistic3A_57 = arith.constant 1.000000e+00 : f32
      %logistic3A_58 = vector.broadcast %logistic3A_57 : f32 to vector<16x256xf32>
      %logistic3A_59 = arith.addf %logistic3A_58, %logistic3A_56 : vector<16x256xf32>
      %logistic3A_60 = arith.divf %logistic3A_58, %logistic3A_59 : vector<16x256xf32>
      %get3A_61 = arith.index_cast %scan3A_19 : i32 to index
      %get3A_62 = arith.constant 0 : index
      %get3A_63 = arith.constant 0 : index
      %get3A_64 = vector.load %arg2[%get3A_61, %get3A_62, %get3A_63] : memref<512x16x256xf32, #tpu.memory_space<vmem>>, vector<1x16x256xf32>
      %get3A_65 = vector.shape_cast %get3A_64 : vector<1x16x256xf32> to vector<16x256xf32>
      %slice3A_66 = vector.extract_strided_slice %dot_general3A_36 {offsets = [0, 512], sizes = [16, 256], strides = [1, 1]} : vector<16x768xf32> to vector<16x256xf32>
      %mul3A_67 = arith.mulf %logistic3A_47, %slice3A_66 : vector<16x256xf32>
      %add3A_68 = arith.addf %get3A_65, %mul3A_67 : vector<16x256xf32>
      %tanh3A = math.tanh %add3A_68 : vector<16x256xf32>
      %sub3A_69 = arith.constant 1.000000e+00 : f32
      %sub3A_70 = vector.broadcast %sub3A_69 : f32 to vector<16x256xf32>
      %sub3A_71 = arith.subf %sub3A_70, %logistic3A_60 : vector<16x256xf32>
      %mul3A_72 = arith.mulf %sub3A_71, %tanh3A : vector<16x256xf32>
      %mul3A_73 = arith.mulf %logistic3A_60, %scan3A_20 : vector<16x256xf32>
      %add3A_74 = arith.addf %mul3A_72, %mul3A_73 : vector<16x256xf32>
      scf.yield %add3A_74, %add3A_32 : vector<16x256xf32>, vector<16x256xf32>
    }
    %scan3A_7 = arith.constant 511 : i32
    %get3A = arith.constant 511 : index
    %get3A_8 = arith.constant 0 : index
    %get3A_9 = arith.constant 0 : index
    %get3A_10 = vector.load %arg3[%get3A, %get3A_8, %get3A_9] : memref<512x16x256xf32, #tpu.memory_space<vmem>>, vector<1x16x256xf32>
    %get3A_11 = vector.shape_cast %get3A_10 : vector<1x16x256xf32> to vector<16x256xf32>
    %sub3A = arith.subf %scan3A_6#0, %get3A_11 : vector<16x256xf32>
    %mul3A = arith.mulf %sub3A, %sub3A : vector<16x256xf32>
    %add3A = arith.addf %scan3A_6#1, %mul3A : vector<16x256xf32>
    %reduce_sum3A = vector.shape_cast %add3A : vector<16x256xf32> to vector<1x16x256xf32>
    %reduce_sum3A_12 = arith.constant dense<0.000000e+00> : vector<1xf32>
    %reduce_sum3A_13 = vector.multi_reduction <add>, %reduce_sum3A, %reduce_sum3A_12 [1, 2] : vector<1x16x256xf32> to vector<1xf32>
    %reduce_sum3A_14 = vector.shape_cast %reduce_sum3A_13 : vector<1xf32> to vector<1x1x1xf32>
    %reduce_sum3A_15 = vector.extract %reduce_sum3A_14[0, 0, 0] : f32 from vector<1x1x1xf32>
    %broadcast_in_dim3A_16 = vector.broadcast %reduce_sum3A_15 : f32 to vector<1x1xf32>
    %swap3A = arith.constant 0 : index
    %swap3A_17 = arith.constant 0 : index
    %swap3A_18 = vector.load %arg5[%swap3A, %swap3A_17] : memref<1x1xf32, #tpu.memory_space<vmem>>, vector<1x1xf32>
    tpu.vector_store %arg5[%swap3A, %swap3A_17], %broadcast_in_dim3A_16 {strides = array<i32>} : memref<1x1xf32, #tpu.memory_space<vmem>>, vector<1x1xf32>,
    return
  }
}

</mosaic_0001>

<sc_bundles>
// kernel: kernel.11.cloned.1.call-start
scs
__scs_entry_jumppad:
0x0: {  	(pc) =	sbr.rel $0x88, $3  }
0x1: {  	(tag) =	ssettag $0x0;
	lr =	simm.s32 $0x1  }
0x2: {  	[smem:$0x3F92] =	sst lr;
	_ =	strace $0xD0000000  }
0x3: {  	_ = 	snop  }
0x4: {  	_ = 	snop  }
0x5: {  	_ = 	snop  }
0x6: {  	_ = 	snop  }
0x7: {  	_ = 	snop  }
__scs_overlays_trampoline_lowered:
0x8: {  	[smem:$0x3FA1] =	sst s0  }
0x9: {  	[smem:$0x3FA2] =	sst s1  }
0xa: {  	[smem:$0x3FA3] =	sst s2  }
0xb: {  	[smem:$0x3FA4] =	sst s3  }
0xc: {  	[smem:$0x3FA5] =	sst s4  }
0xd: {  	[smem:$0x3FA6] =	sst s5  }
0xe: {  	[smem:$0x3FA7] =	sst s6  }
0xf: {  	[smem:$0x3FA8] =	sst s7  }
0x10: {  	[smem:$0x3FA9] =	sst s8  }
0x11: {  	[smem:$0x3FAA] =	sst s9;
	s0 =	simm.s32 @!p0 $0x0  }
0x12: {  	s1 =	sld [smem:$0x3F90];
	s0 =	simm.s32 @p0 $0x1  }
0x13: {  	[smem:$0x3FAB] =	sst s0;
	s0 =	simm.s32 @!p1 $0x0  }
0x14: {  	s2 =	sld [smem:$0x3F8F];
	s0 =	simm.s32 @p1 $0x1  }
0x15: {  	[smem:$0x3FAC] =	sst s0;
	s0 =	simm.s32 @!p2 $0x0  }
0x16: {  	s3 =	sld [smem:$0x3FDB];
	s0 =	simm.s32 @p2 $0x1  }
0x17: {  	s4 =	simm.s32 $0x1BF5;
	[smem:$0x3FAE] =	sst s0  }
0x18: {  	s0 =	sld [smem:$0x3F91];
	_ =	swait.ge [sflag:s4], $0x0  }
0x19: {  	s7 =	sld [smem:$0x3F92]  }
0x1a: {  	s8 =	sadd.s32 $0xFFFFE003, lr  }
0x1b: {  	s9 =	sadd.s32 $0xFFFFFEF7, lr;
	s5 =	simm.s32 $0xFFFFFFFF;
	p2 =	slt.u32 s8, $0xFFFFF086  }
0x1c: {  	p1 =	slt.u32 s9, $0xF7A;
	s5 =	simm.s32 @!p2 $0x0  }
0x1d: {  	s5 =	simm.s32 @p1 $0x1;
	p0 =	seq.s32 s7, s2  }
0x1e: {  	s7 =	smul.u32 @!p0 $0xF7A, s2;
	p2 =	seq.s32 @!p0 s5, $0x0  }
0x1f: {  	s9 =	smul.u32 $0xF7A, s1;
	s8 =	simm.s32 @!p0 $0x1BF5;
	p2 =	por !p2, p0  }
0x20: {  	[sflag:s8] =	ssyncset.s32 @!p0 $0xFFFFF086;
	s6 =	sadd.s32 @!p0 s3, s7;
	s7 =	simm.s32 @!p0 $0x108  }
0x21: {  	s3 =	sadd.s32 s3, s9;
	s6 =	sadd.s32 @!p0 $0x88, s6;
	s7 =	simm.s32 @p2 $0x1082  }
0x22: {  	[simem:s7], [sflag:s8] =	dma.local @!p0 [hbm:s6], $0xF7A  }
0x23: {  	s9 =	sor.u32 $0xD0000000, s2;
	s6 =	simm.s32 $0x108;
	_ =	swait.ge @!p0 [sflag:s8], $0x0  }
0x24: {  	s3 =	sadd.s32 $0x88, s3;
	s6 =	simm.s32 @!p1 $0x1082;
	[sflag:s4] =	ssyncset.s32 $0xFFFFF086  }
0x25: {  	[simem:s6], [sflag:s4] =	dma.local [hbm:s3], $0xF7A  }
0x26: {  	[smem:$0x3F92] =	sst s1;
	(tag) =	ssettag s2;
	_ =	strace s9  }
0x27: {  	s1 =	sld [smem:$0x3FA2]  }
0x28: {  	s2 =	sld [smem:$0x3FA3]  }
0x29: {  	s4 =	sld [smem:$0x3FA5]  }
0x2a: {  	p0 =	seq.s32 s5, $0x0;
	s5 =	sld [smem:$0x3FA6]  }
0x2b: {  	s6 =	sld [smem:$0x3FA7]  }
0x2c: {  	s7 =	sld [smem:$0x3FA8]  }
0x2d: {  	s3 =	simm.s32 $0x108;
	s8 =	sld [smem:$0x3FA9]  }
0x2e: {  	s3 =	simm.s32 @!p0 $0x1082;
	s9 =	sld [smem:$0x3FAA]  }
0x2f: {  	lr =	sadd.s32 s0, s3;
	s0 =	sld [smem:$0x3FA1]  }
0x30: {  	s3 =	sld [smem:$0x3FA4]  }
0x31: {  	[smem:$0x3FAD] =	sst s10  }
0x32: {  	s10 =	sld [smem:$0x3FAB];
	_ =	sdelay $0x3  }
0x33: {  	p0 =	seq.s32 s10, $0x1;
	s10 =	sld [smem:$0x3FAD];
	_ =	sdelay $0x3  }
0x34: {  	[smem:$0x3FAD] =	sst s10  }
0x35: {  	s10 =	sld [smem:$0x3FAC];
	_ =	sdelay $0x3  }
0x36: {  	p1 =	seq.s32 s10, $0x1;
	s10 =	sld [smem:$0x3FAD];
	_ =	sdelay $0x3  }
0x37: {  	[smem:$0x3FAD] =	sst s10  }
0x38: {  	s10 =	sld [smem:$0x3FAE]  }
0x39: {  	_ = 	snop;
	(pc) =	sbr.ind lr, $3  }
0x3a: {  	_ = 	snop  }
0x3b: {  	_ = 	snop  }
0x3c: {  	p2 =	seq.s32 s10, $0x1;
	s10 =	sld [smem:$0x3FAD]  }
0x3d: {  	_ =	shalt  }
0x3e: {  	_ =	shalt  }
0x3f: {  	_ =	shalt  }
0x40: {  	_ =	shalt  }
0x41: {  	_ =	shalt  }
0x42: {  	_ =	shalt  }
0x43: {  	_ =	shalt  }
0x44: {  	_ =	shalt  }
0x45: {  	_ =	shalt  }
0x46: {  	_ =	shalt  }
0x47: {  	_ =	shalt  }
0x48: {  	_ =	shalt  }
0x49: {  	_ =	shalt  }
0x4a: {  	_ =	shalt  }
0x4b: {  	_ =	shalt  }
0x4c: {  	_ =	shalt  }
0x4d: {  	_ =	shalt  }
0x4e: {  	_ =	shalt  }
0x4f: {  	_ =	shalt  }
0x50: {  	_ =	shalt  }
0x51: {  	_ =	shalt  }
0x52: {  	_ =	shalt  }
0x53: {  	_ =	shalt  }
0x54: {  	_ =	shalt  }
0x55: {  	_ =	shalt  }
0x56: {  	_ =	shalt  }
0x57: {  	_ =	shalt  }
0x58: {  	_ =	shalt  }
0x59: {  	_ =	shalt  }
0x5a: {  	_ =	shalt  }
0x5b: {  	_ =	shalt  }
0x5c: {  	_ =	shalt  }
0x5d: {  	_ =	shalt  }
0x5e: {  	_ =	shalt  }
0x5f: {  	_ =	shalt  }
0x60: {  	_ =	shalt  }
0x61: {  	_ =	shalt  }
0x62: {  	_ =	shalt  }
0x63: {  	_ =	shalt  }
0x64: {  	_ =	shalt  }
0x65: {  	_ =	shalt  }
0x66: {  	_ =	shalt  }
0x67: {  	_ =	shalt  }
0x68: {  	_ =	shalt  }
0x69: {  	_ =	shalt  }
0x6a: {  	_ =	shalt  }
0x6b: {  	_ =	shalt  }
0x6c: {  	_ =	shalt  }
0x6d: {  	_ =	shalt  }
0x6e: {  	_ =	shalt  }
0x6f: {  	_ =	shalt  }
0x70: {  	_ =	shalt  }
0x71: {  	_ =	shalt  }
0x72: {  	_ =	shalt  }
0x73: {  	_ =	shalt  }
0x74: {  	_ =	shalt  }
0x75: {  	_ =	shalt  }
0x76: {  	_ =	shalt  }
0x77: {  	_ =	shalt  }
0x78: {  	_ =	shalt  }
0x79: {  	_ =	shalt  }
0x7a: {  	_ =	shalt  }
0x7b: {  	_ =	shalt  }
0x7c: {  	_ =	shalt  }
0x7d: {  	_ =	shalt  }
0x7e: {  	_ =	shalt  }
0x7f: {  	_ =	shalt  }
0x80: {  	_ =	shalt  }
0x81: {  	_ =	shalt  }
0x82: {  	_ =	shalt  }
0x83: {  	_ =	shalt  }
0x84: {  	_ =	shalt  }
0x85: {  	_ =	shalt  }
0x86: {  	_ =	shalt  }
0x87: {  	_ =	shalt  }
.Lfunc_end0:
.L_simem_size_0:
called_computation.1_lowered:
.L_overlay_start_0:
0x88: {  	s2 =	sld [smem:$0x3FD9]  }
0x89: {  	s3 =	sld [smem:$0x3FFE];
	_ =	sdelay $0x1  }
0x8a: {  	s1 =	srdreg.scid  }
0x8b: {  	s0 =	sand.u32 $0x1, s1  }
0x8c: {  	s17 =	sshll.u32 s0, $0xA;
	s2 =	sadd.s32 s3, s2  }
0x8d: {  	s2 =	sadd.s32 s2, s17  }
0x8e: {  	[smem:$0x3FB9] =	sst s2  }
0x8f: {  	_ = 	snop  }
0x90: {  	(tm) =	ssettm $0x1  }
0x91: {  	s18 =	sld [smem:$0x3FFB];
	_ =	sdelay $0x3  }
0x92: {  	_ =	strace s18  }
0x93: {  	s2 =	sld [smem:$0x3FFC];
	_ =	sdelay $0x3  }
0x94: {  	_ =	strace s2  }
0x95: {  	s2 =	sld [smem:$0x3FFD];
	_ =	sdelay $0x3  }
0x96: {  	_ =	strace s2  }
0x97: {  	_ =	strace $0x8FFFFFFF  }
0x98: {  	s19 =	sld [smem:$0x3FDB];
	_ =	sdelay $0x1  }
0x99: {  	s20 =	simm.s32 $_scs_section_size  }
0x9a: {  	s4 =	simm.s32 $_size__tile_overlayer_lowered;
	s5 =	simm.s32 $_tile_overlayer_lowered  }
0x9b: {  	s6 =	simm.s32 $0x1BFF;
	s21 =	sshll.u32 s5, $0x1;
	s3 =	sadd.s32 s20, s19  }
0x9c: {  	s22 =	simm.s32 $0x0;
	s4 =	sshll.u32 s4, $0x1;
	s5 =	sadd.s32 s21, s3  }
0x9d: {  	[timem:s22], [sflag:s6] =	dma.local [hbm:s5], s4  }
0x9e: {  	_ =	swait.ge [sflag:s6], s4  }
0x9f: {  	s4 =	ssub.s32 $0x0, s4;
	[sflag:s6] =	ssyncset.done $0x0  }
0xa0: {  	[sflag:s6] =	ssyncadd.s32 s4;
	_ =	sdelay $0x1  }
0xa1: {  	s23 =	simm.s32 $0x1B8B  }
0xa2: {  	_ =	swait.ge [sflag:s23], $0x1  }
0xa3: {  	[sflag:s23] =	ssyncset.done $0x0  }
0xa4: {  	[sflag:s23] =	ssyncadd.s32 $0xFFFFFFFF  }
0xa5: {  	s4 =	sld [smem:$0x0]  }
0xa6: {  	s5 =	sand.u32 $0xFFFFFFFE, s1  }
0xa7: {  	p0 =	sne.s32 s1, s5  }
0xa8: {  	s5 =	sshll.u32 @p0 s5, $0xE  }
0xa9: {  	s5 =	sadd.s32 @p0 $0x11B8D, s5;
	s6 =	sshll.u32 @p0 s4, $0x11  }
0xaa: {  	s5 =	sor.u32 @p0 s6, s5  }
0xab: {  	[sflag:s5] =	ssyncadd.remote.s32 @p0 $0x1;
	_ =	sdelay $0x1  }
0xac: {  	s5 =	simm.s32 @p0 $0x1B8D  }
0xad: {  	_ =	swait.eq @p0 [sflag:s5], $0x1  }
0xae: {  	[sflag:s5] =	ssyncadd.s32 @p0 $0xFFFFFFFF  }
0xaf: {  	s6 =	sshll.u32 @!p0 s1, $0xE  }
0xb0: {  	s6 =	sor.u32 @!p0 $0x4000, s6;
	s5 =	simm.s32 @!p0 $0x1B8D  }
0xb1: {  	s4 =	sshll.u32 @!p0 s4, $0x11;
	s6 =	sadd.s32 @!p0 $0x11B8D, s6;
	_ =	swait.eq @!p0 [sflag:s5], $0x1  }
0xb2: {  	s4 =	sor.u32 @!p0 s4, s6;
	[sflag:s5] =	ssyncadd.s32 @!p0 $0xFFFFFFFF  }
0xb3: {  	s25 =	simm.s32 $0x1B8E;
	s24 =	sld [smem:$0x3FFE];
	[sflag:s4] =	ssyncadd.remote.s32 @!p0 $0x1  }
0xb4: {  	s26 =	simm.s32 $execute0_lowered;
	[smem:$0x3FD2] =	sst s25  }
0xb5: {  	s5 =	sshll.u32 s26, $0x1;
	_ =	strace $0x80000050;
	[dreg:$0x1] =	wrdreg $0xFFFFFFFF  }
0xb6: {  	s28 =	simm.s32 $_size_execute0_lowered;
	s3 =	sadd.s32 s3, s5;
	[dreg:$0x0] =	wrdreg $0x0  }
0xb7: {  	s5 =	sshll.u32 s28, $0x1;
	[dreg:$0x2] =	wrdreg s3  }
0xb8: {  	[dreg:$0x3] =	wrdreg s5  }
0xb9: {  	[dreg:$0x4] =	wrdreg $0xC0  }
0xba: {  	_ =	task [dreg:s22], $0x5FFFF  }
0xbb: {  	[dreg:$0x1] =	wrdreg $0xFFFFFFFF  }
0xbc: {  	[dreg:$0x0] =	wrdreg $0x60  }
0xbd: {  	[dreg:$0x2] =	wrdreg s24  }
0xbe: {  	[dreg:$0x3] =	wrdreg $0xA  }
0xbf: {  	_ =	task.clear_ibuf [dreg:s22], $0x4FFFF;
	_ =	strace $0x90000050  }
0xc0: {  	s29 =	simm.s32 $0xA;
	_ =	strace $0x80000059  }
0xc1: {  	_ =	swait.ge [sflag:s29], $0x1  }
0xc2: {  	[sflag:s29] =	ssyncadd.s32 $0xFFFFFFFF  }
0xc3: {  	_ =	strace $0x90000059  }
0xc4: {  	_ =	sfence  }
0xc5: {  	s30 =	sld [smem:$0x0];
	_ =	sdelay $0x2  }
0xc6: {  	s31 =	sshll.u32 s1, $0xD;
	s1 =	sshrl.u32 s1, $0x2  }
0xc7: {  	s4 =	sand.u32 $0x4000, s31;
	s1 =	sadd.s32 s1, s30  }
0xc8: {  	s0 =	sor.u32 s4, s0;
	s1 =	sshll.u32 s1, $0x11  }
0xc9: {  	s0 =	sor.u32 s1, s0  }
0xca: {  	s0 =	sadd.s32 $0x8F2B, s0  }
0xcb: {  	[sflag:s0] =	ssyncadd.remote.s32 $0x1  }
0xcc: {  	_ =	sfence.sel $0xFFFF  }
0xcd: {  	[dreg:$0x0] =	wrdreg $0xFFFFFFFF;
	(pc) =	sbr.abs _section_cstart, $3  }
0xce: {  	[dreg:$0x1] =	wrdreg $0xFFFFFFFF  }
0xcf: {  	_ =	task.clear_ibuf [dreg:s22], $0x2FFFF;
	_ =	strace $0x9FFFFFFF  }
0xd0: {  	(tm) =	ssettm $0x7FFFFFFF  }
0xd1: {  	_ =	shalt  }
tec
execute0_lowered:
.L_overlay_start_1:
0x0: {  	(tag) =	ssettag $0x1  }
0x1: {  	s2 =	rddreg [dreg:$0x0]  }
0x2: {  	s0 =	rddreg [dreg:$0x1];
	s1 =	simm.s32 $0x0;
	s3 =	srdreg.scid  }
0x3: {  	s8 =	simm.s32 $0x5;
	s9 =	simm.s32 $0x4;
	s10 =	simm.s32 $0x0  }
0x4: {  	[smem:$0x7FF] =	sst s1;
	s5 =	sand.u32 $0x1, s3;
	s3 =	sadd.s32 $0x9200, s2  }
0x5: {  	s4 =	sadd.s32 $0x19200, s2;
	s6 =	sadd.s32 $0x59600, s2;
	s5 =	ssub.s32 $0x2, s5  }
0x6: {  	v2 =	vlaneseq.u32;
	s2 =	stileid.u32;
	_ =	strace $0x80000051;
	s7 =	sshrl.u32 s5, $0x1  }
0x7: {  	vm0 =	vmmov $0xffff;
	v1 =	vshrl.u32 v2, $0x3;
	[dreg:$0x2] =	wrdreg s6;
	s31 =	sshll.u32 s2, $0x6;
	s7 =	ssub.s32 s5, s7  }
0x8: {  	v0 =	vand.u32 $0x7, v2;
	v2 =	vor.u32 $0x8, v2;
	v1 =	vmul.u32 $0x8, v1;
	s6 =	sadd.s32 s4, s31;
	s5 =	sshll.u32 s2, $0x2;
	s7 =	smax.u32 s7, $0x1  }
.LBB2_1:
0x9: {  	_ =	strace $0x80000052;
	s11 =	simm.s32 $0x4  }
0xa: {  	s12 =	simm.s32 $0x0;
	s13 =	simm.s32 $0x0;
	s14 =	simm.s32 $0x0  }
0xb: {  	[tilespmem:s1], [sflag:$0x1] =	stream.linear.gather [hbm4b:s6+s1], $0x80, $0x200038;
	[tilespmem:$0x10100] =	vst v63  }
0xc: {  	s15 =	simm.s32 $0x0;
	s16 =	simm.s32 $0x1;
	_ =	strace $0x90000052  }
.LBB2_2:
0xd: {  	s17 =	smov.u32 s12;
	s12 =	sadd.s32 $0x1, s12  }
0xe: {  	p0 =	seq.s32 s12, $0x4  }
0xf: {  	s12 =	simm.s32 @p0 $0x0  }
0x10: {  	p6 =	sne.s32 s11, $0x1;
	p1 =	sne.s32 s17, s12  }
0x11: {  	p0 =	por !p6, !p1  }
0x12: {  	p0 =	por !p0, !p0  }
0x13: {  	s18 =	sadd.s32 @p0 s5, s12  }
0x14: {  	s19 =	sand.u32 @p0 $0x1, s16;
	s18 =	sshll.u32 @p0 s18, $0x4  }
0x15: {  	_ =	strace @p0 $0x80000053;
	s21 =	simm.s32 @p0 $0x0;
	s18 =	sand.u32 @p0 $0x1FFFFFF0, s18  }
0x16: {  	s20 =	sshll.u32 @p0 s19, $0x7;
	s19 =	sadd.s32 @p0 $0x1, s19;
	s18 =	sadd.s32 @p0 s4, s18  }
0x17: {  	[tilespmem:s20], [sflag:s19] =	stream.linear.gather @p0 [hbm4b:s18+s21], $0x80, $0x200038;
	[tilespmem:$0x10100] =	vst v63  }
0x18: {  	s24 =	sand.u32 $0x1, s15;
	_ =	strace @p0 $0x90000053  }
0x19: {  	s18 =	sadd.s32 $0x1, s24;
	_ =	strace $0x80000054  }
0x1a: {  	_ =	swait.ge [sflag:s18], $0x80  }
0x1b: {  	[sflag:s18] =	ssyncset.done $0x0  }
0x1c: {  	[sflag:s18] =	ssyncadd.s32 $0xFFFFFF80  }
0x1d: {  	s25 =	sshll.u32 s15, $0x7;
	_ =	strace $0x90000054  }
0x1e: {  	s21 =	sand.u32 $0x80, s25;
	_ =	strace $0x80000055  }
0x1f: {  	v3 =	vld [tilespmem:s21+$0x0];
	_ =	sdelay $0x4  }
0x20: {  	v4 =	vshll.u32 v3, $0x1  }
0x21: {  	v3 =	vand.u32 $0x7, v3;
	v4 =	vand.u32 $0xFFFFFFF0, v4  }
0x22: {  	v3 =	vor.u32 v3, v4  }
0x23: {  	v4 =	vperm.xlane v3, v0;
	_ =	sdelay $0x1  }
0x24: {  	v3 =	vperm.xlane v3, v2;
	v4 =	vadd.s32 v1, v4;
	_ =	sdelay $0x1  }
0x25: {  	s18 =	sand.u32 $0x1, s14;
	v3 =	vadd.s32 v1, v3  }
0x26: {  	s20 =	sshll.u32 s18, $0xF  }
0x27: {  	s19 =	sor.u32 $0x100, s20  }
0x28: {  	[tilespmem:s19], [sflag:$0x5] =	stream.indirect_vreg.gather [hbm4b:s3+s1], $0x80, v4, vm0, $0x2000b8;
	[tilespmem:$0x10100] =	vst v63  }
0x29: {  	s22 =	sor.u32 $0x900, s20  }
0x2a: {  	[tilespmem:s22], [sflag:$0x5] =	stream.indirect_vreg.gather [hbm4b:s3+s1], $0x80, v3, vm0, $0x2000b8;
	[tilespmem:$0x10100] =	vst v63  }
0x2b: {  	v3 =	vld [tilespmem:s21+$0x10];
	_ =	sdelay $0x4  }
0x2c: {  	v57 =	vshll.u32 v3, $0x1  }
0x2d: {  	v3 =	vand.u32 $0x7, v3;
	v4 =	vand.u32 $0xFFFFFFF0, v57  }
0x2e: {  	v3 =	vor.u32 v3, v4  }
0x2f: {  	v4 =	vperm.xlane v3, v0;
	_ =	sdelay $0x1  }
0x30: {  	v3 =	vperm.xlane v3, v2;
	v4 =	vadd.s32 v1, v4;
	_ =	sdelay $0x1  }
0x31: {  	v3 =	vadd.s32 v1, v3;
	_ =	sdelay $0x1  }
0x32: {  	s26 =	sor.u32 $0x1100, s20  }
0x33: {  	[tilespmem:s26], [sflag:$0x5] =	stream.indirect_vreg.gather [hbm4b:s3+s1], $0x80, v4, vm0, $0x2000b8;
	[tilespmem:$0x10100] =	vst v63  }
0x34: {  	s28 =	sor.u32 $0x1900, s20  }
0x35: {  	[tilespmem:s28], [sflag:$0x5] =	stream.indirect_vreg.gather [hbm4b:s3+s1], $0x80, v3, vm0, $0x2000b8;
	[tilespmem:$0x10100] =	vst v63  }
0x36: {  	v3 =	vld [tilespmem:s21+$0x20];
	_ =	sdelay $0x4  }
0x37: {  	v58 =	vshll.u32 v3, $0x1  }
0x38: {  	v3 =	vand.u32 $0x7, v3;
	v4 =	vand.u32 $0xFFFFFFF0, v58  }
0x39: {  	v3 =	vor.u32 v3, v4  }
0x3a: {  	v4 =	vperm.xlane v3, v0;
	_ =	sdelay $0x1  }
0x3b: {  	v3 =	vperm.xlane v3, v2;
	v4 =	vadd.s32 v1, v4;
	_ =	sdelay $0x1  }
0x3c: {  	v3 =	vadd.s32 v1, v3;
	_ =	sdelay $0x1  }
0x3d: {  	s29 =	sor.u32 $0x2100, s20  }
0x3e: {  	[tilespmem:s29], [sflag:$0x5] =	stream.indirect_vreg.gather [hbm4b:s3+s1], $0x80, v4, vm0, $0x2000b8;
	[tilespmem:$0x10100] =	vst v63  }
0x3f: {  	s30 =	sor.u32 $0x2900, s20  }
0x40: {  	[tilespmem:s30], [sflag:$0x5] =	stream.indirect_vreg.gather [hbm4b:s3+s1], $0x80, v3, vm0, $0x2000b8;
	[tilespmem:$0x10100] =	vst v63  }
0x41: {  	v3 =	vld [tilespmem:s21+$0x30];
	_ =	sdelay $0x4  }
0x42: {  	v59 =	vshll.u32 v3, $0x1  }
0x43: {  	v3 =	vand.u32 $0x7, v3;
	v4 =	vand.u32 $0xFFFFFFF0, v59  }
0x44: {  	v3 =	vor.u32 v3, v4  }
0x45: {  	v4 =	vperm.xlane v3, v0;
	_ =	sdelay $0x1  }
0x46: {  	v3 =	vperm.xlane v3, v2;
	v4 =	vadd.s32 v1, v4;
	_ =	sdelay $0x1  }
0x47: {  	v3 =	vadd.s32 v1, v3;
	_ =	sdelay $0x1  }
0x48: {  	s31 =	sor.u32 $0x3100, s20  }
0x49: {  	[tilespmem:s31], [sflag:$0x5] =	stream.indirect_vreg.gather [hbm4b:s3+s1], $0x80, v4, vm0, $0x2000b8;
	[tilespmem:$0x10100] =	vst v63  }
0x4a: {  	s23 =	sor.u32 $0x3900, s20  }
0x4b: {  	[tilespmem:s23], [sflag:$0x5] =	stream.indirect_vreg.gather [hbm4b:s3+s1], $0x80, v3, vm0, $0x2000b8;
	[tilespmem:$0x10100] =	vst v63  }
0x4c: {  	v3 =	vld [tilespmem:s21+$0x40];
	_ =	sdelay $0x4  }
0x4d: {  	v60 =	vshll.u32 v3, $0x1  }
0x4e: {  	v3 =	vand.u32 $0x7, v3;
	v4 =	vand.u32 $0xFFFFFFF0, v60  }
0x4f: {  	v3 =	vor.u32 v3, v4  }
0x50: {  	v4 =	vperm.xlane v3, v0;
	_ =	sdelay $0x1  }
0x51: {  	v3 =	vperm.xlane v3, v2;
	v4 =	vadd.s32 v1, v4;
	_ =	sdelay $0x1  }
0x52: {  	v3 =	vadd.s32 v1, v3;
	_ =	sdelay $0x1  }
0x53: {  	s24 =	sor.u32 $0x4100, s20  }
0x54: {  	[tilespmem:s24], [sflag:$0x5] =	stream.indirect_vreg.gather [hbm4b:s3+s1], $0x80, v4, vm0, $0x2000b8;
	[tilespmem:$0x10100] =	vst v63  }
0x55: {  	s25 =	sor.u32 $0x4900, s20  }
0x56: {  	[tilespmem:s25], [sflag:$0x5] =	stream.indirect_vreg.gather [hbm4b:s3+s1], $0x80, v3, vm0, $0x2000b8;
	[tilespmem:$0x10100] =	vst v63  }
0x57: {  	v3 =	vld [tilespmem:s21+$0x50];
	_ =	sdelay $0x4  }
0x58: {  	v61 =	vshll.u32 v3, $0x1  }
0x59: {  	v3 =	vand.u32 $0x7, v3;
	v4 =	vand.u32 $0xFFFFFFF0, v61  }
0x5a: {  	v3 =	vor.u32 v3, v4  }
0x5b: {  	v4 =	vperm.xlane v3, v0;
	_ =	sdelay $0x1  }
0x5c: {  	v3 =	vperm.xlane v3, v2;
	v4 =	vadd.s32 v1, v4;
	_ =	sdelay $0x1  }
0x5d: {  	v3 =	vadd.s32 v1, v3;
	_ =	sdelay $0x1  }
0x5e: {  	s26 =	sor.u32 $0x5100, s20  }
0x5f: {  	[tilespmem:s26], [sflag:$0x5] =	stream.indirect_vreg.gather [hbm4b:s3+s1], $0x80, v4, vm0, $0x2000b8;
	[tilespmem:$0x10100] =	vst v63  }
0x60: {  	s28 =	sor.u32 $0x5900, s20  }
0x61: {  	[tilespmem:s28], [sflag:$0x5] =	stream.indirect_vreg.gather [hbm4b:s3+s1], $0x80, v3, vm0, $0x2000b8;
	[tilespmem:$0x10100] =	vst v63  }
0x62: {  	v3 =	vld [tilespmem:s21+$0x60];
	_ =	sdelay $0x4  }
0x63: {  	v62 =	vshll.u32 v3, $0x1  }
0x64: {  	v3 =	vand.u32 $0x7, v3;
	v4 =	vand.u32 $0xFFFFFFF0, v62  }
0x65: {  	v3 =	vor.u32 v3, v4  }
0x66: {  	v4 =	vperm.xlane v3, v0;
	_ =	sdelay $0x1  }
0x67: {  	v3 =	vperm.xlane v3, v2;
	v4 =	vadd.s32 v1, v4;
	_ =	sdelay $0x1  }
0x68: {  	v3 =	vadd.s32 v1, v3;
	_ =	sdelay $0x1  }
0x69: {  	s29 =	sor.u32 $0x6100, s20  }
0x6a: {  	[tilespmem:s29], [sflag:$0x5] =	stream.indirect_vreg.gather [hbm4b:s3+s1], $0x80, v4, vm0, $0x2000b8;
	[tilespmem:$0x10100] =	vst v63  }
0x6b: {  	s30 =	sor.u32 $0x6900, s20  }
0x6c: {  	[tilespmem:s30], [sflag:$0x5] =	stream.indirect_vreg.gather [hbm4b:s3+s1], $0x80, v3, vm0, $0x2000b8;
	[tilespmem:$0x10100] =	vst v63  }
0x6d: {  	v3 =	vld [tilespmem:s21+$0x70];
	_ =	sdelay $0x4  }
0x6e: {  	v63 =	vshll.u32 v3, $0x1  }
0x6f: {  	v3 =	vand.u32 $0x7, v3;
	v4 =	vand.u32 $0xFFFFFFF0, v63  }
0x70: {  	v3 =	vor.u32 v3, v4  }
0x71: {  	v4 =	vperm.xlane v3, v0;
	_ =	sdelay $0x1  }
0x72: {  	v3 =	vperm.xlane v3, v2;
	v4 =	vadd.s32 v1, v4;
	_ =	sdelay $0x1  }
0x73: {  	v3 =	vadd.s32 v1, v3;
	_ =	sdelay $0x1  }
0x74: {  	s31 =	sor.u32 $0x7100, s20  }
0x75: {  	[tilespmem:s31], [sflag:$0x5] =	stream.indirect_vreg.gather [hbm4b:s3+s1], $0x80, v4, vm0, $0x2000b8;
	[tilespmem:$0x10100] =	vst v63  }
0x76: {  	s20 =	sor.u32 $0x7900, s20  }
0x77: {  	[tilespmem:s20], [sflag:$0x5] =	stream.indirect_vreg.gather [hbm4b:s3+s1], $0x80, v3, vm0, $0x2000b8;
	[tilespmem:$0x10100] =	vst v63  }
0x78: {  	_ =	swait.ge [sflag:s8], $0x8000  }
0x79: {  	p2 =	seq.s32 s11, $0x1;
	[sflag:s8] =	ssyncset.done $0x0  }
0x7a: {  	s17 =	sadd.s32 s5, s17;
	p1 =	por p2, p1;
	[sflag:s8] =	ssyncadd.s32 $0xFFFF8000  }
0x7b: {  	s17 =	sshll.u32 @p1 s17, $0xC;
	_ =	strace $0x90000055  }
0x7c: {  	s17 =	sand.u32 @p1 $0x1FFFF000, s17;
	s21 =	simm.s32 $0x1;
	_ =	strace @p1 $0x80000056  }
0x7d: {  	s18 =	sadd.s32 @p1 $0x3, s18;
	s21 =	simm.s32 @!p0 $0x0;
	s20 =	rddreg [dreg:$0x2]  }
0x7e: {  	p0 =	seq.s32 s11, $0x4;
	s17 =	sadd.s32 @p1 s20, s17;
	s20 =	simm.s32 @p1 $0x0  }
0x7f: {  	[hbm4b:s17+s20] =	stream.linear.scatter @p1 [tilespmem:s19], [sflag:s18], $0x8000, $0x200038;
	[tilespmem:$0x10100] =	vst v63  }
0x80: {  	s17 =	simm.s32 $0x1;
	s19 =	simm.s32 $0x1;
	_ =	strace @p1 $0x90000056  }
0x81: {  	s17 =	simm.s32 @!p1 $0x0;
	p1 =	sne.s32 s11, $0x4;
	s11 =	sadd.s32 $0xFFFFFFFF, s11  }
0x82: {  	s18 =	sand.u32 @!p0 $0x1, s13;
	s19 =	simm.s32 @!p1 $0x0;
	p1 =	sne.s32 s11, $0x0  }
.Ltmp0:
0x83: {  	s18 =	sadd.s32 @!p0 $0x3, s18;
	_ =	strace @!p0 $0x80000057;
	(pc) =	sbr.rel @p1 .LBB2_2-.Ltmp0, $4  }
0x84: {  	_ =	swait.ge @!p0 [sflag:s18], $0x8000  }
0x85: {  	[sflag:s18] =	ssyncset.done @!p0 $0x0  }
0x86: {  	s16 =	sadd.s32 s21, s16;
	s14 =	sadd.s32 s17, s14;
	[sflag:s18] =	ssyncadd.s32 @!p0 $0xFFFF8000  }
0x87: {  	s15 =	sadd.s32 s17, s15;
	s13 =	sadd.s32 s19, s13;
	_ =	strace @!p0 $0x90000057  }
0x88: {  	s10 =	sadd.s32 $0x1, s10  }
0x89: {  	p0 =	sne.s32 s10, s7  }
.Ltmp1:
0x8a: {  	_ =	strace $0x80000058;
	(pc) =	sbr.rel @p0 .LBB2_1-.Ltmp1, $4  }
0x8b: {  	_ =	swait.ge [sflag:s9], $0x8000  }
0x8c: {  	[sflag:s9] =	ssyncset.done $0x0  }
0x8d: {  	[sflag:s9] =	ssyncadd.s32 $0xFFFF8000  }
0x8e: {  	_ =	strace $0x90000058  }
0x8f: {  	_ =	sfence.sel $0x180000  }
0x90: {  	[bflag:$0x0] =	sbarrier.arrive $0xFFFF  }
0x91: {  	p0 =	sne.s32 s2, $0x0;
	_ =	strace $0x90000051  }
0x92: {  	s0 =	sadd.s32 @!p0 $0x100000, s0;
	[bflag:$0x2] =	sbarrier.arrive $0xFFFF  }
0x93: {  	[sflag:s0] =	ssyncadd.tile.s32 @!p0 $0x1;
	_ =	shalt  }
.Lfunc_end2:
_tile_overlayer_lowered:
.L_overlay_start_2:
0x94: {  	(tag) =	ssettag $0x2  }
0x95: {  	s0 =	rddreg [dreg:$0x0];
	s2 =	stileid.u32  }
0x96: {  	s1 =	rddreg [dreg:$0x1];
	p0 =	sne.s32 s2, $0x0  }
0x97: {  	s3 =	rddreg [dreg:$0x2];
	[bflag:$0x3] =	sbarrier.arrive $0xFFFF;
	s2 =	simm.s32 @!p0 $0x1C01  }
0x98: {  	[timem:s3], [sflag:s2] =	dma.local @!p0 [hbm:s0], s1  }
0x99: {  	s0 =	simm.s32 @!p0 $0x1  }
0x9a: {  	_ =	swait.ge @!p0 [sflag:s0], s1  }
0x9b: {  	s1 =	ssub.s32 @!p0 $0x0, s1;
	[sflag:s0] =	ssyncset.done @!p0 $0x0  }
0x9c: {  	[sflag:s0] =	ssyncadd.s32 @!p0 s1  }
0x9d: {  	[bflag:$0x3] =	sbarrier.arrive $0xFFFF  }
0x9e: {  	_ =	shalt  }

// kernel: kernel.14.cloned.1.call-start
scs
__scs_entry_jumppad:
0x0: {  	(pc) =	sbr.rel $0x88, $3  }
0x1: {  	(tag) =	ssettag $0x0;
	lr =	simm.s32 $0x1  }
0x2: {  	[smem:$0x3F92] =	sst lr;
	_ =	strace $0xD0000000  }
0x3: {  	_ = 	snop  }
0x4: {  	_ = 	snop  }
0x5: {  	_ = 	snop  }
0x6: {  	_ = 	snop  }
0x7: {  	_ = 	snop  }
__scs_overlays_trampoline_lowered:
0x8: {  	[smem:$0x3FA1] =	sst s0  }
0x9: {  	[smem:$0x3FA2] =	sst s1  }
0xa: {  	[smem:$0x3FA3] =	sst s2  }
0xb: {  	[smem:$0x3FA4] =	sst s3  }
0xc: {  	[smem:$0x3FA5] =	sst s4  }
0xd: {  	[smem:$0x3FA6] =	sst s5  }
0xe: {  	[smem:$0x3FA7] =	sst s6  }
0xf: {  	[smem:$0x3FA8] =	sst s7  }
0x10: {  	[smem:$0x3FA9] =	sst s8  }
0x11: {  	[smem:$0x3FAA] =	sst s9;
	s0 =	simm.s32 @!p0 $0x0  }
0x12: {  	s1 =	sld [smem:$0x3F90];
	s0 =	simm.s32 @p0 $0x1  }
0x13: {  	[smem:$0x3FAB] =	sst s0;
	s0 =	simm.s32 @!p1 $0x0  }
0x14: {  	s2 =	sld [smem:$0x3F8F];
	s0 =	simm.s32 @p1 $0x1  }
0x15: {  	[smem:$0x3FAC] =	sst s0;
	s0 =	simm.s32 @!p2 $0x0  }
0x16: {  	s3 =	sld [smem:$0x3FDB];
	s0 =	simm.s32 @p2 $0x1  }
0x17: {  	s4 =	simm.s32 $0x1BF5;
	[smem:$0x3FAE] =	sst s0  }
0x18: {  	s0 =	sld [smem:$0x3F91];
	_ =	swait.ge [sflag:s4], $0x0  }
0x19: {  	s7 =	sld [smem:$0x3F92]  }
0x1a: {  	s8 =	sadd.s32 $0xFFFFE003, lr  }
0x1b: {  	s9 =	sadd.s32 $0xFFFFFEF7, lr;
	s5 =	simm.s32 $0xFFFFFFFF;
	p2 =	slt.u32 s8, $0xFFFFF086  }
0x1c: {  	p1 =	slt.u32 s9, $0xF7A;
	s5 =	simm.s32 @!p2 $0x0  }
0x1d: {  	s5 =	simm.s32 @p1 $0x1;
	p0 =	seq.s32 s7, s2  }
0x1e: {  	s7 =	smul.u32 @!p0 $0xF7A, s2;
	p2 =	seq.s32 @!p0 s5, $0x0  }
0x1f: {  	s9 =	smul.u32 $0xF7A, s1;
	s8 =	simm.s32 @!p0 $0x1BF5;
	p2 =	por !p2, p0  }
0x20: {  	[sflag:s8] =	ssyncset.s32 @!p0 $0xFFFFF086;
	s6 =	sadd.s32 @!p0 s3, s7;
	s7 =	simm.s32 @!p0 $0x108  }
0x21: {  	s3 =	sadd.s32 s3, s9;
	s6 =	sadd.s32 @!p0 $0x88, s6;
	s7 =	simm.s32 @p2 $0x1082  }
0x22: {  	[simem:s7], [sflag:s8] =	dma.local @!p0 [hbm:s6], $0xF7A  }
0x23: {  	s9 =	sor.u32 $0xD0000000, s2;
	s6 =	simm.s32 $0x108;
	_ =	swait.ge @!p0 [sflag:s8], $0x0  }
0x24: {  	s3 =	sadd.s32 $0x88, s3;
	s6 =	simm.s32 @!p1 $0x1082;
	[sflag:s4] =	ssyncset.s32 $0xFFFFF086  }
0x25: {  	[simem:s6], [sflag:s4] =	dma.local [hbm:s3], $0xF7A  }
0x26: {  	[smem:$0x3F92] =	sst s1;
	(tag) =	ssettag s2;
	_ =	strace s9  }
0x27: {  	s1 =	sld [smem:$0x3FA2]  }
0x28: {  	s2 =	sld [smem:$0x3FA3]  }
0x29: {  	s4 =	sld [smem:$0x3FA5]  }
0x2a: {  	p0 =	seq.s32 s5, $0x0;
	s5 =	sld [smem:$0x3FA6]  }
0x2b: {  	s6 =	sld [smem:$0x3FA7]  }
0x2c: {  	s7 =	sld [smem:$0x3FA8]  }
0x2d: {  	s3 =	simm.s32 $0x108;
	s8 =	sld [smem:$0x3FA9]  }
0x2e: {  	s3 =	simm.s32 @!p0 $0x1082;
	s9 =	sld [smem:$0x3FAA]  }
0x2f: {  	lr =	sadd.s32 s0, s3;
	s0 =	sld [smem:$0x3FA1]  }
0x30: {  	s3 =	sld [smem:$0x3FA4]  }
0x31: {  	[smem:$0x3FAD] =	sst s10  }
0x32: {  	s10 =	sld [smem:$0x3FAB];
	_ =	sdelay $0x3  }
0x33: {  	p0 =	seq.s32 s10, $0x1;
	s10 =	sld [smem:$0x3FAD];
	_ =	sdelay $0x3  }
0x34: {  	[smem:$0x3FAD] =	sst s10  }
0x35: {  	s10 =	sld [smem:$0x3FAC];
	_ =	sdelay $0x3  }
0x36: {  	p1 =	seq.s32 s10, $0x1;
	s10 =	sld [smem:$0x3FAD];
	_ =	sdelay $0x3  }
0x37: {  	[smem:$0x3FAD] =	sst s10  }
0x38: {  	s10 =	sld [smem:$0x3FAE]  }
0x39: {  	_ = 	snop;
	(pc) =	sbr.ind lr, $3  }
0x3a: {  	_ = 	snop  }
0x3b: {  	_ = 	snop  }
0x3c: {  	p2 =	seq.s32 s10, $0x1;
	s10 =	sld [smem:$0x3FAD]  }
0x3d: {  	_ =	shalt  }
0x3e: {  	_ =	shalt  }
0x3f: {  	_ =	shalt  }
0x40: {  	_ =	shalt  }
0x41: {  	_ =	shalt  }
0x42: {  	_ =	shalt  }
0x43: {  	_ =	shalt  }
0x44: {  	_ =	shalt  }
0x45: {  	_ =	shalt  }
0x46: {  	_ =	shalt  }
0x47: {  	_ =	shalt  }
0x48: {  	_ =	shalt  }
0x49: {  	_ =	shalt  }
0x4a: {  	_ =	shalt  }
0x4b: {  	_ =	shalt  }
0x4c: {  	_ =	shalt  }
0x4d: {  	_ =	shalt  }
0x4e: {  	_ =	shalt  }
0x4f: {  	_ =	shalt  }
0x50: {  	_ =	shalt  }
0x51: {  	_ =	shalt  }
0x52: {  	_ =	shalt  }
0x53: {  	_ =	shalt  }
0x54: {  	_ =	shalt  }
0x55: {  	_ =	shalt  }
0x56: {  	_ =	shalt  }
0x57: {  	_ =	shalt  }
0x58: {  	_ =	shalt  }
0x59: {  	_ =	shalt  }
0x5a: {  	_ =	shalt  }
0x5b: {  	_ =	shalt  }
0x5c: {  	_ =	shalt  }
0x5d: {  	_ =	shalt  }
0x5e: {  	_ =	shalt  }
0x5f: {  	_ =	shalt  }
0x60: {  	_ =	shalt  }
0x61: {  	_ =	shalt  }
0x62: {  	_ =	shalt  }
0x63: {  	_ =	shalt  }
0x64: {  	_ =	shalt  }
0x65: {  	_ =	shalt  }
0x66: {  	_ =	shalt  }
0x67: {  	_ =	shalt  }
0x68: {  	_ =	shalt  }
0x69: {  	_ =	shalt  }
0x6a: {  	_ =	shalt  }
0x6b: {  	_ =	shalt  }
0x6c: {  	_ =	shalt  }
0x6d: {  	_ =	shalt  }
0x6e: {  	_ =	shalt  }
0x6f: {  	_ =	shalt  }
0x70: {  	_ =	shalt  }
0x71: {  	_ =	shalt  }
0x72: {  	_ =	shalt  }
0x73: {  	_ =	shalt  }
0x74: {  	_ =	shalt  }
0x75: {  	_ =	shalt  }
0x76: {  	_ =	shalt  }
0x77: {  	_ =	shalt  }
0x78: {  	_ =	shalt  }
0x79: {  	_ =	shalt  }
0x7a: {  	_ =	shalt  }
0x7b: {  	_ =	shalt  }
0x7c: {  	_ =	shalt  }
0x7d: {  	_ =	shalt  }
0x7e: {  	_ =	shalt  }
0x7f: {  	_ =	shalt  }
0x80: {  	_ =	shalt  }
0x81: {  	_ =	shalt  }
0x82: {  	_ =	shalt  }
0x83: {  	_ =	shalt  }
0x84: {  	_ =	shalt  }
0x85: {  	_ =	shalt  }
0x86: {  	_ =	shalt  }
0x87: {  	_ =	shalt  }
.Lfunc_end0:
.L_simem_size_0:
called_computation.2_lowered:
.L_overlay_start_0:
0x88: {  	s2 =	sld [smem:$0x3FD9]  }
0x89: {  	s3 =	sld [smem:$0x3FFE];
	_ =	sdelay $0x1  }
0x8a: {  	s1 =	srdreg.scid  }
0x8b: {  	s0 =	sand.u32 $0x1, s1  }
0x8c: {  	s16 =	sshll.u32 s0, $0xA;
	s2 =	sadd.s32 s3, s2  }
0x8d: {  	s2 =	sadd.s32 s2, s16  }
0x8e: {  	[smem:$0x3FB9] =	sst s2  }
0x8f: {  	_ = 	snop  }
0x90: {  	(tm) =	ssettm $0x1  }
0x91: {  	s17 =	sld [smem:$0x3FFB];
	_ =	sdelay $0x3  }
0x92: {  	_ =	strace s17  }
0x93: {  	s2 =	sld [smem:$0x3FFC];
	_ =	sdelay $0x3  }
0x94: {  	_ =	strace s2  }
0x95: {  	s2 =	sld [smem:$0x3FFD];
	_ =	sdelay $0x3  }
0x96: {  	_ =	strace s2  }
0x97: {  	_ =	strace $0x8FFFFFFF  }
0x98: {  	s18 =	sld [smem:$0x3FDB];
	_ =	sdelay $0x1  }
0x99: {  	s19 =	simm.s32 $_scs_section_size  }
0x9a: {  	s4 =	simm.s32 $_size__tile_overlayer_lowered;
	s5 =	simm.s32 $_tile_overlayer_lowered  }
0x9b: {  	s22 =	simm.s32 $0x1BFF;
	s21 =	sshll.u32 s5, $0x1;
	s2 =	sadd.s32 s19, s18  }
0x9c: {  	s6 =	simm.s32 $0x0;
	s20 =	sshll.u32 s4, $0x1;
	s4 =	sadd.s32 s21, s2  }
0x9d: {  	[timem:s6], [sflag:s22] =	dma.local [hbm:s4], s20  }
0x9e: {  	_ =	swait.ge [sflag:s22], s20  }
0x9f: {  	s3 =	ssub.s32 $0x0, s20;
	[sflag:s22] =	ssyncset.done $0x0  }
0xa0: {  	[sflag:s22] =	ssyncadd.s32 s3;
	_ =	sdelay $0x1  }
0xa1: {  	s23 =	simm.s32 $0x1B8B  }
0xa2: {  	_ =	swait.ge [sflag:s23], $0x1  }
0xa3: {  	[sflag:s23] =	ssyncset.done $0x0  }
0xa4: {  	s25 =	simm.s32 $0x1B8E;
	s24 =	sld [smem:$0x3FFE];
	[sflag:s23] =	ssyncadd.s32 $0xFFFFFFFF  }
0xa5: {  	s26 =	simm.s32 $execute0_lowered;
	[smem:$0x3FD2] =	sst s25  }
0xa6: {  	s4 =	sshll.u32 s26, $0x1;
	_ =	strace $0x80000046;
	[dreg:$0x1] =	wrdreg $0xFFFFFFFF  }
0xa7: {  	s28 =	simm.s32 $_size_execute0_lowered;
	s2 =	sadd.s32 s2, s4;
	[dreg:$0x0] =	wrdreg $0x0  }
0xa8: {  	s4 =	sshll.u32 s28, $0x1;
	[dreg:$0x2] =	wrdreg s2  }
0xa9: {  	[dreg:$0x3] =	wrdreg s4  }
0xaa: {  	[dreg:$0x4] =	wrdreg $0xC0  }
0xab: {  	_ =	task [dreg:s6], $0x5FFFF  }
0xac: {  	[dreg:$0x1] =	wrdreg $0xFFFFFFFF  }
0xad: {  	[dreg:$0x0] =	wrdreg $0x60  }
0xae: {  	[dreg:$0x2] =	wrdreg s24  }
0xaf: {  	[dreg:$0x3] =	wrdreg $0xB  }
0xb0: {  	_ =	task.clear_ibuf [dreg:s6], $0x4FFFF;
	_ =	strace $0x90000046  }
0xb1: {  	s29 =	simm.s32 $0xB;
	_ =	strace $0x8000004F  }
0xb2: {  	_ =	swait.ge [sflag:s29], $0x1  }
0xb3: {  	[sflag:s29] =	ssyncadd.s32 $0xFFFFFFFF  }
0xb4: {  	_ =	strace $0x9000004F  }
0xb5: {  	_ =	sfence  }
0xb6: {  	s30 =	sld [smem:$0x0];
	_ =	sdelay $0x2  }
0xb7: {  	s31 =	sshll.u32 s1, $0xD;
	s1 =	sshrl.u32 s1, $0x2  }
0xb8: {  	s3 =	sand.u32 $0x4000, s31;
	s1 =	sadd.s32 s1, s30  }
0xb9: {  	s0 =	sor.u32 s3, s0;
	s1 =	sshll.u32 s1, $0x11  }
0xba: {  	s0 =	sor.u32 s1, s0  }
0xbb: {  	s0 =	sadd.s32 $0x8F2B, s0  }
0xbc: {  	[sflag:s0] =	ssyncadd.remote.s32 $0x1  }
0xbd: {  	_ =	sfence.sel $0xFFFF  }
0xbe: {  	[dreg:$0x0] =	wrdreg $0xFFFFFFFF;
	(pc) =	sbr.abs _section_cstart, $3  }
0xbf: {  	[dreg:$0x1] =	wrdreg $0xFFFFFFFF  }
0xc0: {  	_ =	task.clear_ibuf [dreg:s6], $0x2FFFF;
	_ =	strace $0x9FFFFFFF  }
0xc1: {  	(tm) =	ssettm $0x7FFFFFFF  }
tec
execute0_lowered:
.L_overlay_start_1:
0x0: {  	(tag) =	ssettag $0x1  }
0x1: {  	s2 =	rddreg [dreg:$0x0]  }
0x2: {  	s0 =	rddreg [dreg:$0x1];
	s1 =	simm.s32 $0x0;
	s3 =	srdreg.scid  }
0x3: {  	s8 =	simm.s32 $0x5;
	s9 =	simm.s32 $0x4;
	s10 =	simm.s32 $0x0  }
0x4: {  	[smem:$0x7FF] =	sst s1;
	s5 =	sand.u32 $0x1, s3;
	s3 =	sadd.s32 $0x1200, s2  }
0x5: {  	s4 =	sadd.s32 $0x19200, s2;
	s6 =	sadd.s32 $0x19600, s2;
	s5 =	ssub.s32 $0x2, s5  }
0x6: {  	v2 =	vlaneseq.u32;
	s2 =	stileid.u32;
	_ =	strace $0x80000047;
	s7 =	sshrl.u32 s5, $0x1  }
0x7: {  	vm0 =	vmmov $0xffff;
	v1 =	vshrl.u32 v2, $0x3;
	[dreg:$0x2] =	wrdreg s6;
	s31 =	sshll.u32 s2, $0x6;
	s7 =	ssub.s32 s5, s7  }
0x8: {  	v0 =	vand.u32 $0x7, v2;
	v2 =	vor.u32 $0x8, v2;
	v1 =	vmul.u32 $0x8, v1;
	s6 =	sadd.s32 s4, s31;
	s5 =	sshll.u32 s2, $0x2;
	s7 =	smax.u32 s7, $0x1  }
.LBB2_1:
0x9: {  	_ =	strace $0x80000048;
	s11 =	simm.s32 $0x4  }
0xa: {  	s12 =	simm.s32 $0x0;
	s13 =	simm.s32 $0x0;
	s14 =	simm.s32 $0x0  }
0xb: {  	[tilespmem:s1], [sflag:$0x1] =	stream.linear.gather [hbm4b:s6+s1], $0x80, $0x200038;
	[tilespmem:$0x10100] =	vst v63  }
0xc: {  	s15 =	simm.s32 $0x0;
	s16 =	simm.s32 $0x1;
	_ =	strace $0x90000048  }
.LBB2_2:
0xd: {  	s17 =	smov.u32 s12;
	s12 =	sadd.s32 $0x1, s12  }
0xe: {  	p0 =	seq.s32 s12, $0x4  }
0xf: {  	s12 =	simm.s32 @p0 $0x0  }
0x10: {  	p6 =	sne.s32 s11, $0x1;
	p1 =	sne.s32 s17, s12  }
0x11: {  	p0 =	por !p6, !p1  }
0x12: {  	p0 =	por !p0, !p0  }
0x13: {  	s18 =	sadd.s32 @p0 s5, s12  }
0x14: {  	s19 =	sand.u32 @p0 $0x1, s16;
	s18 =	sshll.u32 @p0 s18, $0x4  }
0x15: {  	_ =	strace @p0 $0x80000049;
	s21 =	simm.s32 @p0 $0x0;
	s18 =	sand.u32 @p0 $0x1FFFFFF0, s18  }
0x16: {  	s20 =	sshll.u32 @p0 s19, $0x7;
	s19 =	sadd.s32 @p0 $0x1, s19;
	s18 =	sadd.s32 @p0 s4, s18  }
0x17: {  	[tilespmem:s20], [sflag:s19] =	stream.linear.gather @p0 [hbm4b:s18+s21], $0x80, $0x200038;
	[tilespmem:$0x10100] =	vst v63  }
0x18: {  	s24 =	sand.u32 $0x1, s15;
	_ =	strace @p0 $0x90000049  }
0x19: {  	s18 =	sadd.s32 $0x1, s24;
	_ =	strace $0x8000004A  }
0x1a: {  	_ =	swait.ge [sflag:s18], $0x80  }
0x1b: {  	[sflag:s18] =	ssyncset.done $0x0  }
0x1c: {  	[sflag:s18] =	ssyncadd.s32 $0xFFFFFF80  }
0x1d: {  	s25 =	sshll.u32 s15, $0x7;
	_ =	strace $0x9000004A  }
0x1e: {  	s21 =	sand.u32 $0x80, s25;
	_ =	strace $0x8000004B  }
0x1f: {  	v3 =	vld [tilespmem:s21+$0x0];
	_ =	sdelay $0x4  }
0x20: {  	v4 =	vshll.u32 v3, $0x1  }
0x21: {  	v3 =	vand.u32 $0x7, v3;
	v4 =	vand.u32 $0xFFFFFFF0, v4  }
0x22: {  	v3 =	vor.u32 v3, v4  }
0x23: {  	v4 =	vperm.xlane v3, v0;
	_ =	sdelay $0x1  }
0x24: {  	v3 =	vperm.xlane v3, v2;
	v4 =	vadd.s32 v1, v4;
	_ =	sdelay $0x1  }
0x25: {  	s18 =	sand.u32 $0x1, s14;
	v3 =	vadd.s32 v1, v3  }
0x26: {  	s20 =	sshll.u32 s18, $0xF  }
0x27: {  	s19 =	sor.u32 $0x100, s20  }
0x28: {  	[tilespmem:s19], [sflag:$0x5] =	stream.indirect_vreg.gather [hbm4b:s3+s1], $0x80, v4, vm0, $0x2000b8;
	[tilespmem:$0x10100] =	vst v63  }
0x29: {  	s22 =	sor.u32 $0x900, s20  }
0x2a: {  	[tilespmem:s22], [sflag:$0x5] =	stream.indirect_vreg.gather [hbm4b:s3+s1], $0x80, v3, vm0, $0x2000b8;
	[tilespmem:$0x10100] =	vst v63  }
0x2b: {  	v3 =	vld [tilespmem:s21+$0x10];
	_ =	sdelay $0x4  }
0x2c: {  	v57 =	vshll.u32 v3, $0x1  }
0x2d: {  	v3 =	vand.u32 $0x7, v3;
	v4 =	vand.u32 $0xFFFFFFF0, v57  }
0x2e: {  	v3 =	vor.u32 v3, v4  }
0x2f: {  	v4 =	vperm.xlane v3, v0;
	_ =	sdelay $0x1  }
0x30: {  	v3 =	vperm.xlane v3, v2;
	v4 =	vadd.s32 v1, v4;
	_ =	sdelay $0x1  }
0x31: {  	v3 =	vadd.s32 v1, v3;
	_ =	sdelay $0x1  }
0x32: {  	s26 =	sor.u32 $0x1100, s20  }
0x33: {  	[tilespmem:s26], [sflag:$0x5] =	stream.indirect_vreg.gather [hbm4b:s3+s1], $0x80, v4, vm0, $0x2000b8;
	[tilespmem:$0x10100] =	vst v63  }
0x34: {  	s28 =	sor.u32 $0x1900, s20  }
0x35: {  	[tilespmem:s28], [sflag:$0x5] =	stream.indirect_vreg.gather [hbm4b:s3+s1], $0x80, v3, vm0, $0x2000b8;
	[tilespmem:$0x10100] =	vst v63  }
0x36: {  	v3 =	vld [tilespmem:s21+$0x20];
	_ =	sdelay $0x4  }
0x37: {  	v58 =	vshll.u32 v3, $0x1  }
0x38: {  	v3 =	vand.u32 $0x7, v3;
	v4 =	vand.u32 $0xFFFFFFF0, v58  }
0x39: {  	v3 =	vor.u32 v3, v4  }
0x3a: {  	v4 =	vperm.xlane v3, v0;
	_ =	sdelay $0x1  }
0x3b: {  	v3 =	vperm.xlane v3, v2;
	v4 =	vadd.s32 v1, v4;
	_ =	sdelay $0x1  }
0x3c: {  	v3 =	vadd.s32 v1, v3;
	_ =	sdelay $0x1  }
0x3d: {  	s29 =	sor.u32 $0x2100, s20  }
0x3e: {  	[tilespmem:s29], [sflag:$0x5] =	stream.indirect_vreg.gather [hbm4b:s3+s1], $0x80, v4, vm0, $0x2000b8;
	[tilespmem:$0x10100] =	vst v63  }
0x3f: {  	s30 =	sor.u32 $0x2900, s20  }
0x40: {  	[tilespmem:s30], [sflag:$0x5] =	stream.indirect_vreg.gather [hbm4b:s3+s1], $0x80, v3, vm0, $0x2000b8;
	[tilespmem:$0x10100] =	vst v63  }
0x41: {  	v3 =	vld [tilespmem:s21+$0x30];
	_ =	sdelay $0x4  }
0x42: {  	v59 =	vshll.u32 v3, $0x1  }
0x43: {  	v3 =	vand.u32 $0x7, v3;
	v4 =	vand.u32 $0xFFFFFFF0, v59  }
0x44: {  	v3 =	vor.u32 v3, v4  }
0x45: {  	v4 =	vperm.xlane v3, v0;
	_ =	sdelay $0x1  }
0x46: {  	v3 =	vperm.xlane v3, v2;
	v4 =	vadd.s32 v1, v4;
	_ =	sdelay $0x1  }
0x47: {  	v3 =	vadd.s32 v1, v3;
	_ =	sdelay $0x1  }
0x48: {  	s31 =	sor.u32 $0x3100, s20  }
0x49: {  	[tilespmem:s31], [sflag:$0x5] =	stream.indirect_vreg.gather [hbm4b:s3+s1], $0x80, v4, vm0, $0x2000b8;
	[tilespmem:$0x10100] =	vst v63  }
0x4a: {  	s23 =	sor.u32 $0x3900, s20  }
0x4b: {  	[tilespmem:s23], [sflag:$0x5] =	stream.indirect_vreg.gather [hbm4b:s3+s1], $0x80, v3, vm0, $0x2000b8;
	[tilespmem:$0x10100] =	vst v63  }
0x4c: {  	v3 =	vld [tilespmem:s21+$0x40];
	_ =	sdelay $0x4  }
0x4d: {  	v60 =	vshll.u32 v3, $0x1  }
0x4e: {  	v3 =	vand.u32 $0x7, v3;
	v4 =	vand.u32 $0xFFFFFFF0, v60  }
0x4f: {  	v3 =	vor.u32 v3, v4  }
0x50: {  	v4 =	vperm.xlane v3, v0;
	_ =	sdelay $0x1  }
0x51: {  	v3 =	vperm.xlane v3, v2;
	v4 =	vadd.s32 v1, v4;
	_ =	sdelay $0x1  }
0x52: {  	v3 =	vadd.s32 v1, v3;
	_ =	sdelay $0x1  }
0x53: {  	s24 =	sor.u32 $0x4100, s20  }
0x54: {  	[tilespmem:s24], [sflag:$0x5] =	stream.indirect_vreg.gather [hbm4b:s3+s1], $0x80, v4, vm0, $0x2000b8;
	[tilespmem:$0x10100] =	vst v63  }
0x55: {  	s25 =	sor.u32 $0x4900, s20  }
0x56: {  	[tilespmem:s25], [sflag:$0x5] =	stream.indirect_vreg.gather [hbm4b:s3+s1], $0x80, v3, vm0, $0x2000b8;
	[tilespmem:$0x10100] =	vst v63  }
0x57: {  	v3 =	vld [tilespmem:s21+$0x50];
	_ =	sdelay $0x4  }
0x58: {  	v61 =	vshll.u32 v3, $0x1  }
0x59: {  	v3 =	vand.u32 $0x7, v3;
	v4 =	vand.u32 $0xFFFFFFF0, v61  }
0x5a: {  	v3 =	vor.u32 v3, v4  }
0x5b: {  	v4 =	vperm.xlane v3, v0;
	_ =	sdelay $0x1  }
0x5c: {  	v3 =	vperm.xlane v3, v2;
	v4 =	vadd.s32 v1, v4;
	_ =	sdelay $0x1  }
0x5d: {  	v3 =	vadd.s32 v1, v3;
	_ =	sdelay $0x1  }
0x5e: {  	s26 =	sor.u32 $0x5100, s20  }
0x5f: {  	[tilespmem:s26], [sflag:$0x5] =	stream.indirect_vreg.gather [hbm4b:s3+s1], $0x80, v4, vm0, $0x2000b8;
	[tilespmem:$0x10100] =	vst v63  }
0x60: {  	s28 =	sor.u32 $0x5900, s20  }
0x61: {  	[tilespmem:s28], [sflag:$0x5] =	stream.indirect_vreg.gather [hbm4b:s3+s1], $0x80, v3, vm0, $0x2000b8;
	[tilespmem:$0x10100] =	vst v63  }
0x62: {  	v3 =	vld [tilespmem:s21+$0x60];
	_ =	sdelay $0x4  }
0x63: {  	v62 =	vshll.u32 v3, $0x1  }
0x64: {  	v3 =	vand.u32 $0x7, v3;
	v4 =	vand.u32 $0xFFFFFFF0, v62  }
0x65: {  	v3 =	vor.u32 v3, v4  }
0x66: {  	v4 =	vperm.xlane v3, v0;
	_ =	sdelay $0x1  }
0x67: {  	v3 =	vperm.xlane v3, v2;
	v4 =	vadd.s32 v1, v4;
	_ =	sdelay $0x1  }
0x68: {  	v3 =	vadd.s32 v1, v3;
	_ =	sdelay $0x1  }
0x69: {  	s29 =	sor.u32 $0x6100, s20  }
0x6a: {  	[tilespmem:s29], [sflag:$0x5] =	stream.indirect_vreg.gather [hbm4b:s3+s1], $0x80, v4, vm0, $0x2000b8;
	[tilespmem:$0x10100] =	vst v63  }
0x6b: {  	s30 =	sor.u32 $0x6900, s20  }
0x6c: {  	[tilespmem:s30], [sflag:$0x5] =	stream.indirect_vreg.gather [hbm4b:s3+s1], $0x80, v3, vm0, $0x2000b8;
	[tilespmem:$0x10100] =	vst v63  }
0x6d: {  	v3 =	vld [tilespmem:s21+$0x70];
	_ =	sdelay $0x4  }
0x6e: {  	v63 =	vshll.u32 v3, $0x1  }
0x6f: {  	v3 =	vand.u32 $0x7, v3;
	v4 =	vand.u32 $0xFFFFFFF0, v63  }
0x70: {  	v3 =	vor.u32 v3, v4  }
0x71: {  	v4 =	vperm.xlane v3, v0;
	_ =	sdelay $0x1  }
0x72: {  	v3 =	vperm.xlane v3, v2;
	v4 =	vadd.s32 v1, v4;
	_ =	sdelay $0x1  }
0x73: {  	v3 =	vadd.s32 v1, v3;
	_ =	sdelay $0x1  }
0x74: {  	s31 =	sor.u32 $0x7100, s20  }
0x75: {  	[tilespmem:s31], [sflag:$0x5] =	stream.indirect_vreg.gather [hbm4b:s3+s1], $0x80, v4, vm0, $0x2000b8;
	[tilespmem:$0x10100] =	vst v63  }
0x76: {  	s20 =	sor.u32 $0x7900, s20  }
0x77: {  	[tilespmem:s20], [sflag:$0x5] =	stream.indirect_vreg.gather [hbm4b:s3+s1], $0x80, v3, vm0, $0x2000b8;
	[tilespmem:$0x10100] =	vst v63  }
0x78: {  	_ =	swait.ge [sflag:s8], $0x8000  }
0x79: {  	p2 =	seq.s32 s11, $0x1;
	[sflag:s8] =	ssyncset.done $0x0  }
0x7a: {  	s17 =	sadd.s32 s5, s17;
	p1 =	por p2, p1;
	[sflag:s8] =	ssyncadd.s32 $0xFFFF8000  }
0x7b: {  	s17 =	sshll.u32 @p1 s17, $0xC;
	_ =	strace $0x9000004B  }
0x7c: {  	s17 =	sand.u32 @p1 $0x1FFFF000, s17;
	s21 =	simm.s32 $0x1;
	_ =	strace @p1 $0x8000004C  }
0x7d: {  	s18 =	sadd.s32 @p1 $0x3, s18;
	s21 =	simm.s32 @!p0 $0x0;
	s20 =	rddreg [dreg:$0x2]  }
0x7e: {  	p0 =	seq.s32 s11, $0x4;
	s17 =	sadd.s32 @p1 s20, s17;
	s20 =	simm.s32 @p1 $0x0  }
0x7f: {  	[hbm4b:s17+s20] =	stream.linear.scatter @p1 [tilespmem:s19], [sflag:s18], $0x8000, $0x200038;
	[tilespmem:$0x10100] =	vst v63  }
0x80: {  	s17 =	simm.s32 $0x1;
	s19 =	simm.s32 $0x1;
	_ =	strace @p1 $0x9000004C  }
0x81: {  	s17 =	simm.s32 @!p1 $0x0;
	p1 =	sne.s32 s11, $0x4;
	s11 =	sadd.s32 $0xFFFFFFFF, s11  }
0x82: {  	s18 =	sand.u32 @!p0 $0x1, s13;
	s19 =	simm.s32 @!p1 $0x0;
	p1 =	sne.s32 s11, $0x0  }
.Ltmp0:
0x83: {  	s18 =	sadd.s32 @!p0 $0x3, s18;
	_ =	strace @!p0 $0x8000004D;
	(pc) =	sbr.rel @p1 .LBB2_2-.Ltmp0, $4  }
0x84: {  	_ =	swait.ge @!p0 [sflag:s18], $0x8000  }
0x85: {  	[sflag:s18] =	ssyncset.done @!p0 $0x0  }
0x86: {  	s16 =	sadd.s32 s21, s16;
	s14 =	sadd.s32 s17, s14;
	[sflag:s18] =	ssyncadd.s32 @!p0 $0xFFFF8000  }
0x87: {  	s15 =	sadd.s32 s17, s15;
	s13 =	sadd.s32 s19, s13;
	_ =	strace @!p0 $0x9000004D  }
0x88: {  	s10 =	sadd.s32 $0x1, s10  }
0x89: {  	p0 =	sne.s32 s10, s7  }
.Ltmp1:
0x8a: {  	_ =	strace $0x8000004E;
	(pc) =	sbr.rel @p0 .LBB2_1-.Ltmp1, $4  }
0x8b: {  	_ =	swait.ge [sflag:s9], $0x8000  }
0x8c: {  	[sflag:s9] =	ssyncset.done $0x0  }
0x8d: {  	[sflag:s9] =	ssyncadd.s32 $0xFFFF8000  }
0x8e: {  	_ =	strace $0x9000004E  }
0x8f: {  	_ =	sfence.sel $0x180000  }
0x90: {  	[bflag:$0x0] =	sbarrier.arrive $0xFFFF  }
0x91: {  	p0 =	sne.s32 s2, $0x0;
	_ =	strace $0x90000047  }
0x92: {  	s0 =	sadd.s32 @!p0 $0x100000, s0;
	[bflag:$0x2] =	sbarrier.arrive $0xFFFF  }
0x93: {  	[sflag:s0] =	ssyncadd.tile.s32 @!p0 $0x1;
	_ =	shalt  }
.Lfunc_end2:
_tile_overlayer_lowered:
.L_overlay_start_2:
0x94: {  	(tag) =	ssettag $0x2  }
0x95: {  	s0 =	rddreg [dreg:$0x0];
	s2 =	stileid.u32  }
0x96: {  	s1 =	rddreg [dreg:$0x1];
	p0 =	sne.s32 s2, $0x0  }
0x97: {  	s3 =	rddreg [dreg:$0x2];
	[bflag:$0x3] =	sbarrier.arrive $0xFFFF;
	s2 =	simm.s32 @!p0 $0x1C01  }
0x98: {  	[timem:s3], [sflag:s2] =	dma.local @!p0 [hbm:s0], s1  }
0x99: {  	s0 =	simm.s32 @!p0 $0x1  }
0x9a: {  	_ =	swait.ge @!p0 [sflag:s0], s1  }
0x9b: {  	s1 =	ssub.s32 @!p0 $0x0, s1;
	[sflag:s0] =	ssyncset.done @!p0 $0x0  }
0x9c: {  	[sflag:s0] =	ssyncadd.s32 @!p0 s1  }
0x9d: {  	[bflag:$0x3] =	sbarrier.arrive $0xFFFF  }
0x9e: {  	_ =	shalt  }

// kernel: kernel.8.cloned.1.call-start
scs
__scs_entry_jumppad:
0x0: {  	(pc) =	sbr.rel $0x88, $3  }
0x1: {  	(tag) =	ssettag $0x0;
	lr =	simm.s32 $0x1  }
0x2: {  	[smem:$0x3F92] =	sst lr;
	_ =	strace $0xD0000000  }
0x3: {  	_ = 	snop  }
0x4: {  	_ = 	snop  }
0x5: {  	_ = 	snop  }
0x6: {  	_ = 	snop  }
0x7: {  	_ = 	snop  }
__scs_overlays_trampoline_lowered:
0x8: {  	[smem:$0x3FA1] =	sst s0  }
0x9: {  	[smem:$0x3FA2] =	sst s1  }
0xa: {  	[smem:$0x3FA3] =	sst s2  }
0xb: {  	[smem:$0x3FA4] =	sst s3  }
0xc: {  	[smem:$0x3FA5] =	sst s4  }
0xd: {  	[smem:$0x3FA6] =	sst s5  }
0xe: {  	[smem:$0x3FA7] =	sst s6  }
0xf: {  	[smem:$0x3FA8] =	sst s7  }
0x10: {  	[smem:$0x3FA9] =	sst s8  }
0x11: {  	[smem:$0x3FAA] =	sst s9;
	s0 =	simm.s32 @!p0 $0x0  }
0x12: {  	s1 =	sld [smem:$0x3F90];
	s0 =	simm.s32 @p0 $0x1  }
0x13: {  	[smem:$0x3FAB] =	sst s0;
	s0 =	simm.s32 @!p1 $0x0  }
0x14: {  	s2 =	sld [smem:$0x3F8F];
	s0 =	simm.s32 @p1 $0x1  }
0x15: {  	[smem:$0x3FAC] =	sst s0;
	s0 =	simm.s32 @!p2 $0x0  }
0x16: {  	s3 =	sld [smem:$0x3FDB];
	s0 =	simm.s32 @p2 $0x1  }
0x17: {  	s4 =	simm.s32 $0x1BF5;
	[smem:$0x3FAE] =	sst s0  }
0x18: {  	s0 =	sld [smem:$0x3F91];
	_ =	swait.ge [sflag:s4], $0x0  }
0x19: {  	s7 =	sld [smem:$0x3F92]  }
0x1a: {  	s8 =	sadd.s32 $0xFFFFE003, lr  }
0x1b: {  	s9 =	sadd.s32 $0xFFFFFEF7, lr;
	s5 =	simm.s32 $0xFFFFFFFF;
	p2 =	slt.u32 s8, $0xFFFFF086  }
0x1c: {  	p1 =	slt.u32 s9, $0xF7A;
	s5 =	simm.s32 @!p2 $0x0  }
0x1d: {  	s5 =	simm.s32 @p1 $0x1;
	p0 =	seq.s32 s7, s2  }
0x1e: {  	s7 =	smul.u32 @!p0 $0xF7A, s2;
	p2 =	seq.s32 @!p0 s5, $0x0  }
0x1f: {  	s9 =	smul.u32 $0xF7A, s1;
	s8 =	simm.s32 @!p0 $0x1BF5;
	p2 =	por !p2, p0  }
0x20: {  	[sflag:s8] =	ssyncset.s32 @!p0 $0xFFFFF086;
	s6 =	sadd.s32 @!p0 s3, s7;
	s7 =	simm.s32 @!p0 $0x108  }
0x21: {  	s3 =	sadd.s32 s3, s9;
	s6 =	sadd.s32 @!p0 $0x88, s6;
	s7 =	simm.s32 @p2 $0x1082  }
0x22: {  	[simem:s7], [sflag:s8] =	dma.local @!p0 [hbm:s6], $0xF7A  }
0x23: {  	s9 =	sor.u32 $0xD0000000, s2;
	s6 =	simm.s32 $0x108;
	_ =	swait.ge @!p0 [sflag:s8], $0x0  }
0x24: {  	s3 =	sadd.s32 $0x88, s3;
	s6 =	simm.s32 @!p1 $0x1082;
	[sflag:s4] =	ssyncset.s32 $0xFFFFF086  }
0x25: {  	[simem:s6], [sflag:s4] =	dma.local [hbm:s3], $0xF7A  }
0x26: {  	[smem:$0x3F92] =	sst s1;
	(tag) =	ssettag s2;
	_ =	strace s9  }
0x27: {  	s1 =	sld [smem:$0x3FA2]  }
0x28: {  	s2 =	sld [smem:$0x3FA3]  }
0x29: {  	s4 =	sld [smem:$0x3FA5]  }
0x2a: {  	p0 =	seq.s32 s5, $0x0;
	s5 =	sld [smem:$0x3FA6]  }
0x2b: {  	s6 =	sld [smem:$0x3FA7]  }
0x2c: {  	s7 =	sld [smem:$0x3FA8]  }
0x2d: {  	s3 =	simm.s32 $0x108;
	s8 =	sld [smem:$0x3FA9]  }
0x2e: {  	s3 =	simm.s32 @!p0 $0x1082;
	s9 =	sld [smem:$0x3FAA]  }
0x2f: {  	lr =	sadd.s32 s0, s3;
	s0 =	sld [smem:$0x3FA1]  }
0x30: {  	s3 =	sld [smem:$0x3FA4]  }
0x31: {  	[smem:$0x3FAD] =	sst s10  }
0x32: {  	s10 =	sld [smem:$0x3FAB];
	_ =	sdelay $0x3  }
0x33: {  	p0 =	seq.s32 s10, $0x1;
	s10 =	sld [smem:$0x3FAD];
	_ =	sdelay $0x3  }
0x34: {  	[smem:$0x3FAD] =	sst s10  }
0x35: {  	s10 =	sld [smem:$0x3FAC];
	_ =	sdelay $0x3  }
0x36: {  	p1 =	seq.s32 s10, $0x1;
	s10 =	sld [smem:$0x3FAD];
	_ =	sdelay $0x3  }
0x37: {  	[smem:$0x3FAD] =	sst s10  }
0x38: {  	s10 =	sld [smem:$0x3FAE]  }
0x39: {  	_ = 	snop;
	(pc) =	sbr.ind lr, $3  }
0x3a: {  	_ = 	snop  }
0x3b: {  	_ = 	snop  }
0x3c: {  	p2 =	seq.s32 s10, $0x1;
	s10 =	sld [smem:$0x3FAD]  }
0x3d: {  	_ =	shalt  }
0x3e: {  	_ =	shalt  }
0x3f: {  	_ =	shalt  }
0x40: {  	_ =	shalt  }
0x41: {  	_ =	shalt  }
0x42: {  	_ =	shalt  }
0x43: {  	_ =	shalt  }
0x44: {  	_ =	shalt  }
0x45: {  	_ =	shalt  }
0x46: {  	_ =	shalt  }
0x47: {  	_ =	shalt  }
0x48: {  	_ =	shalt  }
0x49: {  	_ =	shalt  }
0x4a: {  	_ =	shalt  }
0x4b: {  	_ =	shalt  }
0x4c: {  	_ =	shalt  }
0x4d: {  	_ =	shalt  }
0x4e: {  	_ =	shalt  }
0x4f: {  	_ =	shalt  }
0x50: {  	_ =	shalt  }
0x51: {  	_ =	shalt  }
0x52: {  	_ =	shalt  }
0x53: {  	_ =	shalt  }
0x54: {  	_ =	shalt  }
0x55: {  	_ =	shalt  }
0x56: {  	_ =	shalt  }
0x57: {  	_ =	shalt  }
0x58: {  	_ =	shalt  }
0x59: {  	_ =	shalt  }
0x5a: {  	_ =	shalt  }
0x5b: {  	_ =	shalt  }
0x5c: {  	_ =	shalt  }
0x5d: {  	_ =	shalt  }
0x5e: {  	_ =	shalt  }
0x5f: {  	_ =	shalt  }
0x60: {  	_ =	shalt  }
0x61: {  	_ =	shalt  }
0x62: {  	_ =	shalt  }
0x63: {  	_ =	shalt  }
0x64: {  	_ =	shalt  }
0x65: {  	_ =	shalt  }
0x66: {  	_ =	shalt  }
0x67: {  	_ =	shalt  }
0x68: {  	_ =	shalt  }
0x69: {  	_ =	shalt  }
0x6a: {  	_ =	shalt  }
0x6b: {  	_ =	shalt  }
0x6c: {  	_ =	shalt  }
0x6d: {  	_ =	shalt  }
0x6e: {  	_ =	shalt  }
0x6f: {  	_ =	shalt  }
0x70: {  	_ =	shalt  }
0x71: {  	_ =	shalt  }
0x72: {  	_ =	shalt  }
0x73: {  	_ =	shalt  }
0x74: {  	_ =	shalt  }
0x75: {  	_ =	shalt  }
0x76: {  	_ =	shalt  }
0x77: {  	_ =	shalt  }
0x78: {  	_ =	shalt  }
0x79: {  	_ =	shalt  }
0x7a: {  	_ =	shalt  }
0x7b: {  	_ =	shalt  }
0x7c: {  	_ =	shalt  }
0x7d: {  	_ =	shalt  }
0x7e: {  	_ =	shalt  }
0x7f: {  	_ =	shalt  }
0x80: {  	_ =	shalt  }
0x81: {  	_ =	shalt  }
0x82: {  	_ =	shalt  }
0x83: {  	_ =	shalt  }
0x84: {  	_ =	shalt  }
0x85: {  	_ =	shalt  }
0x86: {  	_ =	shalt  }
0x87: {  	_ =	shalt  }
.Lfunc_end0:
.L_simem_size_0:
called_computation_lowered:
.L_overlay_start_0:
0x88: {  	s2 =	sld [smem:$0x3FD9]  }
0x89: {  	s3 =	sld [smem:$0x3FFE];
	_ =	sdelay $0x1  }
0x8a: {  	s1 =	srdreg.scid  }
0x8b: {  	s0 =	sand.u32 $0x1, s1  }
0x8c: {  	s17 =	sshll.u32 s0, $0xA;
	s2 =	sadd.s32 s3, s2  }
0x8d: {  	s2 =	sadd.s32 s2, s17  }
0x8e: {  	[smem:$0x3FB9] =	sst s2  }
0x8f: {  	_ = 	snop  }
0x90: {  	(tm) =	ssettm $0x1  }
0x91: {  	s18 =	sld [smem:$0x3FFB];
	_ =	sdelay $0x3  }
0x92: {  	_ =	strace s18  }
0x93: {  	s2 =	sld [smem:$0x3FFC];
	_ =	sdelay $0x3  }
0x94: {  	_ =	strace s2  }
0x95: {  	s2 =	sld [smem:$0x3FFD];
	_ =	sdelay $0x3  }
0x96: {  	_ =	strace s2  }
0x97: {  	_ =	strace $0x8FFFFFFF  }
0x98: {  	s19 =	sld [smem:$0x3FDB];
	_ =	sdelay $0x1  }
0x99: {  	s20 =	simm.s32 $_scs_section_size  }
0x9a: {  	s4 =	simm.s32 $_size__tile_overlayer_lowered;
	s5 =	simm.s32 $_tile_overlayer_lowered  }
0x9b: {  	s6 =	simm.s32 $0x1BFF;
	s21 =	sshll.u32 s5, $0x1;
	s3 =	sadd.s32 s20, s19  }
0x9c: {  	s22 =	simm.s32 $0x0;
	s4 =	sshll.u32 s4, $0x1;
	s5 =	sadd.s32 s21, s3  }
0x9d: {  	[timem:s22], [sflag:s6] =	dma.local [hbm:s5], s4  }
0x9e: {  	_ =	swait.ge [sflag:s6], s4  }
0x9f: {  	s4 =	ssub.s32 $0x0, s4;
	[sflag:s6] =	ssyncset.done $0x0  }
0xa0: {  	[sflag:s6] =	ssyncadd.s32 s4;
	_ =	sdelay $0x1  }
0xa1: {  	s23 =	simm.s32 $0x1B8B  }
0xa2: {  	_ =	swait.ge [sflag:s23], $0x1  }
0xa3: {  	[sflag:s23] =	ssyncset.done $0x0  }
0xa4: {  	[sflag:s23] =	ssyncadd.s32 $0xFFFFFFFF  }
0xa5: {  	s4 =	sld [smem:$0x0]  }
0xa6: {  	s5 =	sand.u32 $0xFFFFFFFE, s1  }
0xa7: {  	p0 =	sne.s32 s1, s5  }
0xa8: {  	s5 =	sshll.u32 @p0 s5, $0xE  }
0xa9: {  	s5 =	sadd.s32 @p0 $0x11B8D, s5;
	s6 =	sshll.u32 @p0 s4, $0x11  }
0xaa: {  	s5 =	sor.u32 @p0 s6, s5  }
0xab: {  	[sflag:s5] =	ssyncadd.remote.s32 @p0 $0x1;
	_ =	sdelay $0x1  }
0xac: {  	s5 =	simm.s32 @p0 $0x1B8D  }
0xad: {  	_ =	swait.eq @p0 [sflag:s5], $0x1  }
0xae: {  	[sflag:s5] =	ssyncadd.s32 @p0 $0xFFFFFFFF  }
0xaf: {  	s6 =	sshll.u32 @!p0 s1, $0xE  }
0xb0: {  	s6 =	sor.u32 @!p0 $0x4000, s6;
	s5 =	simm.s32 @!p0 $0x1B8D  }
0xb1: {  	s4 =	sshll.u32 @!p0 s4, $0x11;
	s6 =	sadd.s32 @!p0 $0x11B8D, s6;
	_ =	swait.eq @!p0 [sflag:s5], $0x1  }
0xb2: {  	s4 =	sor.u32 @!p0 s4, s6;
	[sflag:s5] =	ssyncadd.s32 @!p0 $0xFFFFFFFF  }
0xb3: {  	s25 =	simm.s32 $0x1B8E;
	s24 =	sld [smem:$0x3FFE];
	[sflag:s4] =	ssyncadd.remote.s32 @!p0 $0x1  }
0xb4: {  	s26 =	simm.s32 $execute0_lowered;
	[smem:$0x3FD2] =	sst s25  }
0xb5: {  	s5 =	sshll.u32 s26, $0x1;
	_ =	strace $0x8000005A;
	[dreg:$0x1] =	wrdreg $0xFFFFFFFF  }
0xb6: {  	s28 =	simm.s32 $_size_execute0_lowered;
	s3 =	sadd.s32 s3, s5;
	[dreg:$0x0] =	wrdreg $0x0  }
0xb7: {  	s5 =	sshll.u32 s28, $0x1;
	[dreg:$0x2] =	wrdreg s3  }
0xb8: {  	[dreg:$0x3] =	wrdreg s5  }
0xb9: {  	[dreg:$0x4] =	wrdreg $0xC0  }
0xba: {  	_ =	task [dreg:s22], $0x5FFFF  }
0xbb: {  	[dreg:$0x1] =	wrdreg $0xFFFFFFFF  }
0xbc: {  	[dreg:$0x0] =	wrdreg $0x60  }
0xbd: {  	[dreg:$0x2] =	wrdreg s24  }
0xbe: {  	[dreg:$0x3] =	wrdreg $0x9  }
0xbf: {  	_ =	task.clear_ibuf [dreg:s22], $0x4FFFF;
	_ =	strace $0x9000005A  }
0xc0: {  	s29 =	simm.s32 $0x9;
	_ =	strace $0x80000063  }
0xc1: {  	_ =	swait.ge [sflag:s29], $0x1  }
0xc2: {  	[sflag:s29] =	ssyncadd.s32 $0xFFFFFFFF  }
0xc3: {  	_ =	strace $0x90000063  }
0xc4: {  	_ =	sfence  }
0xc5: {  	s30 =	sld [smem:$0x0];
	_ =	sdelay $0x2  }
0xc6: {  	s31 =	sshll.u32 s1, $0xD;
	s1 =	sshrl.u32 s1, $0x2  }
0xc7: {  	s4 =	sand.u32 $0x4000, s31;
	s1 =	sadd.s32 s1, s30  }
0xc8: {  	s0 =	sor.u32 s4, s0;
	s1 =	sshll.u32 s1, $0x11  }
0xc9: {  	s0 =	sor.u32 s1, s0  }
0xca: {  	s0 =	sadd.s32 $0x8F2B, s0  }
0xcb: {  	[sflag:s0] =	ssyncadd.remote.s32 $0x1  }
0xcc: {  	_ =	sfence.sel $0xFFFF  }
0xcd: {  	[dreg:$0x0] =	wrdreg $0xFFFFFFFF;
	(pc) =	sbr.abs _section_cstart, $3  }
0xce: {  	[dreg:$0x1] =	wrdreg $0xFFFFFFFF  }
0xcf: {  	_ =	task.clear_ibuf [dreg:s22], $0x2FFFF;
	_ =	strace $0x9FFFFFFF  }
0xd0: {  	(tm) =	ssettm $0x7FFFFFFF  }
0xd1: {  	_ =	shalt  }
tec
execute0_lowered:
.L_overlay_start_1:
0x0: {  	(tag) =	ssettag $0x1  }
0x1: {  	s2 =	rddreg [dreg:$0x0]  }
0x2: {  	s0 =	rddreg [dreg:$0x1];
	s1 =	simm.s32 $0x0;
	s3 =	srdreg.scid  }
0x3: {  	s8 =	simm.s32 $0x5;
	s9 =	simm.s32 $0x4;
	s10 =	simm.s32 $0x0  }
0x4: {  	[smem:$0x7FF] =	sst s1;
	s5 =	sand.u32 $0x1, s3;
	s3 =	sadd.s32 $0x11200, s2  }
0x5: {  	s4 =	sadd.s32 $0x19200, s2;
	s6 =	sadd.s32 $0x99600, s2;
	s5 =	ssub.s32 $0x2, s5  }
0x6: {  	v2 =	vlaneseq.u32;
	s2 =	stileid.u32;
	_ =	strace $0x8000005B;
	s7 =	sshrl.u32 s5, $0x1  }
0x7: {  	vm0 =	vmmov $0xffff;
	v1 =	vshrl.u32 v2, $0x3;
	[dreg:$0x2] =	wrdreg s6;
	s31 =	sshll.u32 s2, $0x6;
	s7 =	ssub.s32 s5, s7  }
0x8: {  	v0 =	vand.u32 $0x7, v2;
	v2 =	vor.u32 $0x8, v2;
	v1 =	vmul.u32 $0x8, v1;
	s6 =	sadd.s32 s4, s31;
	s5 =	sshll.u32 s2, $0x2;
	s7 =	smax.u32 s7, $0x1  }
.LBB2_1:
0x9: {  	_ =	strace $0x8000005C;
	s11 =	simm.s32 $0x4  }
0xa: {  	s12 =	simm.s32 $0x0;
	s13 =	simm.s32 $0x0;
	s14 =	simm.s32 $0x0  }
0xb: {  	[tilespmem:s1], [sflag:$0x1] =	stream.linear.gather [hbm4b:s6+s1], $0x80, $0x200038;
	[tilespmem:$0x10100] =	vst v63  }
0xc: {  	s15 =	simm.s32 $0x0;
	s16 =	simm.s32 $0x1;
	_ =	strace $0x9000005C  }
.LBB2_2:
0xd: {  	s17 =	smov.u32 s12;
	s12 =	sadd.s32 $0x1, s12  }
0xe: {  	p0 =	seq.s32 s12, $0x4  }
0xf: {  	s12 =	simm.s32 @p0 $0x0  }
0x10: {  	p6 =	sne.s32 s11, $0x1;
	p1 =	sne.s32 s17, s12  }
0x11: {  	p0 =	por !p6, !p1  }
0x12: {  	p0 =	por !p0, !p0  }
0x13: {  	s18 =	sadd.s32 @p0 s5, s12  }
0x14: {  	s19 =	sand.u32 @p0 $0x1, s16;
	s18 =	sshll.u32 @p0 s18, $0x4  }
0x15: {  	_ =	strace @p0 $0x8000005D;
	s21 =	simm.s32 @p0 $0x0;
	s18 =	sand.u32 @p0 $0x1FFFFFF0, s18  }
0x16: {  	s20 =	sshll.u32 @p0 s19, $0x7;
	s19 =	sadd.s32 @p0 $0x1, s19;
	s18 =	sadd.s32 @p0 s4, s18  }
0x17: {  	[tilespmem:s20], [sflag:s19] =	stream.linear.gather @p0 [hbm4b:s18+s21], $0x80, $0x200038;
	[tilespmem:$0x10100] =	vst v63  }
0x18: {  	s24 =	sand.u32 $0x1, s15;
	_ =	strace @p0 $0x9000005D  }
0x19: {  	s18 =	sadd.s32 $0x1, s24;
	_ =	strace $0x8000005E  }
0x1a: {  	_ =	swait.ge [sflag:s18], $0x80  }
0x1b: {  	[sflag:s18] =	ssyncset.done $0x0  }
0x1c: {  	[sflag:s18] =	ssyncadd.s32 $0xFFFFFF80  }
0x1d: {  	s25 =	sshll.u32 s15, $0x7;
	_ =	strace $0x9000005E  }
0x1e: {  	s21 =	sand.u32 $0x80, s25;
	_ =	strace $0x8000005F  }
0x1f: {  	v3 =	vld [tilespmem:s21+$0x0];
	_ =	sdelay $0x4  }
0x20: {  	v4 =	vshll.u32 v3, $0x1  }
0x21: {  	v3 =	vand.u32 $0x7, v3;
	v4 =	vand.u32 $0xFFFFFFF0, v4  }
0x22: {  	v3 =	vor.u32 v3, v4  }
0x23: {  	v4 =	vperm.xlane v3, v0;
	_ =	sdelay $0x1  }
0x24: {  	v3 =	vperm.xlane v3, v2;
	v4 =	vadd.s32 v1, v4;
	_ =	sdelay $0x1  }
0x25: {  	s18 =	sand.u32 $0x1, s14;
	v3 =	vadd.s32 v1, v3  }
0x26: {  	s20 =	sshll.u32 s18, $0xF  }
0x27: {  	s19 =	sor.u32 $0x100, s20  }
0x28: {  	[tilespmem:s19], [sflag:$0x5] =	stream.indirect_vreg.gather [hbm4b:s3+s1], $0x80, v4, vm0, $0x2000b8;
	[tilespmem:$0x10100] =	vst v63  }
0x29: {  	s22 =	sor.u32 $0x900, s20  }
0x2a: {  	[tilespmem:s22], [sflag:$0x5] =	stream.indirect_vreg.gather [hbm4b:s3+s1], $0x80, v3, vm0, $0x2000b8;
	[tilespmem:$0x10100] =	vst v63  }
0x2b: {  	v3 =	vld [tilespmem:s21+$0x10];
	_ =	sdelay $0x4  }
0x2c: {  	v57 =	vshll.u32 v3, $0x1  }
0x2d: {  	v3 =	vand.u32 $0x7, v3;
	v4 =	vand.u32 $0xFFFFFFF0, v57  }
0x2e: {  	v3 =	vor.u32 v3, v4  }
0x2f: {  	v4 =	vperm.xlane v3, v0;
	_ =	sdelay $0x1  }
0x30: {  	v3 =	vperm.xlane v3, v2;
	v4 =	vadd.s32 v1, v4;
	_ =	sdelay $0x1  }
0x31: {  	v3 =	vadd.s32 v1, v3;
	_ =	sdelay $0x1  }
0x32: {  	s26 =	sor.u32 $0x1100, s20  }
0x33: {  	[tilespmem:s26], [sflag:$0x5] =	stream.indirect_vreg.gather [hbm4b:s3+s1], $0x80, v4, vm0, $0x2000b8;
	[tilespmem:$0x10100] =	vst v63  }
0x34: {  	s28 =	sor.u32 $0x1900, s20  }
0x35: {  	[tilespmem:s28], [sflag:$0x5] =	stream.indirect_vreg.gather [hbm4b:s3+s1], $0x80, v3, vm0, $0x2000b8;
	[tilespmem:$0x10100] =	vst v63  }
0x36: {  	v3 =	vld [tilespmem:s21+$0x20];
	_ =	sdelay $0x4  }
0x37: {  	v58 =	vshll.u32 v3, $0x1  }
0x38: {  	v3 =	vand.u32 $0x7, v3;
	v4 =	vand.u32 $0xFFFFFFF0, v58  }
0x39: {  	v3 =	vor.u32 v3, v4  }
0x3a: {  	v4 =	vperm.xlane v3, v0;
	_ =	sdelay $0x1  }
0x3b: {  	v3 =	vperm.xlane v3, v2;
	v4 =	vadd.s32 v1, v4;
	_ =	sdelay $0x1  }
0x3c: {  	v3 =	vadd.s32 v1, v3;
	_ =	sdelay $0x1  }
0x3d: {  	s29 =	sor.u32 $0x2100, s20  }
0x3e: {  	[tilespmem:s29], [sflag:$0x5] =	stream.indirect_vreg.gather [hbm4b:s3+s1], $0x80, v4, vm0, $0x2000b8;
	[tilespmem:$0x10100] =	vst v63  }
0x3f: {  	s30 =	sor.u32 $0x2900, s20  }
0x40: {  	[tilespmem:s30], [sflag:$0x5] =	stream.indirect_vreg.gather [hbm4b:s3+s1], $0x80, v3, vm0, $0x2000b8;
	[tilespmem:$0x10100] =	vst v63  }
0x41: {  	v3 =	vld [tilespmem:s21+$0x30];
	_ =	sdelay $0x4  }
0x42: {  	v59 =	vshll.u32 v3, $0x1  }
0x43: {  	v3 =	vand.u32 $0x7, v3;
	v4 =	vand.u32 $0xFFFFFFF0, v59  }
0x44: {  	v3 =	vor.u32 v3, v4  }
0x45: {  	v4 =	vperm.xlane v3, v0;
	_ =	sdelay $0x1  }
0x46: {  	v3 =	vperm.xlane v3, v2;
	v4 =	vadd.s32 v1, v4;
	_ =	sdelay $0x1  }
0x47: {  	v3 =	vadd.s32 v1, v3;
	_ =	sdelay $0x1  }
0x48: {  	s31 =	sor.u32 $0x3100, s20  }
0x49: {  	[tilespmem:s31], [sflag:$0x5] =	stream.indirect_vreg.gather [hbm4b:s3+s1], $0x80, v4, vm0, $0x2000b8;
	[tilespmem:$0x10100] =	vst v63  }
0x4a: {  	s23 =	sor.u32 $0x3900, s20  }
0x4b: {  	[tilespmem:s23], [sflag:$0x5] =	stream.indirect_vreg.gather [hbm4b:s3+s1], $0x80, v3, vm0, $0x2000b8;
	[tilespmem:$0x10100] =	vst v63  }
0x4c: {  	v3 =	vld [tilespmem:s21+$0x40];
	_ =	sdelay $0x4  }
0x4d: {  	v60 =	vshll.u32 v3, $0x1  }
0x4e: {  	v3 =	vand.u32 $0x7, v3;
	v4 =	vand.u32 $0xFFFFFFF0, v60  }
0x4f: {  	v3 =	vor.u32 v3, v4  }
0x50: {  	v4 =	vperm.xlane v3, v0;
	_ =	sdelay $0x1  }
0x51: {  	v3 =	vperm.xlane v3, v2;
	v4 =	vadd.s32 v1, v4;
	_ =	sdelay $0x1  }
0x52: {  	v3 =	vadd.s32 v1, v3;
	_ =	sdelay $0x1  }
0x53: {  	s24 =	sor.u32 $0x4100, s20  }
0x54: {  	[tilespmem:s24], [sflag:$0x5] =	stream.indirect_vreg.gather [hbm4b:s3+s1], $0x80, v4, vm0, $0x2000b8;
	[tilespmem:$0x10100] =	vst v63  }
0x55: {  	s25 =	sor.u32 $0x4900, s20  }
0x56: {  	[tilespmem:s25], [sflag:$0x5] =	stream.indirect_vreg.gather [hbm4b:s3+s1], $0x80, v3, vm0, $0x2000b8;
	[tilespmem:$0x10100] =	vst v63  }
0x57: {  	v3 =	vld [tilespmem:s21+$0x50];
	_ =	sdelay $0x4  }
0x58: {  	v61 =	vshll.u32 v3, $0x1  }
0x59: {  	v3 =	vand.u32 $0x7, v3;
	v4 =	vand.u32 $0xFFFFFFF0, v61  }
0x5a: {  	v3 =	vor.u32 v3, v4  }
0x5b: {  	v4 =	vperm.xlane v3, v0;
	_ =	sdelay $0x1  }
0x5c: {  	v3 =	vperm.xlane v3, v2;
	v4 =	vadd.s32 v1, v4;
	_ =	sdelay $0x1  }
0x5d: {  	v3 =	vadd.s32 v1, v3;
	_ =	sdelay $0x1  }
0x5e: {  	s26 =	sor.u32 $0x5100, s20  }
0x5f: {  	[tilespmem:s26], [sflag:$0x5] =	stream.indirect_vreg.gather [hbm4b:s3+s1], $0x80, v4, vm0, $0x2000b8;
	[tilespmem:$0x10100] =	vst v63  }
0x60: {  	s28 =	sor.u32 $0x5900, s20  }
0x61: {  	[tilespmem:s28], [sflag:$0x5] =	stream.indirect_vreg.gather [hbm4b:s3+s1], $0x80, v3, vm0, $0x2000b8;
	[tilespmem:$0x10100] =	vst v63  }
0x62: {  	v3 =	vld [tilespmem:s21+$0x60];
	_ =	sdelay $0x4  }
0x63: {  	v62 =	vshll.u32 v3, $0x1  }
0x64: {  	v3 =	vand.u32 $0x7, v3;
	v4 =	vand.u32 $0xFFFFFFF0, v62  }
0x65: {  	v3 =	vor.u32 v3, v4  }
0x66: {  	v4 =	vperm.xlane v3, v0;
	_ =	sdelay $0x1  }
0x67: {  	v3 =	vperm.xlane v3, v2;
	v4 =	vadd.s32 v1, v4;
	_ =	sdelay $0x1  }
0x68: {  	v3 =	vadd.s32 v1, v3;
	_ =	sdelay $0x1  }
0x69: {  	s29 =	sor.u32 $0x6100, s20  }
0x6a: {  	[tilespmem:s29], [sflag:$0x5] =	stream.indirect_vreg.gather [hbm4b:s3+s1], $0x80, v4, vm0, $0x2000b8;
	[tilespmem:$0x10100] =	vst v63  }
0x6b: {  	s30 =	sor.u32 $0x6900, s20  }
0x6c: {  	[tilespmem:s30], [sflag:$0x5] =	stream.indirect_vreg.gather [hbm4b:s3+s1], $0x80, v3, vm0, $0x2000b8;
	[tilespmem:$0x10100] =	vst v63  }
0x6d: {  	v3 =	vld [tilespmem:s21+$0x70];
	_ =	sdelay $0x4  }
0x6e: {  	v63 =	vshll.u32 v3, $0x1  }
0x6f: {  	v3 =	vand.u32 $0x7, v3;
	v4 =	vand.u32 $0xFFFFFFF0, v63  }
0x70: {  	v3 =	vor.u32 v3, v4  }
0x71: {  	v4 =	vperm.xlane v3, v0;
	_ =	sdelay $0x1  }
0x72: {  	v3 =	vperm.xlane v3, v2;
	v4 =	vadd.s32 v1, v4;
	_ =	sdelay $0x1  }
0x73: {  	v3 =	vadd.s32 v1, v3;
	_ =	sdelay $0x1  }
0x74: {  	s31 =	sor.u32 $0x7100, s20  }
0x75: {  	[tilespmem:s31], [sflag:$0x5] =	stream.indirect_vreg.gather [hbm4b:s3+s1], $0x80, v4, vm0, $0x2000b8;
	[tilespmem:$0x10100] =	vst v63  }
0x76: {  	s20 =	sor.u32 $0x7900, s20  }
0x77: {  	[tilespmem:s20], [sflag:$0x5] =	stream.indirect_vreg.gather [hbm4b:s3+s1], $0x80, v3, vm0, $0x2000b8;
	[tilespmem:$0x10100] =	vst v63  }
0x78: {  	_ =	swait.ge [sflag:s8], $0x8000  }
0x79: {  	p2 =	seq.s32 s11, $0x1;
	[sflag:s8] =	ssyncset.done $0x0  }
0x7a: {  	s17 =	sadd.s32 s5, s17;
	p1 =	por p2, p1;
	[sflag:s8] =	ssyncadd.s32 $0xFFFF8000  }
0x7b: {  	s17 =	sshll.u32 @p1 s17, $0xC;
	_ =	strace $0x9000005F  }
0x7c: {  	s17 =	sand.u32 @p1 $0x1FFFF000, s17;
	s21 =	simm.s32 $0x1;
	_ =	strace @p1 $0x80000060  }
0x7d: {  	s18 =	sadd.s32 @p1 $0x3, s18;
	s21 =	simm.s32 @!p0 $0x0;
	s20 =	rddreg [dreg:$0x2]  }
0x7e: {  	p0 =	seq.s32 s11, $0x4;
	s17 =	sadd.s32 @p1 s20, s17;
	s20 =	simm.s32 @p1 $0x0  }
0x7f: {  	[hbm4b:s17+s20] =	stream.linear.scatter @p1 [tilespmem:s19], [sflag:s18], $0x8000, $0x200038;
	[tilespmem:$0x10100] =	vst v63  }
0x80: {  	s17 =	simm.s32 $0x1;
	s19 =	simm.s32 $0x1;
	_ =	strace @p1 $0x90000060  }
0x81: {  	s17 =	simm.s32 @!p1 $0x0;
	p1 =	sne.s32 s11, $0x4;
	s11 =	sadd.s32 $0xFFFFFFFF, s11  }
0x82: {  	s18 =	sand.u32 @!p0 $0x1, s13;
	s19 =	simm.s32 @!p1 $0x0;
	p1 =	sne.s32 s11, $0x0  }
.Ltmp0:
0x83: {  	s18 =	sadd.s32 @!p0 $0x3, s18;
	_ =	strace @!p0 $0x80000061;
	(pc) =	sbr.rel @p1 .LBB2_2-.Ltmp0, $4  }
0x84: {  	_ =	swait.ge @!p0 [sflag:s18], $0x8000  }
0x85: {  	[sflag:s18] =	ssyncset.done @!p0 $0x0  }
0x86: {  	s16 =	sadd.s32 s21, s16;
	s14 =	sadd.s32 s17, s14;
	[sflag:s18] =	ssyncadd.s32 @!p0 $0xFFFF8000  }
0x87: {  	s15 =	sadd.s32 s17, s15;
	s13 =	sadd.s32 s19, s13;
	_ =	strace @!p0 $0x90000061  }
0x88: {  	s10 =	sadd.s32 $0x1, s10  }
0x89: {  	p0 =	sne.s32 s10, s7  }
.Ltmp1:
0x8a: {  	_ =	strace $0x80000062;
	(pc) =	sbr.rel @p0 .LBB2_1-.Ltmp1, $4  }
0x8b: {  	_ =	swait.ge [sflag:s9], $0x8000  }
0x8c: {  	[sflag:s9] =	ssyncset.done $0x0  }
0x8d: {  	[sflag:s9] =	ssyncadd.s32 $0xFFFF8000  }
0x8e: {  	_ =	strace $0x90000062  }
0x8f: {  	_ =	sfence.sel $0x180000  }
0x90: {  	[bflag:$0x0] =	sbarrier.arrive $0xFFFF  }
0x91: {  	p0 =	sne.s32 s2, $0x0;
	_ =	strace $0x9000005B  }
0x92: {  	s0 =	sadd.s32 @!p0 $0x100000, s0;
	[bflag:$0x2] =	sbarrier.arrive $0xFFFF  }
0x93: {  	[sflag:s0] =	ssyncadd.tile.s32 @!p0 $0x1;
	_ =	shalt  }
.Lfunc_end2:
_tile_overlayer_lowered:
.L_overlay_start_2:
0x94: {  	(tag) =	ssettag $0x2  }
0x95: {  	s0 =	rddreg [dreg:$0x0];
	s2 =	stileid.u32  }
0x96: {  	s1 =	rddreg [dreg:$0x1];
	p0 =	sne.s32 s2, $0x0  }
0x97: {  	s3 =	rddreg [dreg:$0x2];
	[bflag:$0x3] =	sbarrier.arrive $0xFFFF;
	s2 =	simm.s32 @!p0 $0x1C01  }
0x98: {  	[timem:s3], [sflag:s2] =	dma.local @!p0 [hbm:s0], s1  }
0x99: {  	s0 =	simm.s32 @!p0 $0x1  }
0x9a: {  	_ =	swait.ge @!p0 [sflag:s0], s1  }
0x9b: {  	s1 =	ssub.s32 @!p0 $0x0, s1;
	[sflag:s0] =	ssyncset.done @!p0 $0x0  }
0x9c: {  	[sflag:s0] =	ssyncadd.s32 @!p0 s1  }
0x9d: {  	[bflag:$0x3] =	sbarrier.arrive $0xFFFF  }
0x9e: {  	_ =	shalt  }

</sc_bundles>
